<compile_context>
chip_gen: v7x
topology: tpu7x:2x2x1
jax: 0.10.2.dev20260603
libtpu: 0.0.44.dev20260713+nightly
codegen_flags: <defaults>
</compile_context>

<pallas_src>
import functools

import numpy as np

import jax
import jax.numpy as jnp
from jax import lax
from jax.experimental import pallas as pl
from jax.experimental.pallas import tpu as pltpu
from jax.experimental.pallas import tpu_sc as plsc

_N = 10000
_E = 320000
_D = 128

_NC = 2
_NS = 16
_NW = _NC * _NS

_W = 128
_EPW = _E // _NW
_NWIN = 80
_EPWP = _NWIN * _W
_NPAIR = _NWIN // 2
_PAD = _EPWP - _EPW

_NPAD = 10240
_RPT = _NPAD // _NS
_ZROWS = 128
_CHUNK = _NPAD // _NS



def _deg_body(src4, dst4, deg_hbm, sidx_all, didx_all, ones_v, zeros_v,
              dsrc_sh, ddst_sh, sem):
    c = lax.axis_index("c")
    s = lax.axis_index("s")
    wid = c * _NS + s

    def fill_ones(i, _):
        ones_v[pl.ds(i * 16, 16)] = jnp.ones((16,), jnp.float32)
        return 0

    lax.fori_loop(0, _W // 16, fill_ones, 0)

    def fill_zeros(i, _):
        zeros_v[pl.ds(i * 16, 16)] = jnp.zeros((16,), jnp.float32)
        return 0

    lax.fori_loop(0, _CHUNK // 16, fill_zeros, 0)

    pltpu.sync_copy(zeros_v, dsrc_sh.at[pl.ds(s * _CHUNK, _CHUNK)])
    pltpu.sync_copy(zeros_v, ddst_sh.at[pl.ds(s * _CHUNK, _CHUNK)])
    pltpu.sync_copy(src4.at[wid], sidx_all)
    pltpu.sync_copy(dst4.at[wid], didx_all)
    plsc.subcore_barrier()

    def blk(j, _):
        for k in range(8):
            w = j * 8 + k
            pltpu.async_copy(ones_v, dsrc_sh.at[sidx_all.at[w]], sem,
                             add=True)
            pltpu.async_copy(ones_v, ddst_sh.at[didx_all.at[w]], sem,
                             add=True)
        for _k in range(16):
            pltpu.make_async_copy(ones_v, dsrc_sh.at[sidx_all.at[0]],
                                  sem).wait()
        return 0

    lax.fori_loop(0, _NWIN // 8, blk, 0)
    plsc.subcore_barrier()

    base = c * 2 * _NPAD
    pltpu.sync_copy(dsrc_sh.at[pl.ds(s * _CHUNK, _CHUNK)],
                    deg_hbm.at[pl.ds(base + s * _CHUNK, _CHUNK)])
    pltpu.sync_copy(ddst_sh.at[pl.ds(s * _CHUNK, _CHUNK)],
                    deg_hbm.at[pl.ds(base + _NPAD + s * _CHUNK, _CHUNK)])


def _spmm_body(h_hbm, src4, dst4, out_hbm,
               sidx_all, didx0, didx1, rows0, rows1, acc_sh,
               gsem0, gsem1, ssem0, ssem1):
    c = lax.axis_index("c")
    s = lax.axis_index("s")
    wid = c * _NS + s

    nchunks = _D // 16

    def fill_zeros(i, _):
        r = i // nchunks
        col = (i % nchunks) * 16
        rows0[r, pl.ds(col, 16)] = jnp.zeros((16,), jnp.float32)
        return 0

    lax.fori_loop(0, _W * nchunks, fill_zeros, 0)

    def zero_chunk(j, _):
        pltpu.sync_copy(rows0, acc_sh.at[pl.ds(s * _RPT + j * _W, _W)])
        return 0

    lax.fori_loop(0, _RPT // _W, zero_chunk, 0)

    pltpu.sync_copy(src4.at[wid], sidx_all)
    pltpu.sync_copy(dst4.at[wid, 0], didx0)
    pltpu.sync_copy(dst4.at[wid, 1], didx1)
    plsc.subcore_barrier()

    pltpu.async_copy(h_hbm.at[sidx_all.at[0]], rows0, gsem0)
    pltpu.async_copy(h_hbm.at[sidx_all.at[1]], rows1, gsem1)

    def pair(j, _):
        a = 2 * j
        b = a + 1
        pltpu.make_async_copy(h_hbm.at[sidx_all.at[a]], rows0, gsem0).wait()
        pltpu.async_copy(rows0, acc_sh.at[didx0], ssem0, add=True)
        pltpu.make_async_copy(h_hbm.at[sidx_all.at[b]], rows1, gsem1).wait()
        pltpu.async_copy(rows1, acc_sh.at[didx1], ssem1, add=True)

        @pl.when(j < _NPAIR - 1)
        def _():
            pltpu.make_async_copy(rows0, acc_sh.at[didx0], ssem0).wait()
            pltpu.async_copy(h_hbm.at[sidx_all.at[a + 2]], rows0, gsem0)
            pltpu.sync_copy(dst4.at[wid, a + 2], didx0)
            pltpu.make_async_copy(rows1, acc_sh.at[didx1], ssem1).wait()
            pltpu.async_copy(h_hbm.at[sidx_all.at[b + 2]], rows1, gsem1)
            pltpu.sync_copy(dst4.at[wid, b + 2], didx1)

        return 0

    lax.fori_loop(0, _NPAIR, pair, 0)
    pltpu.make_async_copy(rows0, acc_sh.at[didx0], ssem0).wait()
    pltpu.make_async_copy(rows1, acc_sh.at[didx1], ssem1).wait()
    plsc.subcore_barrier()
    pltpu.sync_copy(acc_sh.at[pl.ds(s * _RPT, _RPT)],
                    out_hbm.at[c, pl.ds(s * _RPT, _RPT)])


@functools.cache
def _sc_kernels():
    mesh = plsc.VectorSubcoreMesh(core_axis_name="c", subcore_axis_name="s",
                                  num_cores=_NC, num_subcores=_NS)
    deg_kernel = pl.kernel(
        _deg_body,
        out_type=jax.ShapeDtypeStruct((4 * _NPAD,), jnp.float32),
        mesh=mesh,
        scratch_types=[
            pltpu.VMEM((_NWIN, _W), jnp.int32),
            pltpu.VMEM((_NWIN, _W), jnp.int32),
            pltpu.VMEM((_W,), jnp.float32),
            pltpu.VMEM((_CHUNK,), jnp.float32),
            pltpu.VMEM_SHARED((_NPAD,), jnp.float32),
            pltpu.VMEM_SHARED((_NPAD,), jnp.float32),
            pltpu.SemaphoreType.DMA,
        ],
    )
    spmm_kernel = pl.kernel(
        _spmm_body,
        out_type=jax.ShapeDtypeStruct((_NC, _NPAD, _D), jnp.float32),
        mesh=mesh,
        scratch_types=[
            pltpu.VMEM((_NWIN, _W), jnp.int32),
            pltpu.VMEM((_W,), jnp.int32),
            pltpu.VMEM((_W,), jnp.int32),
            pltpu.VMEM((_W, _D), jnp.float32),
            pltpu.VMEM((_W, _D), jnp.float32),
            pltpu.VMEM_SHARED((_NPAD, _D), jnp.float32),
            pltpu.SemaphoreType.DMA,
            pltpu.SemaphoreType.DMA,
            pltpu.SemaphoreType.DMA,
            pltpu.SemaphoreType.DMA,
        ],
    )
    return deg_kernel, spmm_kernel



_BR = 1024
_NB = -(-_N // _BR)


_PADC = np.zeros(_NPAD, np.float32)
for _wid in range(_NW):
    for _j in range(_PAD):
        _PADC[(_wid * 331 + _j * 97) % _N] += 1.0


def _dout(deg_ref, padc_ref, i):
    d = (deg_ref[pl.ds(i * _BR, _BR)]
         + deg_ref[pl.ds(2 * _NPAD + i * _BR, _BR)]
         - padc_ref[pl.ds(i * _BR, _BR)])
    return lax.rsqrt(jnp.maximum(d, 1.0))


def _din(deg_ref, i):
    d = (deg_ref[pl.ds(_NPAD + i * _BR, _BR)]
         + deg_ref[pl.ds(3 * _NPAD + i * _BR, _BR)])
    return lax.rsqrt(jnp.maximum(d, 1.0))


def _mm_body(x_ref, w_ref, o_ref):
    o_ref[...] = jnp.dot(x_ref[...], w_ref[...],
                         preferred_element_type=jnp.float32)


_tc_mm = pl.pallas_call(
    _mm_body,
    grid=(_NB,),
    in_specs=[
        pl.BlockSpec((_BR, _D), lambda i: (i, 0)),
        pl.BlockSpec((_D, _D), lambda i: (0, 0)),
    ],
    out_specs=pl.BlockSpec((_BR, _D), lambda i: (i, 0)),
    out_shape=jax.ShapeDtypeStruct((_N, _D), jnp.float32),
)


def _scale_body(deg_ref, padc_ref, x_ref, o_ref):
    i = pl.program_id(0)
    o_ref[...] = x_ref[...] * _dout(deg_ref, padc_ref, i)[:, None]


_tc_scale = pl.pallas_call(
    _scale_body,
    grid=(_NB,),
    in_specs=[
        pl.BlockSpec((4 * _NPAD,), lambda i: (0,)),
        pl.BlockSpec((_NPAD,), lambda i: (0,)),
        pl.BlockSpec((_BR, _D), lambda i: (i, 0)),
    ],
    out_specs=pl.BlockSpec((_BR, _D), lambda i: (i, 0)),
    out_shape=jax.ShapeDtypeStruct((_N, _D), jnp.float32),
)


def _mid_body(a0_ref, a1_ref, deg_ref, padc_ref, b1_ref, w2_ref, o_ref):
    i = pl.program_id(0)
    agg = ((a0_ref[0] + a1_ref[0]) * _din(deg_ref, i)[:, None]
           + b1_ref[...][None, :])
    y = jnp.maximum(agg, 0.0)
    o_ref[...] = jnp.dot(y * _dout(deg_ref, padc_ref, i)[:, None], w2_ref[...],
                         preferred_element_type=jnp.float32)


_tc_mid = pl.pallas_call(
    _mid_body,
    grid=(_NB,),
    in_specs=[
        pl.BlockSpec((1, _BR, _D), lambda i: (0, i, 0)),
        pl.BlockSpec((1, _BR, _D), lambda i: (1, i, 0)),
        pl.BlockSpec((4 * _NPAD,), lambda i: (0,)),
        pl.BlockSpec((_NPAD,), lambda i: (0,)),
        pl.BlockSpec((_D,), lambda i: (0,)),
        pl.BlockSpec((_D, _D), lambda i: (0, 0)),
    ],
    out_specs=pl.BlockSpec((_BR, _D), lambda i: (i, 0)),
    out_shape=jax.ShapeDtypeStruct((_N, _D), jnp.float32),
)


def _fin_body(a0_ref, a1_ref, deg_ref, b2_ref, o_ref):
    i = pl.program_id(0)
    o_ref[...] = ((a0_ref[0] + a1_ref[0]) * _din(deg_ref, i)[:, None]
                  + b2_ref[...][None, :])


_tc_fin = pl.pallas_call(
    _fin_body,
    grid=(_NB,),
    in_specs=[
        pl.BlockSpec((1, _BR, _D), lambda i: (0, i, 0)),
        pl.BlockSpec((1, _BR, _D), lambda i: (1, i, 0)),
        pl.BlockSpec((4 * _NPAD,), lambda i: (0,)),
        pl.BlockSpec((_D,), lambda i: (0,)),
    ],
    out_specs=pl.BlockSpec((_BR, _D), lambda i: (i, 0)),
    out_shape=jax.ShapeDtypeStruct((_N, _D), jnp.float32),
)



def kernel(features, edge_index, W1, b1, W2, b2):
    src = edge_index[0]
    dst = edge_index[1]
    _deg_kernel, _spmm_kernel = _sc_kernels()

    srcw = src.reshape(_NW, _EPW)
    dstw = dst.reshape(_NW, _EPW)
    pad_src = jnp.asarray(
        (np.arange(_NW, dtype=np.int64)[:, None] * 331
         + np.arange(_PAD, dtype=np.int64)[None, :] * 97) % _N, jnp.int32)
    pad_dst = jnp.asarray(
        _N + (np.arange(_NW, dtype=np.int64)[:, None] * 7
              + np.arange(_PAD, dtype=np.int64)[None, :]) % (_NPAD - _N),
        jnp.int32)
    src4 = jnp.concatenate([srcw, pad_src], 1).reshape(_NW, _NWIN, _W)
    dst4 = jnp.concatenate([dstw, pad_dst], 1).reshape(_NW, _NWIN, _W)
    padc = jnp.asarray(_PADC)

    degp = _deg_kernel(src4, dst4)

    xw1 = _tc_mm(features, W1)
    z1 = _tc_scale(degp, padc, xw1)
    a1 = _spmm_kernel(z1, src4, dst4)
    z2 = _tc_mid(a1, a1, degp, padc, b1, W2)
    a2 = _spmm_kernel(z2, src4, dst4)
    return _tc_fin(a2, a2, degp, b2)

# --- scband reference (transcript-rebuilt; emitter-appended) ---
"""Pipeline reference for scband-component-gnn-26594437497581 (READ-ONLY COPY).

The authoritative reference and input builder live on the scoring server;
editing this copy changes nothing except your own understanding.
"""

import jax, jax.numpy as jnp
import numpy as np

N = 10000
E = 320000
D = 128
H = 128


def setup_inputs(seed: int = 0) -> dict:
    key = jax.random.key(seed)
    k1, k2, k3, k4 = jax.random.split(key, 4)
    features = jax.random.normal(k1, (N, D), dtype=jnp.float32)
    edge_index = jax.random.randint(k2, (2, E), 0, N, dtype=jnp.int32)
    # Learned params for two DGL-style GraphConv layers (norm='both', weight=True, bias=True)
    W1 = jax.random.normal(k3, (D, H), dtype=jnp.float32) * 0.05
    b1 = jnp.zeros((H,), dtype=jnp.float32)
    W2 = jax.random.normal(k4, (H, H), dtype=jnp.float32) * 0.05
    b2 = jnp.zeros((H,), dtype=jnp.float32)
    return {"features": features, "edge_index": edge_index, "W1": W1, "b1": b1, "W2": W2, "b2": b2}


def _graph_conv(feat, src, dst, W, b):
    # Faithful DGL GraphConv with norm='both', allow_zero_in_degree=True:
    #   h = D_in^{-1/2} * A^T * (D_out^{-1/2} * feat) ; out = h @ W + b
    n = feat.shape[0]
    deg_out = jnp.clip(jnp.bincount(src, length=n), 1).astype(feat.dtype)
    deg_in = jnp.clip(jnp.bincount(dst, length=n), 1).astype(feat.dtype)
    h = feat * (deg_out ** -0.5)[:, None]
    msg = jnp.take(h, src, axis=0)                       # gather over edges
    agg = jax.ops.segment_sum(msg, dst, num_segments=n)  # scatter-add to dst nodes
    agg = agg * (deg_in ** -0.5)[:, None]
    return agg @ W + b


def reference(features, edge_index, W1, b1, W2, b2):
    src = edge_index[0]
    dst = edge_index[1]
    x = jax.nn.relu(_graph_conv(features, src, dst, W1, b1))
    x = _graph_conv(x, src, dst, W2, b2)
    return x

if __name__ == "__main__":
    import jax
    _d = setup_inputs()
    print(jax.jit(kernel)(*tuple(_d.values())))

</pallas_src>

<mosaic_0001>
#map = affine_map<(d0, d1) -> (0, 0)>
#map1 = affine_map<(d0, d1) -> (0, 0, 0)>
module attributes {stable_mosaic.version = 14 : i64} {
  func.func @_spmm_body(%arg0: i32, %arg1: i32, %arg2: memref<10000x128xf32, #tpu.memory_space<hbm>>, %arg3: memref<32x80x128xi32, #tpu.memory_space<hbm>>, %arg4: memref<32x80x128xi32, #tpu.memory_space<hbm>>, %arg5: memref<2x10240x128xf32, #tpu.memory_space<hbm>>, %arg6: memref<80x128xi32, #tpu.memory_space<vmem>>, %arg7: memref<128xi32, #tpu.memory_space<vmem>>, %arg8: memref<128xi32, #tpu.memory_space<vmem>>, %arg9: memref<128x128xf32, #tpu.memory_space<vmem>>, %arg10: memref<128x128xf32, #tpu.memory_space<vmem>>, %arg11: memref<10240x128xf32, #tpu.memory_space<vmem_shared>>, %arg12: memref<!tpu.dma_semaphore, #tpu.memory_space<semaphore_mem>>, %arg13: memref<!tpu.dma_semaphore, #tpu.memory_space<semaphore_mem>>, %arg14: memref<!tpu.dma_semaphore, #tpu.memory_space<semaphore_mem>>, %arg15: memref<!tpu.dma_semaphore, #tpu.memory_space<semaphore_mem>>) attributes {dimension_semantics = [#tpu.dimension_semantics<core_parallel>, #tpu.dimension_semantics<subcore_parallel>], iteration_bounds = array<i64: 2, 16>, scalar_prefetch = 0 : i64, scratch_operands = 10 : i64, tpu.core_type = #tpu.core_type<sc_vector_subcore>, window_params = [{transform_indices = #map}, {transform_indices = #map1}, {transform_indices = #map1}, {transform_indices = #map1}]} {
    %mul3A = arith.constant 16 : i32
    %mul3A_0 = arith.muli %arg0, %mul3A : i32
    %add3A = arith.addi %mul3A_0, %arg1 : i32
    %scan3A = arith.constant 0 : i32
    %scan3A_1 = arith.constant 0 : i32
    %scan3A_2 = arith.constant 1024 : i32
    %scan3A_3 = arith.addi %scan3A_1, %scan3A_2 : i32
    %scan3A_4 = arith.constant 1 : i32
    %scan3A_5 = scf.for %scan3A_45 = %scan3A_1 to %scan3A_3 step %scan3A_4 iter_args(%scan3A_46 = %scan3A) -> (i32)  : i32 {
      %jit3A = arith.constant 8 : i32
      %div3A = arith.divsi %scan3A_45, %jit3A : i32
      %sign3A = arith.constant 0 : i32
      %sign3A_47 = arith.cmpi sgt, %scan3A_45, %sign3A : i32
      %sign3A_48 = arith.extui %sign3A_47 : i1 to i32
      %sign3A_49 = arith.constant 0 : i32
      %sign3A_50 = arith.cmpi slt, %scan3A_45, %sign3A_49 : i32
      %sign3A_51 = arith.extui %sign3A_50 : i1 to i32
      %sign3A_52 = arith.subi %sign3A_48, %sign3A_51 : i32
      %sign3A_53 = arith.constant 0 : i32
      %sign3A_54 = arith.cmpi sgt, %jit3A, %sign3A_53 : i32
      %sign3A_55 = arith.extui %sign3A_54 : i1 to i32
      %sign3A_56 = arith.constant 0 : i32
      %sign3A_57 = arith.cmpi slt, %jit3A, %sign3A_56 : i32
      %sign3A_58 = arith.extui %sign3A_57 : i1 to i32
      %sign3A_59 = arith.subi %sign3A_55, %sign3A_58 : i32
      %ne3A = arith.cmpi ne, %sign3A_52, %sign3A_59 : i32
      %rem3A = arith.remsi %scan3A_45, %jit3A : i32
      %ne3A_60 = arith.constant 0 : i32
      %ne3A_61 = arith.cmpi ne, %rem3A, %ne3A_60 : i32
      %and3A = arith.andi %ne3A, %ne3A_61 : i1
      %sub3A = arith.constant 1 : i32
      %sub3A_62 = arith.subi %div3A, %sub3A : i32
      %select_n3A = arith.select %and3A, %sub3A_62, %div3A : i32
      %jit3A_63 = arith.constant 8 : i32
      %eq3A = arith.constant 0 : i32
      %eq3A_64 = arith.cmpi eq, %jit3A_63, %eq3A : i32
      %jit3A_65 = arith.constant 1 : i32
      %select_n3A_66 = arith.select %eq3A_64, %jit3A_65, %jit3A_63 : i32
      %rem3A_67 = arith.remsi %scan3A_45, %select_n3A_66 : i32
      %ne3A_68 = arith.constant 0 : i32
      %ne3A_69 = arith.cmpi ne, %rem3A_67, %ne3A_68 : i32
      %lt3A = arith.constant 0 : i32
      %lt3A_70 = arith.cmpi slt, %rem3A_67, %lt3A : i32
      %lt3A_71 = arith.constant 0 : i32
      %lt3A_72 = arith.cmpi slt, %select_n3A_66, %lt3A_71 : i32
      %ne3A_73 = arith.xori %lt3A_70, %lt3A_72 : i1
      %and3A_74 = arith.andi %ne3A_73, %ne3A_69 : i1
      %add3A_75 = arith.addi %rem3A_67, %select_n3A_66 : i32
      %select_n3A_76 = arith.select %and3A_74, %add3A_75, %rem3A_67 : i32
      %mul3A_77 = arith.constant 16 : i32
      %mul3A_78 = arith.muli %select_n3A_76, %mul3A_77 : i32
      %broadcast_in_dim3A = arith.constant 0.000000e+00 : f32
      %broadcast_in_dim3A_79 = vector.broadcast %broadcast_in_dim3A : f32 to vector<16xf32>
      %swap3A = arith.index_cast %select_n3A : i32 to index
      %swap3A_80 = arith.index_cast %mul3A_78 : i32 to index
      %swap3A_81 = tpu.vector_load %arg9[%swap3A, %swap3A_80] {strides = array<i32>} : memref<128x128xf32, #tpu.memory_space<vmem>>, vector<1x16xf32>,
      %swap3A_82 = vector.shape_cast %swap3A_81 : vector<1x16xf32> to vector<16xf32>
      %swap3A_83 = vector.shape_cast %broadcast_in_dim3A_79 : vector<16xf32> to vector<1x16xf32>
      tpu.vector_store %arg9[%swap3A, %swap3A_80], %swap3A_83 {strides = array<i32>} : memref<128x128xf32, #tpu.memory_space<vmem>>, vector<1x16xf32>,
      %scan3A_84 = arith.constant 0 : i32
      scf.yield %scan3A_84 : i32
    }
    %scan3A_6 = arith.constant 1024 : i32
    %scan3A_7 = arith.constant 0 : i32
    %scan3A_8 = arith.constant 0 : i32
    %scan3A_9 = arith.constant 5 : i32
    %scan3A_10 = arith.addi %scan3A_8, %scan3A_9 : i32
    %scan3A_11 = arith.constant 1 : i32
    %scan3A_12 = scf.for %scan3A_45 = %scan3A_8 to %scan3A_10 step %scan3A_11 iter_args(%scan3A_46 = %scan3A_7) -> (i32)  : i32 {
      %mul3A_47 = arith.constant 640 : i32
      %mul3A_48 = arith.muli %arg1, %mul3A_47 : i32
      %mul3A_49 = arith.constant 128 : i32
      %mul3A_50 = arith.muli %scan3A_45, %mul3A_49 : i32
      %add3A_51 = arith.addi %mul3A_48, %mul3A_50 : i32
      "tpu.region"() ({
        %run_scoped3A_53 = tpu.sem_alloc : memref<!tpu.dma_semaphore, #tpu.memory_space<semaphore_mem>>
        %dma_start3A_54 = arith.constant 0 : i32
        %dma_start3A_55 = tpu.memref_slice %arg11[%add3A_51, %dma_start3A_54] : memref<10240x128xf32, #tpu.memory_space<vmem_shared>> -> memref<128x128xf32, #tpu.memory_space<vmem_shared>>
        %dma_start3A_56 = arith.constant 0 : i32
        %dma_start3A_57 = tpu.memref_slice %arg11[%add3A_51, %dma_start3A_56] : memref<10240x128xf32, #tpu.memory_space<vmem_shared>> -> memref<128x128xf32, #tpu.memory_space<vmem_shared>>
        tpu.enqueue_dma source(%arg9 : memref<128x128xf32, #tpu.memory_space<vmem>>) target(%dma_start3A_57 : memref<128x128xf32, #tpu.memory_space<vmem_shared>>) target_semaphore(%run_scoped3A_53 : memref<!tpu.dma_semaphore, #tpu.memory_space<semaphore_mem>>)
        %dma_wait3A_58 = arith.constant 0 : i32
        %dma_wait3A_59 = tpu.memref_slice %arg11[%add3A_51, %dma_wait3A_58] : memref<10240x128xf32, #tpu.memory_space<vmem_shared>> -> memref<128x128xf32, #tpu.memory_space<vmem_shared>>
        %dma_wait3A_60 = arith.constant 0 : i32
        %dma_wait3A_61 = tpu.memref_slice %arg11[%add3A_51, %dma_wait3A_60] : memref<10240x128xf32, #tpu.memory_space<vmem_shared>> -> memref<128x128xf32, #tpu.memory_space<vmem_shared>>
        tpu.wait_dma2 semaphore(%run_scoped3A_53 : memref<!tpu.dma_semaphore, #tpu.memory_space<semaphore_mem>>) src(%arg9 : memref<128x128xf32, #tpu.memory_space<vmem>>) dst(%dma_wait3A_61 : memref<128x128xf32, #tpu.memory_space<vmem_shared>>)
        tpu.yield
      }) : () -> ()
      %scan3A_52 = arith.constant 0 : i32
      scf.yield %scan3A_52 : i32
    }
    %scan3A_13 = arith.constant 5 : i32
    "tpu.region"() ({
      %run_scoped3A_45 = tpu.sem_alloc : memref<!tpu.dma_semaphore, #tpu.memory_space<semaphore_mem>>
      %dma_start3A_46 = arith.constant 0 : i32
      %dma_start3A_47 = arith.constant 0 : i32
      %dma_start3A_48 = tpu.memref_slice %arg3[%add3A, %dma_start3A_46, %dma_start3A_47] : memref<32x80x128xi32, #tpu.memory_space<hbm>> -> memref<1x80x128xi32, #tpu.memory_space<hbm>>
      %dma_start3A_49 = tpu.memref_squeeze %dma_start3A_48 : memref<1x80x128xi32, #tpu.memory_space<hbm>> -> memref<80x128xi32, #tpu.memory_space<hbm>>
      %dma_start3A_50 = arith.constant 0 : i32
      %dma_start3A_51 = arith.constant 0 : i32
      %dma_start3A_52 = tpu.memref_slice %arg3[%add3A, %dma_start3A_50, %dma_start3A_51] : memref<32x80x128xi32, #tpu.memory_space<hbm>> -> memref<1x80x128xi32, #tpu.memory_space<hbm>>
      %dma_start3A_53 = tpu.memref_squeeze %dma_start3A_52 : memref<1x80x128xi32, #tpu.memory_space<hbm>> -> memref<80x128xi32, #tpu.memory_space<hbm>>
      tpu.enqueue_dma source(%dma_start3A_53 : memref<80x128xi32, #tpu.memory_space<hbm>>) target(%arg6 : memref<80x128xi32, #tpu.memory_space<vmem>>) target_semaphore(%run_scoped3A_45 : memref<!tpu.dma_semaphore, #tpu.memory_space<semaphore_mem>>)
      %dma_wait3A_54 = arith.constant 0 : i32
      %dma_wait3A_55 = arith.constant 0 : i32
      %dma_wait3A_56 = tpu.memref_slice %arg3[%add3A, %dma_wait3A_54, %dma_wait3A_55] : memref<32x80x128xi32, #tpu.memory_space<hbm>> -> memref<1x80x128xi32, #tpu.memory_space<hbm>>
      %dma_wait3A_57 = tpu.memref_squeeze %dma_wait3A_56 : memref<1x80x128xi32, #tpu.memory_space<hbm>> -> memref<80x128xi32, #tpu.memory_space<hbm>>
      %dma_wait3A_58 = arith.constant 0 : i32
      %dma_wait3A_59 = arith.constant 0 : i32
      %dma_wait3A_60 = tpu.memref_slice %arg3[%add3A, %dma_wait3A_58, %dma_wait3A_59] : memref<32x80x128xi32, #tpu.memory_space<hbm>> -> memref<1x80x128xi32, #tpu.memory_space<hbm>>
      %dma_wait3A_61 = tpu.memref_squeeze %dma_wait3A_60 : memref<1x80x128xi32, #tpu.memory_space<hbm>> -> memref<80x128xi32, #tpu.memory_space<hbm>>
      tpu.wait_dma2 semaphore(%run_scoped3A_45 : memref<!tpu.dma_semaphore, #tpu.memory_space<semaphore_mem>>) src(%dma_wait3A_61 : memref<80x128xi32, #tpu.memory_space<hbm>>) dst(%arg6 : memref<80x128xi32, #tpu.memory_space<vmem>>)
      tpu.yield
    }) : () -> ()
    %run_scoped3A = arith.constant 0 : i32
    "tpu.region"() ({
      %run_scoped3A_45 = tpu.sem_alloc : memref<!tpu.dma_semaphore, #tpu.memory_space<semaphore_mem>>
      %dma_start3A_46 = arith.constant 0 : i32
      %dma_start3A_47 = tpu.memref_slice %arg4[%add3A, %run_scoped3A, %dma_start3A_46] : memref<32x80x128xi32, #tpu.memory_space<hbm>> -> memref<1x1x128xi32, #tpu.memory_space<hbm>>
      %dma_start3A_48 = tpu.memref_squeeze %dma_start3A_47 : memref<1x1x128xi32, #tpu.memory_space<hbm>> -> memref<128xi32, #tpu.memory_space<hbm>>
      %dma_start3A_49 = arith.constant 0 : i32
      %dma_start3A_50 = tpu.memref_slice %arg4[%add3A, %run_scoped3A, %dma_start3A_49] : memref<32x80x128xi32, #tpu.memory_space<hbm>> -> memref<1x1x128xi32, #tpu.memory_space<hbm>>
      %dma_start3A_51 = tpu.memref_squeeze %dma_start3A_50 : memref<1x1x128xi32, #tpu.memory_space<hbm>> -> memref<128xi32, #tpu.memory_space<hbm>>
      tpu.enqueue_dma source(%dma_start3A_51 : memref<128xi32, #tpu.memory_space<hbm>>) target(%arg7 : memref<128xi32, #tpu.memory_space<vmem>>) target_semaphore(%run_scoped3A_45 : memref<!tpu.dma_semaphore, #tpu.memory_space<semaphore_mem>>)
      %dma_wait3A_52 = arith.constant 0 : i32
      %dma_wait3A_53 = tpu.memref_slice %arg4[%add3A, %run_scoped3A, %dma_wait3A_52] : memref<32x80x128xi32, #tpu.memory_space<hbm>> -> memref<1x1x128xi32, #tpu.memory_space<hbm>>
      %dma_wait3A_54 = tpu.memref_squeeze %dma_wait3A_53 : memref<1x1x128xi32, #tpu.memory_space<hbm>> -> memref<128xi32, #tpu.memory_space<hbm>>
      %dma_wait3A_55 = arith.constant 0 : i32
      %dma_wait3A_56 = tpu.memref_slice %arg4[%add3A, %run_scoped3A, %dma_wait3A_55] : memref<32x80x128xi32, #tpu.memory_space<hbm>> -> memref<1x1x128xi32, #tpu.memory_space<hbm>>
      %dma_wait3A_57 = tpu.memref_squeeze %dma_wait3A_56 : memref<1x1x128xi32, #tpu.memory_space<hbm>> -> memref<128xi32, #tpu.memory_space<hbm>>
      tpu.wait_dma2 semaphore(%run_scoped3A_45 : memref<!tpu.dma_semaphore, #tpu.memory_space<semaphore_mem>>) src(%dma_wait3A_57 : memref<128xi32, #tpu.memory_space<hbm>>) dst(%arg7 : memref<128xi32, #tpu.memory_space<vmem>>)
      tpu.yield
    }) : () -> ()
    %run_scoped3A_14 = arith.constant 1 : i32
    "tpu.region"() ({
      %run_scoped3A_45 = tpu.sem_alloc : memref<!tpu.dma_semaphore, #tpu.memory_space<semaphore_mem>>
      %dma_start3A_46 = arith.constant 0 : i32
      %dma_start3A_47 = tpu.memref_slice %arg4[%add3A, %run_scoped3A_14, %dma_start3A_46] : memref<32x80x128xi32, #tpu.memory_space<hbm>> -> memref<1x1x128xi32, #tpu.memory_space<hbm>>
      %dma_start3A_48 = tpu.memref_squeeze %dma_start3A_47 : memref<1x1x128xi32, #tpu.memory_space<hbm>> -> memref<128xi32, #tpu.memory_space<hbm>>
      %dma_start3A_49 = arith.constant 0 : i32
      %dma_start3A_50 = tpu.memref_slice %arg4[%add3A, %run_scoped3A_14, %dma_start3A_49] : memref<32x80x128xi32, #tpu.memory_space<hbm>> -> memref<1x1x128xi32, #tpu.memory_space<hbm>>
      %dma_start3A_51 = tpu.memref_squeeze %dma_start3A_50 : memref<1x1x128xi32, #tpu.memory_space<hbm>> -> memref<128xi32, #tpu.memory_space<hbm>>
      tpu.enqueue_dma source(%dma_start3A_51 : memref<128xi32, #tpu.memory_space<hbm>>) target(%arg8 : memref<128xi32, #tpu.memory_space<vmem>>) target_semaphore(%run_scoped3A_45 : memref<!tpu.dma_semaphore, #tpu.memory_space<semaphore_mem>>)
      %dma_wait3A_52 = arith.constant 0 : i32
      %dma_wait3A_53 = tpu.memref_slice %arg4[%add3A, %run_scoped3A_14, %dma_wait3A_52] : memref<32x80x128xi32, #tpu.memory_space<hbm>> -> memref<1x1x128xi32, #tpu.memory_space<hbm>>
      %dma_wait3A_54 = tpu.memref_squeeze %dma_wait3A_53 : memref<1x1x128xi32, #tpu.memory_space<hbm>> -> memref<128xi32, #tpu.memory_space<hbm>>
      %dma_wait3A_55 = arith.constant 0 : i32
      %dma_wait3A_56 = tpu.memref_slice %arg4[%add3A, %run_scoped3A_14, %dma_wait3A_55] : memref<32x80x128xi32, #tpu.memory_space<hbm>> -> memref<1x1x128xi32, #tpu.memory_space<hbm>>
      %dma_wait3A_57 = tpu.memref_squeeze %dma_wait3A_56 : memref<1x1x128xi32, #tpu.memory_space<hbm>> -> memref<128xi32, #tpu.memory_space<hbm>>
      tpu.wait_dma2 semaphore(%run_scoped3A_45 : memref<!tpu.dma_semaphore, #tpu.memory_space<semaphore_mem>>) src(%dma_wait3A_57 : memref<128xi32, #tpu.memory_space<hbm>>) dst(%arg8 : memref<128xi32, #tpu.memory_space<vmem>>)
      tpu.yield
    }) : () -> ()
    %barrier3A = arith.constant 0 : index
    tpu.barrier barrier_id(%barrier3A)
    %dma_start3A = arith.constant 0 : i32
    %dma_start3A_15 = arith.constant 0 : i32
    %dma_start3A_16 = tpu.memref_slice %arg6[%dma_start3A, %dma_start3A_15] : memref<80x128xi32, #tpu.memory_space<vmem>> -> memref<1x128xi32, #tpu.memory_space<vmem>>
    %dma_start3A_17 = tpu.memref_squeeze %dma_start3A_16 : memref<1x128xi32, #tpu.memory_space<vmem>> -> memref<128xi32, #tpu.memory_space<vmem>>
    %dma_start3A_18 = arith.constant 0 : i32
    %dma_start3A_19 = arith.constant 0 : i32
    %dma_start3A_20 = tpu.memref_slice %arg2[%dma_start3A_18, %dma_start3A_19] : memref<10000x128xf32, #tpu.memory_space<hbm>> -> memref<10000x128xf32, #tpu.memory_space<hbm>>
    tpu.enqueue_indirect_dma source(%dma_start3A_20 : memref<10000x128xf32, #tpu.memory_space<hbm>>) target(%arg9 : memref<128x128xf32, #tpu.memory_space<vmem>>) offsets(%dma_start3A_17 : memref<128xi32, #tpu.memory_space<vmem>>) semaphore(%arg12 : memref<!tpu.dma_semaphore, #tpu.memory_space<semaphore_mem>>)
    %dma_start3A_21 = arith.constant 1 : i32
    %dma_start3A_22 = arith.constant 0 : i32
    %dma_start3A_23 = tpu.memref_slice %arg6[%dma_start3A_21, %dma_start3A_22] : memref<80x128xi32, #tpu.memory_space<vmem>> -> memref<1x128xi32, #tpu.memory_space<vmem>>
    %dma_start3A_24 = tpu.memref_squeeze %dma_start3A_23 : memref<1x128xi32, #tpu.memory_space<vmem>> -> memref<128xi32, #tpu.memory_space<vmem>>
    %dma_start3A_25 = arith.constant 0 : i32
    %dma_start3A_26 = arith.constant 0 : i32
    %dma_start3A_27 = tpu.memref_slice %arg2[%dma_start3A_25, %dma_start3A_26] : memref<10000x128xf32, #tpu.memory_space<hbm>> -> memref<10000x128xf32, #tpu.memory_space<hbm>>
    tpu.enqueue_indirect_dma source(%dma_start3A_27 : memref<10000x128xf32, #tpu.memory_space<hbm>>) target(%arg10 : memref<128x128xf32, #tpu.memory_space<vmem>>) offsets(%dma_start3A_24 : memref<128xi32, #tpu.memory_space<vmem>>) semaphore(%arg13 : memref<!tpu.dma_semaphore, #tpu.memory_space<semaphore_mem>>)
    %scan3A_28 = arith.constant 0 : i32
    %scan3A_29 = arith.constant 0 : i32
    %scan3A_30 = arith.constant 40 : i32
    %scan3A_31 = arith.addi %scan3A_29, %scan3A_30 : i32
    %scan3A_32 = arith.constant 1 : i32
    %scan3A_33 = scf.for %scan3A_45 = %scan3A_29 to %scan3A_31 step %scan3A_32 iter_args(%scan3A_46 = %scan3A_28) -> (i32)  : i32 {
      %mul3A_47 = arith.constant 2 : i32
      %mul3A_48 = arith.muli %mul3A_47, %scan3A_45 : i32
      %add3A_49 = arith.constant 1 : i32
      %add3A_50 = arith.addi %mul3A_48, %add3A_49 : i32
      %dma_wait3A_51 = arith.constant 0 : i32
      %dma_wait3A_52 = tpu.memref_slice %arg6[%mul3A_48, %dma_wait3A_51] : memref<80x128xi32, #tpu.memory_space<vmem>> -> memref<1x128xi32, #tpu.memory_space<vmem>>
      %dma_wait3A_53 = tpu.memref_squeeze %dma_wait3A_52 : memref<1x128xi32, #tpu.memory_space<vmem>> -> memref<128xi32, #tpu.memory_space<vmem>>
      %dma_wait3A_54 = arith.constant 0 : i32
      %dma_wait3A_55 = arith.constant 0 : i32
      %dma_wait3A_56 = tpu.memref_slice %arg2[%dma_wait3A_54, %dma_wait3A_55] : memref<10000x128xf32, #tpu.memory_space<hbm>> -> memref<10000x128xf32, #tpu.memory_space<hbm>>
      tpu.wait_indirect_dma semaphore(%arg12 : memref<!tpu.dma_semaphore, #tpu.memory_space<semaphore_mem>>) src(%dma_wait3A_56 : memref<10000x128xf32, #tpu.memory_space<hbm>>) dst(%arg9 : memref<128x128xf32, #tpu.memory_space<vmem>>)
      %dma_start3A_57 = arith.constant 0 : i32
      %dma_start3A_58 = arith.constant 0 : i32
      %dma_start3A_59 = tpu.memref_slice %arg11[%dma_start3A_57, %dma_start3A_58] : memref<10240x128xf32, #tpu.memory_space<vmem_shared>> -> memref<10240x128xf32, #tpu.memory_space<vmem_shared>>
      tpu.enqueue_indirect_dma source(%arg9 : memref<128x128xf32, #tpu.memory_space<vmem>>) target(%dma_start3A_59 : memref<10240x128xf32, #tpu.memory_space<vmem_shared>>) offsets(%arg7 : memref<128xi32, #tpu.memory_space<vmem>>) semaphore(%arg14 : memref<!tpu.dma_semaphore, #tpu.memory_space<semaphore_mem>>) {add = true}
      %dma_wait3A_60 = arith.constant 0 : i32
      %dma_wait3A_61 = tpu.memref_slice %arg6[%add3A_50, %dma_wait3A_60] : memref<80x128xi32, #tpu.memory_space<vmem>> -> memref<1x128xi32, #tpu.memory_space<vmem>>
      %dma_wait3A_62 = tpu.memref_squeeze %dma_wait3A_61 : memref<1x128xi32, #tpu.memory_space<vmem>> -> memref<128xi32, #tpu.memory_space<vmem>>
      %dma_wait3A_63 = arith.constant 0 : i32
      %dma_wait3A_64 = arith.constant 0 : i32
      %dma_wait3A_65 = tpu.memref_slice %arg2[%dma_wait3A_63, %dma_wait3A_64] : memref<10000x128xf32, #tpu.memory_space<hbm>> -> memref<10000x128xf32, #tpu.memory_space<hbm>>
      tpu.wait_indirect_dma semaphore(%arg13 : memref<!tpu.dma_semaphore, #tpu.memory_space<semaphore_mem>>) src(%dma_wait3A_65 : memref<10000x128xf32, #tpu.memory_space<hbm>>) dst(%arg10 : memref<128x128xf32, #tpu.memory_space<vmem>>)
      %dma_start3A_66 = arith.constant 0 : i32
      %dma_start3A_67 = arith.constant 0 : i32
      %dma_start3A_68 = tpu.memref_slice %arg11[%dma_start3A_66, %dma_start3A_67] : memref<10240x128xf32, #tpu.memory_space<vmem_shared>> -> memref<10240x128xf32, #tpu.memory_space<vmem_shared>>
      tpu.enqueue_indirect_dma source(%arg10 : memref<128x128xf32, #tpu.memory_space<vmem>>) target(%dma_start3A_68 : memref<10240x128xf32, #tpu.memory_space<vmem_shared>>) offsets(%arg8 : memref<128xi32, #tpu.memory_space<vmem>>) semaphore(%arg15 : memref<!tpu.dma_semaphore, #tpu.memory_space<semaphore_mem>>) {add = true}
      %lt3A = arith.constant 39 : i32
      %lt3A_69 = arith.cmpi slt, %scan3A_45, %lt3A : i32
      %convert_element_type3A = arith.extui %lt3A_69 : i1 to i32
      %cond3A = arith.constant 0 : i32
      %cond3A_70 = arith.cmpi ne, %convert_element_type3A, %cond3A : i32
      scf.if %cond3A_70 {
        %dma_wait3A_72 = arith.constant 0 : i32
        %dma_wait3A_73 = arith.constant 0 : i32
        %dma_wait3A_74 = tpu.memref_slice %arg11[%dma_wait3A_72, %dma_wait3A_73] : memref<10240x128xf32, #tpu.memory_space<vmem_shared>> -> memref<10240x128xf32, #tpu.memory_space<vmem_shared>>
        tpu.wait_indirect_dma semaphore(%arg14 : memref<!tpu.dma_semaphore, #tpu.memory_space<semaphore_mem>>) src(%arg9 : memref<128x128xf32, #tpu.memory_space<vmem>>) dst(%dma_wait3A_74 : memref<10240x128xf32, #tpu.memory_space<vmem_shared>>)
        %add3A_75 = arith.constant 2 : i32
        %add3A_76 = arith.addi %mul3A_48, %add3A_75 : i32
        %dma_start3A_77 = arith.constant 0 : i32
        %dma_start3A_78 = tpu.memref_slice %arg6[%add3A_76, %dma_start3A_77] : memref<80x128xi32, #tpu.memory_space<vmem>> -> memref<1x128xi32, #tpu.memory_space<vmem>>
        %dma_start3A_79 = tpu.memref_squeeze %dma_start3A_78 : memref<1x128xi32, #tpu.memory_space<vmem>> -> memref<128xi32, #tpu.memory_space<vmem>>
        %dma_start3A_80 = arith.constant 0 : i32
        %dma_start3A_81 = arith.constant 0 : i32
        %dma_start3A_82 = tpu.memref_slice %arg2[%dma_start3A_80, %dma_start3A_81] : memref<10000x128xf32, #tpu.memory_space<hbm>> -> memref<10000x128xf32, #tpu.memory_space<hbm>>
        tpu.enqueue_indirect_dma source(%dma_start3A_82 : memref<10000x128xf32, #tpu.memory_space<hbm>>) target(%arg9 : memref<128x128xf32, #tpu.memory_space<vmem>>) offsets(%dma_start3A_79 : memref<128xi32, #tpu.memory_space<vmem>>) semaphore(%arg12 : memref<!tpu.dma_semaphore, #tpu.memory_space<semaphore_mem>>)
        %add3A_83 = arith.constant 2 : i32
        %add3A_84 = arith.addi %mul3A_48, %add3A_83 : i32
        "tpu.region"() ({
          %run_scoped3A_98 = tpu.sem_alloc : memref<!tpu.dma_semaphore, #tpu.memory_space<semaphore_mem>>
          %dma_start3A_99 = arith.constant 0 : i32
          %dma_start3A_100 = tpu.memref_slice %arg4[%add3A, %add3A_84, %dma_start3A_99] : memref<32x80x128xi32, #tpu.memory_space<hbm>> -> memref<1x1x128xi32, #tpu.memory_space<hbm>>
          %dma_start3A_101 = tpu.memref_squeeze %dma_start3A_100 : memref<1x1x128xi32, #tpu.memory_space<hbm>> -> memref<128xi32, #tpu.memory_space<hbm>>
          %dma_start3A_102 = arith.constant 0 : i32
          %dma_start3A_103 = tpu.memref_slice %arg4[%add3A, %add3A_84, %dma_start3A_102] : memref<32x80x128xi32, #tpu.memory_space<hbm>> -> memref<1x1x128xi32, #tpu.memory_space<hbm>>
          %dma_start3A_104 = tpu.memref_squeeze %dma_start3A_103 : memref<1x1x128xi32, #tpu.memory_space<hbm>> -> memref<128xi32, #tpu.memory_space<hbm>>
          tpu.enqueue_dma source(%dma_start3A_104 : memref<128xi32, #tpu.memory_space<hbm>>) target(%arg7 : memref<128xi32, #tpu.memory_space<vmem>>) target_semaphore(%run_scoped3A_98 : memref<!tpu.dma_semaphore, #tpu.memory_space<semaphore_mem>>)
          %dma_wait3A_105 = arith.constant 0 : i32
          %dma_wait3A_106 = tpu.memref_slice %arg4[%add3A, %add3A_84, %dma_wait3A_105] : memref<32x80x128xi32, #tpu.memory_space<hbm>> -> memref<1x1x128xi32, #tpu.memory_space<hbm>>
          %dma_wait3A_107 = tpu.memref_squeeze %dma_wait3A_106 : memref<1x1x128xi32, #tpu.memory_space<hbm>> -> memref<128xi32, #tpu.memory_space<hbm>>
          %dma_wait3A_108 = arith.constant 0 : i32
          %dma_wait3A_109 = tpu.memref_slice %arg4[%add3A, %add3A_84, %dma_wait3A_108] : memref<32x80x128xi32, #tpu.memory_space<hbm>> -> memref<1x1x128xi32, #tpu.memory_space<hbm>>
          %dma_wait3A_110 = tpu.memref_squeeze %dma_wait3A_109 : memref<1x1x128xi32, #tpu.memory_space<hbm>> -> memref<128xi32, #tpu.memory_space<hbm>>
          tpu.wait_dma2 semaphore(%run_scoped3A_98 : memref<!tpu.dma_semaphore, #tpu.memory_space<semaphore_mem>>) src(%dma_wait3A_110 : memref<128xi32, #tpu.memory_space<hbm>>) dst(%arg7 : memref<128xi32, #tpu.memory_space<vmem>>)
          tpu.yield
        }) : () -> ()
        %dma_wait3A_85 = arith.constant 0 : i32
        %dma_wait3A_86 = arith.constant 0 : i32
        %dma_wait3A_87 = tpu.memref_slice %arg11[%dma_wait3A_85, %dma_wait3A_86] : memref<10240x128xf32, #tpu.memory_space<vmem_shared>> -> memref<10240x128xf32, #tpu.memory_space<vmem_shared>>
        tpu.wait_indirect_dma semaphore(%arg15 : memref<!tpu.dma_semaphore, #tpu.memory_space<semaphore_mem>>) src(%arg10 : memref<128x128xf32, #tpu.memory_space<vmem>>) dst(%dma_wait3A_87 : memref<10240x128xf32, #tpu.memory_space<vmem_shared>>)
        %add3A_88 = arith.constant 2 : i32
        %add3A_89 = arith.addi %add3A_50, %add3A_88 : i32
        %dma_start3A_90 = arith.constant 0 : i32
        %dma_start3A_91 = tpu.memref_slice %arg6[%add3A_89, %dma_start3A_90] : memref<80x128xi32, #tpu.memory_space<vmem>> -> memref<1x128xi32, #tpu.memory_space<vmem>>
        %dma_start3A_92 = tpu.memref_squeeze %dma_start3A_91 : memref<1x128xi32, #tpu.memory_space<vmem>> -> memref<128xi32, #tpu.memory_space<vmem>>
        %dma_start3A_93 = arith.constant 0 : i32
        %dma_start3A_94 = arith.constant 0 : i32
        %dma_start3A_95 = tpu.memref_slice %arg2[%dma_start3A_93, %dma_start3A_94] : memref<10000x128xf32, #tpu.memory_space<hbm>> -> memref<10000x128xf32, #tpu.memory_space<hbm>>
        tpu.enqueue_indirect_dma source(%dma_start3A_95 : memref<10000x128xf32, #tpu.memory_space<hbm>>) target(%arg10 : memref<128x128xf32, #tpu.memory_space<vmem>>) offsets(%dma_start3A_92 : memref<128xi32, #tpu.memory_space<vmem>>) semaphore(%arg13 : memref<!tpu.dma_semaphore, #tpu.memory_space<semaphore_mem>>)
        %add3A_96 = arith.constant 2 : i32
        %add3A_97 = arith.addi %add3A_50, %add3A_96 : i32
        "tpu.region"() ({
          %run_scoped3A_98 = tpu.sem_alloc : memref<!tpu.dma_semaphore, #tpu.memory_space<semaphore_mem>>
          %dma_start3A_99 = arith.constant 0 : i32
          %dma_start3A_100 = tpu.memref_slice %arg4[%add3A, %add3A_97, %dma_start3A_99] : memref<32x80x128xi32, #tpu.memory_space<hbm>> -> memref<1x1x128xi32, #tpu.memory_space<hbm>>
          %dma_start3A_101 = tpu.memref_squeeze %dma_start3A_100 : memref<1x1x128xi32, #tpu.memory_space<hbm>> -> memref<128xi32, #tpu.memory_space<hbm>>
          %dma_start3A_102 = arith.constant 0 : i32
          %dma_start3A_103 = tpu.memref_slice %arg4[%add3A, %add3A_97, %dma_start3A_102] : memref<32x80x128xi32, #tpu.memory_space<hbm>> -> memref<1x1x128xi32, #tpu.memory_space<hbm>>
          %dma_start3A_104 = tpu.memref_squeeze %dma_start3A_103 : memref<1x1x128xi32, #tpu.memory_space<hbm>> -> memref<128xi32, #tpu.memory_space<hbm>>
          tpu.enqueue_dma source(%dma_start3A_104 : memref<128xi32, #tpu.memory_space<hbm>>) target(%arg8 : memref<128xi32, #tpu.memory_space<vmem>>) target_semaphore(%run_scoped3A_98 : memref<!tpu.dma_semaphore, #tpu.memory_space<semaphore_mem>>)
          %dma_wait3A_105 = arith.constant 0 : i32
          %dma_wait3A_106 = tpu.memref_slice %arg4[%add3A, %add3A_97, %dma_wait3A_105] : memref<32x80x128xi32, #tpu.memory_space<hbm>> -> memref<1x1x128xi32, #tpu.memory_space<hbm>>
          %dma_wait3A_107 = tpu.memref_squeeze %dma_wait3A_106 : memref<1x1x128xi32, #tpu.memory_space<hbm>> -> memref<128xi32, #tpu.memory_space<hbm>>
          %dma_wait3A_108 = arith.constant 0 : i32
          %dma_wait3A_109 = tpu.memref_slice %arg4[%add3A, %add3A_97, %dma_wait3A_108] : memref<32x80x128xi32, #tpu.memory_space<hbm>> -> memref<1x1x128xi32, #tpu.memory_space<hbm>>
          %dma_wait3A_110 = tpu.memref_squeeze %dma_wait3A_109 : memref<1x1x128xi32, #tpu.memory_space<hbm>> -> memref<128xi32, #tpu.memory_space<hbm>>
          tpu.wait_dma2 semaphore(%run_scoped3A_98 : memref<!tpu.dma_semaphore, #tpu.memory_space<semaphore_mem>>) src(%dma_wait3A_110 : memref<128xi32, #tpu.memory_space<hbm>>) dst(%arg8 : memref<128xi32, #tpu.memory_space<vmem>>)
          tpu.yield
        }) : () -> ()
      } else {
      }
      %scan3A_71 = arith.constant 0 : i32
      scf.yield %scan3A_71 : i32
    }
    %scan3A_34 = arith.constant 40 : i32
    %dma_wait3A = arith.constant 0 : i32
    %dma_wait3A_35 = arith.constant 0 : i32
    %dma_wait3A_36 = tpu.memref_slice %arg11[%dma_wait3A, %dma_wait3A_35] : memref<10240x128xf32, #tpu.memory_space<vmem_shared>> -> memref<10240x128xf32, #tpu.memory_space<vmem_shared>>
    tpu.wait_indirect_dma semaphore(%arg14 : memref<!tpu.dma_semaphore, #tpu.memory_space<semaphore_mem>>) src(%arg9 : memref<128x128xf32, #tpu.memory_space<vmem>>) dst(%dma_wait3A_36 : memref<10240x128xf32, #tpu.memory_space<vmem_shared>>)
    %dma_wait3A_37 = arith.constant 0 : i32
    %dma_wait3A_38 = arith.constant 0 : i32
    %dma_wait3A_39 = tpu.memref_slice %arg11[%dma_wait3A_37, %dma_wait3A_38] : memref<10240x128xf32, #tpu.memory_space<vmem_shared>> -> memref<10240x128xf32, #tpu.memory_space<vmem_shared>>
    tpu.wait_indirect_dma semaphore(%arg15 : memref<!tpu.dma_semaphore, #tpu.memory_space<semaphore_mem>>) src(%arg10 : memref<128x128xf32, #tpu.memory_space<vmem>>) dst(%dma_wait3A_39 : memref<10240x128xf32, #tpu.memory_space<vmem_shared>>)
    %barrier3A_40 = arith.constant 0 : index
    tpu.barrier barrier_id(%barrier3A_40)
    %mul3A_41 = arith.constant 640 : i32
    %mul3A_42 = arith.muli %arg1, %mul3A_41 : i32
    %mul3A_43 = arith.constant 640 : i32
    %mul3A_44 = arith.muli %arg1, %mul3A_43 : i32
    "tpu.region"() ({
      %run_scoped3A_45 = tpu.sem_alloc : memref<!tpu.dma_semaphore, #tpu.memory_space<semaphore_mem>>
      %dma_start3A_46 = arith.constant 0 : i32
      %dma_start3A_47 = tpu.memref_slice %arg5[%arg0, %mul3A_44, %dma_start3A_46] : memref<2x10240x128xf32, #tpu.memory_space<hbm>> -> memref<1x640x128xf32, #tpu.memory_space<hbm>>
      %dma_start3A_48 = tpu.memref_squeeze %dma_start3A_47 : memref<1x640x128xf32, #tpu.memory_space<hbm>> -> memref<640x128xf32, #tpu.memory_space<hbm>>
      %dma_start3A_49 = arith.constant 0 : i32
      %dma_start3A_50 = tpu.memref_slice %arg11[%mul3A_42, %dma_start3A_49] : memref<10240x128xf32, #tpu.memory_space<vmem_shared>> -> memref<640x128xf32, #tpu.memory_space<vmem_shared>>
      tpu.enqueue_dma source(%dma_start3A_50 : memref<640x128xf32, #tpu.memory_space<vmem_shared>>) target(%dma_start3A_48 : memref<640x128xf32, #tpu.memory_space<hbm>>) target_semaphore(%run_scoped3A_45 : memref<!tpu.dma_semaphore, #tpu.memory_space<semaphore_mem>>)
      %dma_wait3A_51 = arith.constant 0 : i32
      %dma_wait3A_52 = tpu.memref_slice %arg5[%arg0, %mul3A_44, %dma_wait3A_51] : memref<2x10240x128xf32, #tpu.memory_space<hbm>> -> memref<1x640x128xf32, #tpu.memory_space<hbm>>
      %dma_wait3A_53 = tpu.memref_squeeze %dma_wait3A_52 : memref<1x640x128xf32, #tpu.memory_space<hbm>> -> memref<640x128xf32, #tpu.memory_space<hbm>>
      %dma_wait3A_54 = arith.constant 0 : i32
      %dma_wait3A_55 = tpu.memref_slice %arg11[%mul3A_42, %dma_wait3A_54] : memref<10240x128xf32, #tpu.memory_space<vmem_shared>> -> memref<640x128xf32, #tpu.memory_space<vmem_shared>>
      tpu.wait_dma2 semaphore(%run_scoped3A_45 : memref<!tpu.dma_semaphore, #tpu.memory_space<semaphore_mem>>) src(%dma_wait3A_55 : memref<640x128xf32, #tpu.memory_space<vmem_shared>>) dst(%dma_wait3A_53 : memref<640x128xf32, #tpu.memory_space<hbm>>)
      tpu.yield
    }) : () -> ()
    return
  }
}

#map = affine_map<(d0, d1) -> (0, 0)>
#map1 = affine_map<(d0, d1) -> (0, 0, 0)>
module attributes {stable_mosaic.version = 14 : i64} {
  func.func @_spmm_body(%arg0: i32, %arg1: i32, %arg2: memref<10000x128xf32, #tpu.memory_space<hbm>>, %arg3: memref<32x80x128xi32, #tpu.memory_space<hbm>>, %arg4: memref<32x80x128xi32, #tpu.memory_space<hbm>>, %arg5: memref<2x10240x128xf32, #tpu.memory_space<hbm>>, %arg6: memref<80x128xi32, #tpu.memory_space<vmem>>, %arg7: memref<128xi32, #tpu.memory_space<vmem>>, %arg8: memref<128xi32, #tpu.memory_space<vmem>>, %arg9: memref<128x128xf32, #tpu.memory_space<vmem>>, %arg10: memref<128x128xf32, #tpu.memory_space<vmem>>, %arg11: memref<10240x128xf32, #tpu.memory_space<vmem_shared>>, %arg12: memref<!tpu.dma_semaphore, #tpu.memory_space<semaphore_mem>>, %arg13: memref<!tpu.dma_semaphore, #tpu.memory_space<semaphore_mem>>, %arg14: memref<!tpu.dma_semaphore, #tpu.memory_space<semaphore_mem>>, %arg15: memref<!tpu.dma_semaphore, #tpu.memory_space<semaphore_mem>>) attributes {dimension_semantics = [#tpu.dimension_semantics<core_parallel>, #tpu.dimension_semantics<subcore_parallel>], iteration_bounds = array<i64: 2, 16>, scalar_prefetch = 0 : i64, scratch_operands = 10 : i64, tpu.core_type = #tpu.core_type<sc_vector_subcore>, window_params = [{transform_indices = #map}, {transform_indices = #map1}, {transform_indices = #map1}, {transform_indices = #map1}]} {
    %mul3A = arith.constant 16 : i32
    %mul3A_0 = arith.muli %arg0, %mul3A : i32
    %add3A = arith.addi %mul3A_0, %arg1 : i32
    %scan3A = arith.constant 0 : i32
    %scan3A_1 = arith.constant 0 : i32
    %scan3A_2 = arith.constant 1024 : i32
    %scan3A_3 = arith.addi %scan3A_1, %scan3A_2 : i32
    %scan3A_4 = arith.constant 1 : i32
    %scan3A_5 = scf.for %scan3A_45 = %scan3A_1 to %scan3A_3 step %scan3A_4 iter_args(%scan3A_46 = %scan3A) -> (i32)  : i32 {
      %jit3A = arith.constant 8 : i32
      %div3A = arith.divsi %scan3A_45, %jit3A : i32
      %sign3A = arith.constant 0 : i32
      %sign3A_47 = arith.cmpi sgt, %scan3A_45, %sign3A : i32
      %sign3A_48 = arith.extui %sign3A_47 : i1 to i32
      %sign3A_49 = arith.constant 0 : i32
      %sign3A_50 = arith.cmpi slt, %scan3A_45, %sign3A_49 : i32
      %sign3A_51 = arith.extui %sign3A_50 : i1 to i32
      %sign3A_52 = arith.subi %sign3A_48, %sign3A_51 : i32
      %sign3A_53 = arith.constant 0 : i32
      %sign3A_54 = arith.cmpi sgt, %jit3A, %sign3A_53 : i32
      %sign3A_55 = arith.extui %sign3A_54 : i1 to i32
      %sign3A_56 = arith.constant 0 : i32
      %sign3A_57 = arith.cmpi slt, %jit3A, %sign3A_56 : i32
      %sign3A_58 = arith.extui %sign3A_57 : i1 to i32
      %sign3A_59 = arith.subi %sign3A_55, %sign3A_58 : i32
      %ne3A = arith.cmpi ne, %sign3A_52, %sign3A_59 : i32
      %rem3A = arith.remsi %scan3A_45, %jit3A : i32
      %ne3A_60 = arith.constant 0 : i32
      %ne3A_61 = arith.cmpi ne, %rem3A, %ne3A_60 : i32
      %and3A = arith.andi %ne3A, %ne3A_61 : i1
      %sub3A = arith.constant 1 : i32
      %sub3A_62 = arith.subi %div3A, %sub3A : i32
      %select_n3A = arith.select %and3A, %sub3A_62, %div3A : i32
      %jit3A_63 = arith.constant 8 : i32
      %eq3A = arith.constant 0 : i32
      %eq3A_64 = arith.cmpi eq, %jit3A_63, %eq3A : i32
      %jit3A_65 = arith.constant 1 : i32
      %select_n3A_66 = arith.select %eq3A_64, %jit3A_65, %jit3A_63 : i32
      %rem3A_67 = arith.remsi %scan3A_45, %select_n3A_66 : i32
      %ne3A_68 = arith.constant 0 : i32
      %ne3A_69 = arith.cmpi ne, %rem3A_67, %ne3A_68 : i32
      %lt3A = arith.constant 0 : i32
      %lt3A_70 = arith.cmpi slt, %rem3A_67, %lt3A : i32
      %lt3A_71 = arith.constant 0 : i32
      %lt3A_72 = arith.cmpi slt, %select_n3A_66, %lt3A_71 : i32
      %ne3A_73 = arith.xori %lt3A_70, %lt3A_72 : i1
      %and3A_74 = arith.andi %ne3A_73, %ne3A_69 : i1
      %add3A_75 = arith.addi %rem3A_67, %select_n3A_66 : i32
      %select_n3A_76 = arith.select %and3A_74, %add3A_75, %rem3A_67 : i32
      %mul3A_77 = arith.constant 16 : i32
      %mul3A_78 = arith.muli %select_n3A_76, %mul3A_77 : i32
      %broadcast_in_dim3A = arith.constant 0.000000e+00 : f32
      %broadcast_in_dim3A_79 = vector.broadcast %broadcast_in_dim3A : f32 to vector<16xf32>
      %swap3A = arith.index_cast %select_n3A : i32 to index
      %swap3A_80 = arith.index_cast %mul3A_78 : i32 to index
      %swap3A_81 = tpu.vector_load %arg9[%swap3A, %swap3A_80] {strides = array<i32>} : memref<128x128xf32, #tpu.memory_space<vmem>>, vector<1x16xf32>,
      %swap3A_82 = vector.shape_cast %swap3A_81 : vector<1x16xf32> to vector<16xf32>
      %swap3A_83 = vector.shape_cast %broadcast_in_dim3A_79 : vector<16xf32> to vector<1x16xf32>
      tpu.vector_store %arg9[%swap3A, %swap3A_80], %swap3A_83 {strides = array<i32>} : memref<128x128xf32, #tpu.memory_space<vmem>>, vector<1x16xf32>,
      %scan3A_84 = arith.constant 0 : i32
      scf.yield %scan3A_84 : i32
    }
    %scan3A_6 = arith.constant 1024 : i32
    %scan3A_7 = arith.constant 0 : i32
    %scan3A_8 = arith.constant 0 : i32
    %scan3A_9 = arith.constant 5 : i32
    %scan3A_10 = arith.addi %scan3A_8, %scan3A_9 : i32
    %scan3A_11 = arith.constant 1 : i32
    %scan3A_12 = scf.for %scan3A_45 = %scan3A_8 to %scan3A_10 step %scan3A_11 iter_args(%scan3A_46 = %scan3A_7) -> (i32)  : i32 {
      %mul3A_47 = arith.constant 640 : i32
      %mul3A_48 = arith.muli %arg1, %mul3A_47 : i32
      %mul3A_49 = arith.constant 128 : i32
      %mul3A_50 = arith.muli %scan3A_45, %mul3A_49 : i32
      %add3A_51 = arith.addi %mul3A_48, %mul3A_50 : i32
      "tpu.region"() ({
        %run_scoped3A_53 = tpu.sem_alloc : memref<!tpu.dma_semaphore, #tpu.memory_space<semaphore_mem>>
        %dma_start3A_54 = arith.constant 0 : i32
        %dma_start3A_55 = tpu.memref_slice %arg11[%add3A_51, %dma_start3A_54] : memref<10240x128xf32, #tpu.memory_space<vmem_shared>> -> memref<128x128xf32, #tpu.memory_space<vmem_shared>>
        %dma_start3A_56 = arith.constant 0 : i32
        %dma_start3A_57 = tpu.memref_slice %arg11[%add3A_51, %dma_start3A_56] : memref<10240x128xf32, #tpu.memory_space<vmem_shared>> -> memref<128x128xf32, #tpu.memory_space<vmem_shared>>
        tpu.enqueue_dma source(%arg9 : memref<128x128xf32, #tpu.memory_space<vmem>>) target(%dma_start3A_57 : memref<128x128xf32, #tpu.memory_space<vmem_shared>>) target_semaphore(%run_scoped3A_53 : memref<!tpu.dma_semaphore, #tpu.memory_space<semaphore_mem>>)
        %dma_wait3A_58 = arith.constant 0 : i32
        %dma_wait3A_59 = tpu.memref_slice %arg11[%add3A_51, %dma_wait3A_58] : memref<10240x128xf32, #tpu.memory_space<vmem_shared>> -> memref<128x128xf32, #tpu.memory_space<vmem_shared>>
        %dma_wait3A_60 = arith.constant 0 : i32
        %dma_wait3A_61 = tpu.memref_slice %arg11[%add3A_51, %dma_wait3A_60] : memref<10240x128xf32, #tpu.memory_space<vmem_shared>> -> memref<128x128xf32, #tpu.memory_space<vmem_shared>>
        tpu.wait_dma2 semaphore(%run_scoped3A_53 : memref<!tpu.dma_semaphore, #tpu.memory_space<semaphore_mem>>) src(%arg9 : memref<128x128xf32, #tpu.memory_space<vmem>>) dst(%dma_wait3A_61 : memref<128x128xf32, #tpu.memory_space<vmem_shared>>)
        tpu.yield
      }) : () -> ()
      %scan3A_52 = arith.constant 0 : i32
      scf.yield %scan3A_52 : i32
    }
    %scan3A_13 = arith.constant 5 : i32
    "tpu.region"() ({
      %run_scoped3A_45 = tpu.sem_alloc : memref<!tpu.dma_semaphore, #tpu.memory_space<semaphore_mem>>
      %dma_start3A_46 = arith.constant 0 : i32
      %dma_start3A_47 = arith.constant 0 : i32
      %dma_start3A_48 = tpu.memref_slice %arg3[%add3A, %dma_start3A_46, %dma_start3A_47] : memref<32x80x128xi32, #tpu.memory_space<hbm>> -> memref<1x80x128xi32, #tpu.memory_space<hbm>>
      %dma_start3A_49 = tpu.memref_squeeze %dma_start3A_48 : memref<1x80x128xi32, #tpu.memory_space<hbm>> -> memref<80x128xi32, #tpu.memory_space<hbm>>
      %dma_start3A_50 = arith.constant 0 : i32
      %dma_start3A_51 = arith.constant 0 : i32
      %dma_start3A_52 = tpu.memref_slice %arg3[%add3A, %dma_start3A_50, %dma_start3A_51] : memref<32x80x128xi32, #tpu.memory_space<hbm>> -> memref<1x80x128xi32, #tpu.memory_space<hbm>>
      %dma_start3A_53 = tpu.memref_squeeze %dma_start3A_52 : memref<1x80x128xi32, #tpu.memory_space<hbm>> -> memref<80x128xi32, #tpu.memory_space<hbm>>
      tpu.enqueue_dma source(%dma_start3A_53 : memref<80x128xi32, #tpu.memory_space<hbm>>) target(%arg6 : memref<80x128xi32, #tpu.memory_space<vmem>>) target_semaphore(%run_scoped3A_45 : memref<!tpu.dma_semaphore, #tpu.memory_space<semaphore_mem>>)
      %dma_wait3A_54 = arith.constant 0 : i32
      %dma_wait3A_55 = arith.constant 0 : i32
      %dma_wait3A_56 = tpu.memref_slice %arg3[%add3A, %dma_wait3A_54, %dma_wait3A_55] : memref<32x80x128xi32, #tpu.memory_space<hbm>> -> memref<1x80x128xi32, #tpu.memory_space<hbm>>
      %dma_wait3A_57 = tpu.memref_squeeze %dma_wait3A_56 : memref<1x80x128xi32, #tpu.memory_space<hbm>> -> memref<80x128xi32, #tpu.memory_space<hbm>>
      %dma_wait3A_58 = arith.constant 0 : i32
      %dma_wait3A_59 = arith.constant 0 : i32
      %dma_wait3A_60 = tpu.memref_slice %arg3[%add3A, %dma_wait3A_58, %dma_wait3A_59] : memref<32x80x128xi32, #tpu.memory_space<hbm>> -> memref<1x80x128xi32, #tpu.memory_space<hbm>>
      %dma_wait3A_61 = tpu.memref_squeeze %dma_wait3A_60 : memref<1x80x128xi32, #tpu.memory_space<hbm>> -> memref<80x128xi32, #tpu.memory_space<hbm>>
      tpu.wait_dma2 semaphore(%run_scoped3A_45 : memref<!tpu.dma_semaphore, #tpu.memory_space<semaphore_mem>>) src(%dma_wait3A_61 : memref<80x128xi32, #tpu.memory_space<hbm>>) dst(%arg6 : memref<80x128xi32, #tpu.memory_space<vmem>>)
      tpu.yield
    }) : () -> ()
    %run_scoped3A = arith.constant 0 : i32
    "tpu.region"() ({
      %run_scoped3A_45 = tpu.sem_alloc : memref<!tpu.dma_semaphore, #tpu.memory_space<semaphore_mem>>
      %dma_start3A_46 = arith.constant 0 : i32
      %dma_start3A_47 = tpu.memref_slice %arg4[%add3A, %run_scoped3A, %dma_start3A_46] : memref<32x80x128xi32, #tpu.memory_space<hbm>> -> memref<1x1x128xi32, #tpu.memory_space<hbm>>
      %dma_start3A_48 = tpu.memref_squeeze %dma_start3A_47 : memref<1x1x128xi32, #tpu.memory_space<hbm>> -> memref<128xi32, #tpu.memory_space<hbm>>
      %dma_start3A_49 = arith.constant 0 : i32
      %dma_start3A_50 = tpu.memref_slice %arg4[%add3A, %run_scoped3A, %dma_start3A_49] : memref<32x80x128xi32, #tpu.memory_space<hbm>> -> memref<1x1x128xi32, #tpu.memory_space<hbm>>
      %dma_start3A_51 = tpu.memref_squeeze %dma_start3A_50 : memref<1x1x128xi32, #tpu.memory_space<hbm>> -> memref<128xi32, #tpu.memory_space<hbm>>
      tpu.enqueue_dma source(%dma_start3A_51 : memref<128xi32, #tpu.memory_space<hbm>>) target(%arg7 : memref<128xi32, #tpu.memory_space<vmem>>) target_semaphore(%run_scoped3A_45 : memref<!tpu.dma_semaphore, #tpu.memory_space<semaphore_mem>>)
      %dma_wait3A_52 = arith.constant 0 : i32
      %dma_wait3A_53 = tpu.memref_slice %arg4[%add3A, %run_scoped3A, %dma_wait3A_52] : memref<32x80x128xi32, #tpu.memory_space<hbm>> -> memref<1x1x128xi32, #tpu.memory_space<hbm>>
      %dma_wait3A_54 = tpu.memref_squeeze %dma_wait3A_53 : memref<1x1x128xi32, #tpu.memory_space<hbm>> -> memref<128xi32, #tpu.memory_space<hbm>>
      %dma_wait3A_55 = arith.constant 0 : i32
      %dma_wait3A_56 = tpu.memref_slice %arg4[%add3A, %run_scoped3A, %dma_wait3A_55] : memref<32x80x128xi32, #tpu.memory_space<hbm>> -> memref<1x1x128xi32, #tpu.memory_space<hbm>>
      %dma_wait3A_57 = tpu.memref_squeeze %dma_wait3A_56 : memref<1x1x128xi32, #tpu.memory_space<hbm>> -> memref<128xi32, #tpu.memory_space<hbm>>
      tpu.wait_dma2 semaphore(%run_scoped3A_45 : memref<!tpu.dma_semaphore, #tpu.memory_space<semaphore_mem>>) src(%dma_wait3A_57 : memref<128xi32, #tpu.memory_space<hbm>>) dst(%arg7 : memref<128xi32, #tpu.memory_space<vmem>>)
      tpu.yield
    }) : () -> ()
    %run_scoped3A_14 = arith.constant 1 : i32
    "tpu.region"() ({
      %run_scoped3A_45 = tpu.sem_alloc : memref<!tpu.dma_semaphore, #tpu.memory_space<semaphore_mem>>
      %dma_start3A_46 = arith.constant 0 : i32
      %dma_start3A_47 = tpu.memref_slice %arg4[%add3A, %run_scoped3A_14, %dma_start3A_46] : memref<32x80x128xi32, #tpu.memory_space<hbm>> -> memref<1x1x128xi32, #tpu.memory_space<hbm>>
      %dma_start3A_48 = tpu.memref_squeeze %dma_start3A_47 : memref<1x1x128xi32, #tpu.memory_space<hbm>> -> memref<128xi32, #tpu.memory_space<hbm>>
      %dma_start3A_49 = arith.constant 0 : i32
      %dma_start3A_50 = tpu.memref_slice %arg4[%add3A, %run_scoped3A_14, %dma_start3A_49] : memref<32x80x128xi32, #tpu.memory_space<hbm>> -> memref<1x1x128xi32, #tpu.memory_space<hbm>>
      %dma_start3A_51 = tpu.memref_squeeze %dma_start3A_50 : memref<1x1x128xi32, #tpu.memory_space<hbm>> -> memref<128xi32, #tpu.memory_space<hbm>>
      tpu.enqueue_dma source(%dma_start3A_51 : memref<128xi32, #tpu.memory_space<hbm>>) target(%arg8 : memref<128xi32, #tpu.memory_space<vmem>>) target_semaphore(%run_scoped3A_45 : memref<!tpu.dma_semaphore, #tpu.memory_space<semaphore_mem>>)
      %dma_wait3A_52 = arith.constant 0 : i32
      %dma_wait3A_53 = tpu.memref_slice %arg4[%add3A, %run_scoped3A_14, %dma_wait3A_52] : memref<32x80x128xi32, #tpu.memory_space<hbm>> -> memref<1x1x128xi32, #tpu.memory_space<hbm>>
      %dma_wait3A_54 = tpu.memref_squeeze %dma_wait3A_53 : memref<1x1x128xi32, #tpu.memory_space<hbm>> -> memref<128xi32, #tpu.memory_space<hbm>>
      %dma_wait3A_55 = arith.constant 0 : i32
      %dma_wait3A_56 = tpu.memref_slice %arg4[%add3A, %run_scoped3A_14, %dma_wait3A_55] : memref<32x80x128xi32, #tpu.memory_space<hbm>> -> memref<1x1x128xi32, #tpu.memory_space<hbm>>
      %dma_wait3A_57 = tpu.memref_squeeze %dma_wait3A_56 : memref<1x1x128xi32, #tpu.memory_space<hbm>> -> memref<128xi32, #tpu.memory_space<hbm>>
      tpu.wait_dma2 semaphore(%run_scoped3A_45 : memref<!tpu.dma_semaphore, #tpu.memory_space<semaphore_mem>>) src(%dma_wait3A_57 : memref<128xi32, #tpu.memory_space<hbm>>) dst(%arg8 : memref<128xi32, #tpu.memory_space<vmem>>)
      tpu.yield
    }) : () -> ()
    %barrier3A = arith.constant 0 : index
    tpu.barrier barrier_id(%barrier3A)
    %dma_start3A = arith.constant 0 : i32
    %dma_start3A_15 = arith.constant 0 : i32
    %dma_start3A_16 = tpu.memref_slice %arg6[%dma_start3A, %dma_start3A_15] : memref<80x128xi32, #tpu.memory_space<vmem>> -> memref<1x128xi32, #tpu.memory_space<vmem>>
    %dma_start3A_17 = tpu.memref_squeeze %dma_start3A_16 : memref<1x128xi32, #tpu.memory_space<vmem>> -> memref<128xi32, #tpu.memory_space<vmem>>
    %dma_start3A_18 = arith.constant 0 : i32
    %dma_start3A_19 = arith.constant 0 : i32
    %dma_start3A_20 = tpu.memref_slice %arg2[%dma_start3A_18, %dma_start3A_19] : memref<10000x128xf32, #tpu.memory_space<hbm>> -> memref<10000x128xf32, #tpu.memory_space<hbm>>
    tpu.enqueue_indirect_dma source(%dma_start3A_20 : memref<10000x128xf32, #tpu.memory_space<hbm>>) target(%arg9 : memref<128x128xf32, #tpu.memory_space<vmem>>) offsets(%dma_start3A_17 : memref<128xi32, #tpu.memory_space<vmem>>) semaphore(%arg12 : memref<!tpu.dma_semaphore, #tpu.memory_space<semaphore_mem>>)
    %dma_start3A_21 = arith.constant 1 : i32
    %dma_start3A_22 = arith.constant 0 : i32
    %dma_start3A_23 = tpu.memref_slice %arg6[%dma_start3A_21, %dma_start3A_22] : memref<80x128xi32, #tpu.memory_space<vmem>> -> memref<1x128xi32, #tpu.memory_space<vmem>>
    %dma_start3A_24 = tpu.memref_squeeze %dma_start3A_23 : memref<1x128xi32, #tpu.memory_space<vmem>> -> memref<128xi32, #tpu.memory_space<vmem>>
    %dma_start3A_25 = arith.constant 0 : i32
    %dma_start3A_26 = arith.constant 0 : i32
    %dma_start3A_27 = tpu.memref_slice %arg2[%dma_start3A_25, %dma_start3A_26] : memref<10000x128xf32, #tpu.memory_space<hbm>> -> memref<10000x128xf32, #tpu.memory_space<hbm>>
    tpu.enqueue_indirect_dma source(%dma_start3A_27 : memref<10000x128xf32, #tpu.memory_space<hbm>>) target(%arg10 : memref<128x128xf32, #tpu.memory_space<vmem>>) offsets(%dma_start3A_24 : memref<128xi32, #tpu.memory_space<vmem>>) semaphore(%arg13 : memref<!tpu.dma_semaphore, #tpu.memory_space<semaphore_mem>>)
    %scan3A_28 = arith.constant 0 : i32
    %scan3A_29 = arith.constant 0 : i32
    %scan3A_30 = arith.constant 40 : i32
    %scan3A_31 = arith.addi %scan3A_29, %scan3A_30 : i32
    %scan3A_32 = arith.constant 1 : i32
    %scan3A_33 = scf.for %scan3A_45 = %scan3A_29 to %scan3A_31 step %scan3A_32 iter_args(%scan3A_46 = %scan3A_28) -> (i32)  : i32 {
      %mul3A_47 = arith.constant 2 : i32
      %mul3A_48 = arith.muli %mul3A_47, %scan3A_45 : i32
      %add3A_49 = arith.constant 1 : i32
      %add3A_50 = arith.addi %mul3A_48, %add3A_49 : i32
      %dma_wait3A_51 = arith.constant 0 : i32
      %dma_wait3A_52 = tpu.memref_slice %arg6[%mul3A_48, %dma_wait3A_51] : memref<80x128xi32, #tpu.memory_space<vmem>> -> memref<1x128xi32, #tpu.memory_space<vmem>>
      %dma_wait3A_53 = tpu.memref_squeeze %dma_wait3A_52 : memref<1x128xi32, #tpu.memory_space<vmem>> -> memref<128xi32, #tpu.memory_space<vmem>>
      %dma_wait3A_54 = arith.constant 0 : i32
      %dma_wait3A_55 = arith.constant 0 : i32
      %dma_wait3A_56 = tpu.memref_slice %arg2[%dma_wait3A_54, %dma_wait3A_55] : memref<10000x128xf32, #tpu.memory_space<hbm>> -> memref<10000x128xf32, #tpu.memory_space<hbm>>
      tpu.wait_indirect_dma semaphore(%arg12 : memref<!tpu.dma_semaphore, #tpu.memory_space<semaphore_mem>>) src(%dma_wait3A_56 : memref<10000x128xf32, #tpu.memory_space<hbm>>) dst(%arg9 : memref<128x128xf32, #tpu.memory_space<vmem>>)
      %dma_start3A_57 = arith.constant 0 : i32
      %dma_start3A_58 = arith.constant 0 : i32
      %dma_start3A_59 = tpu.memref_slice %arg11[%dma_start3A_57, %dma_start3A_58] : memref<10240x128xf32, #tpu.memory_space<vmem_shared>> -> memref<10240x128xf32, #tpu.memory_space<vmem_shared>>
      tpu.enqueue_indirect_dma source(%arg9 : memref<128x128xf32, #tpu.memory_space<vmem>>) target(%dma_start3A_59 : memref<10240x128xf32, #tpu.memory_space<vmem_shared>>) offsets(%arg7 : memref<128xi32, #tpu.memory_space<vmem>>) semaphore(%arg14 : memref<!tpu.dma_semaphore, #tpu.memory_space<semaphore_mem>>) {add = true}
      %dma_wait3A_60 = arith.constant 0 : i32
      %dma_wait3A_61 = tpu.memref_slice %arg6[%add3A_50, %dma_wait3A_60] : memref<80x128xi32, #tpu.memory_space<vmem>> -> memref<1x128xi32, #tpu.memory_space<vmem>>
      %dma_wait3A_62 = tpu.memref_squeeze %dma_wait3A_61 : memref<1x128xi32, #tpu.memory_space<vmem>> -> memref<128xi32, #tpu.memory_space<vmem>>
      %dma_wait3A_63 = arith.constant 0 : i32
      %dma_wait3A_64 = arith.constant 0 : i32
      %dma_wait3A_65 = tpu.memref_slice %arg2[%dma_wait3A_63, %dma_wait3A_64] : memref<10000x128xf32, #tpu.memory_space<hbm>> -> memref<10000x128xf32, #tpu.memory_space<hbm>>
      tpu.wait_indirect_dma semaphore(%arg13 : memref<!tpu.dma_semaphore, #tpu.memory_space<semaphore_mem>>) src(%dma_wait3A_65 : memref<10000x128xf32, #tpu.memory_space<hbm>>) dst(%arg10 : memref<128x128xf32, #tpu.memory_space<vmem>>)
      %dma_start3A_66 = arith.constant 0 : i32
      %dma_start3A_67 = arith.constant 0 : i32
      %dma_start3A_68 = tpu.memref_slice %arg11[%dma_start3A_66, %dma_start3A_67] : memref<10240x128xf32, #tpu.memory_space<vmem_shared>> -> memref<10240x128xf32, #tpu.memory_space<vmem_shared>>
      tpu.enqueue_indirect_dma source(%arg10 : memref<128x128xf32, #tpu.memory_space<vmem>>) target(%dma_start3A_68 : memref<10240x128xf32, #tpu.memory_space<vmem_shared>>) offsets(%arg8 : memref<128xi32, #tpu.memory_space<vmem>>) semaphore(%arg15 : memref<!tpu.dma_semaphore, #tpu.memory_space<semaphore_mem>>) {add = true}
      %lt3A = arith.constant 39 : i32
      %lt3A_69 = arith.cmpi slt, %scan3A_45, %lt3A : i32
      %convert_element_type3A = arith.extui %lt3A_69 : i1 to i32
      %cond3A = arith.constant 0 : i32
      %cond3A_70 = arith.cmpi ne, %convert_element_type3A, %cond3A : i32
      scf.if %cond3A_70 {
        %dma_wait3A_72 = arith.constant 0 : i32
        %dma_wait3A_73 = arith.constant 0 : i32
        %dma_wait3A_74 = tpu.memref_slice %arg11[%dma_wait3A_72, %dma_wait3A_73] : memref<10240x128xf32, #tpu.memory_space<vmem_shared>> -> memref<10240x128xf32, #tpu.memory_space<vmem_shared>>
        tpu.wait_indirect_dma semaphore(%arg14 : memref<!tpu.dma_semaphore, #tpu.memory_space<semaphore_mem>>) src(%arg9 : memref<128x128xf32, #tpu.memory_space<vmem>>) dst(%dma_wait3A_74 : memref<10240x128xf32, #tpu.memory_space<vmem_shared>>)
        %add3A_75 = arith.constant 2 : i32
        %add3A_76 = arith.addi %mul3A_48, %add3A_75 : i32
        %dma_start3A_77 = arith.constant 0 : i32
        %dma_start3A_78 = tpu.memref_slice %arg6[%add3A_76, %dma_start3A_77] : memref<80x128xi32, #tpu.memory_space<vmem>> -> memref<1x128xi32, #tpu.memory_space<vmem>>
        %dma_start3A_79 = tpu.memref_squeeze %dma_start3A_78 : memref<1x128xi32, #tpu.memory_space<vmem>> -> memref<128xi32, #tpu.memory_space<vmem>>
        %dma_start3A_80 = arith.constant 0 : i32
        %dma_start3A_81 = arith.constant 0 : i32
        %dma_start3A_82 = tpu.memref_slice %arg2[%dma_start3A_80, %dma_start3A_81] : memref<10000x128xf32, #tpu.memory_space<hbm>> -> memref<10000x128xf32, #tpu.memory_space<hbm>>
        tpu.enqueue_indirect_dma source(%dma_start3A_82 : memref<10000x128xf32, #tpu.memory_space<hbm>>) target(%arg9 : memref<128x128xf32, #tpu.memory_space<vmem>>) offsets(%dma_start3A_79 : memref<128xi32, #tpu.memory_space<vmem>>) semaphore(%arg12 : memref<!tpu.dma_semaphore, #tpu.memory_space<semaphore_mem>>)
        %add3A_83 = arith.constant 2 : i32
        %add3A_84 = arith.addi %mul3A_48, %add3A_83 : i32
        "tpu.region"() ({
          %run_scoped3A_98 = tpu.sem_alloc : memref<!tpu.dma_semaphore, #tpu.memory_space<semaphore_mem>>
          %dma_start3A_99 = arith.constant 0 : i32
          %dma_start3A_100 = tpu.memref_slice %arg4[%add3A, %add3A_84, %dma_start3A_99] : memref<32x80x128xi32, #tpu.memory_space<hbm>> -> memref<1x1x128xi32, #tpu.memory_space<hbm>>
          %dma_start3A_101 = tpu.memref_squeeze %dma_start3A_100 : memref<1x1x128xi32, #tpu.memory_space<hbm>> -> memref<128xi32, #tpu.memory_space<hbm>>
          %dma_start3A_102 = arith.constant 0 : i32
          %dma_start3A_103 = tpu.memref_slice %arg4[%add3A, %add3A_84, %dma_start3A_102] : memref<32x80x128xi32, #tpu.memory_space<hbm>> -> memref<1x1x128xi32, #tpu.memory_space<hbm>>
          %dma_start3A_104 = tpu.memref_squeeze %dma_start3A_103 : memref<1x1x128xi32, #tpu.memory_space<hbm>> -> memref<128xi32, #tpu.memory_space<hbm>>
          tpu.enqueue_dma source(%dma_start3A_104 : memref<128xi32, #tpu.memory_space<hbm>>) target(%arg7 : memref<128xi32, #tpu.memory_space<vmem>>) target_semaphore(%run_scoped3A_98 : memref<!tpu.dma_semaphore, #tpu.memory_space<semaphore_mem>>)
          %dma_wait3A_105 = arith.constant 0 : i32
          %dma_wait3A_106 = tpu.memref_slice %arg4[%add3A, %add3A_84, %dma_wait3A_105] : memref<32x80x128xi32, #tpu.memory_space<hbm>> -> memref<1x1x128xi32, #tpu.memory_space<hbm>>
          %dma_wait3A_107 = tpu.memref_squeeze %dma_wait3A_106 : memref<1x1x128xi32, #tpu.memory_space<hbm>> -> memref<128xi32, #tpu.memory_space<hbm>>
          %dma_wait3A_108 = arith.constant 0 : i32
          %dma_wait3A_109 = tpu.memref_slice %arg4[%add3A, %add3A_84, %dma_wait3A_108] : memref<32x80x128xi32, #tpu.memory_space<hbm>> -> memref<1x1x128xi32, #tpu.memory_space<hbm>>
          %dma_wait3A_110 = tpu.memref_squeeze %dma_wait3A_109 : memref<1x1x128xi32, #tpu.memory_space<hbm>> -> memref<128xi32, #tpu.memory_space<hbm>>
          tpu.wait_dma2 semaphore(%run_scoped3A_98 : memref<!tpu.dma_semaphore, #tpu.memory_space<semaphore_mem>>) src(%dma_wait3A_110 : memref<128xi32, #tpu.memory_space<hbm>>) dst(%arg7 : memref<128xi32, #tpu.memory_space<vmem>>)
          tpu.yield
        }) : () -> ()
        %dma_wait3A_85 = arith.constant 0 : i32
        %dma_wait3A_86 = arith.constant 0 : i32
        %dma_wait3A_87 = tpu.memref_slice %arg11[%dma_wait3A_85, %dma_wait3A_86] : memref<10240x128xf32, #tpu.memory_space<vmem_shared>> -> memref<10240x128xf32, #tpu.memory_space<vmem_shared>>
        tpu.wait_indirect_dma semaphore(%arg15 : memref<!tpu.dma_semaphore, #tpu.memory_space<semaphore_mem>>) src(%arg10 : memref<128x128xf32, #tpu.memory_space<vmem>>) dst(%dma_wait3A_87 : memref<10240x128xf32, #tpu.memory_space<vmem_shared>>)
        %add3A_88 = arith.constant 2 : i32
        %add3A_89 = arith.addi %add3A_50, %add3A_88 : i32
        %dma_start3A_90 = arith.constant 0 : i32
        %dma_start3A_91 = tpu.memref_slice %arg6[%add3A_89, %dma_start3A_90] : memref<80x128xi32, #tpu.memory_space<vmem>> -> memref<1x128xi32, #tpu.memory_space<vmem>>
        %dma_start3A_92 = tpu.memref_squeeze %dma_start3A_91 : memref<1x128xi32, #tpu.memory_space<vmem>> -> memref<128xi32, #tpu.memory_space<vmem>>
        %dma_start3A_93 = arith.constant 0 : i32
        %dma_start3A_94 = arith.constant 0 : i32
        %dma_start3A_95 = tpu.memref_slice %arg2[%dma_start3A_93, %dma_start3A_94] : memref<10000x128xf32, #tpu.memory_space<hbm>> -> memref<10000x128xf32, #tpu.memory_space<hbm>>
        tpu.enqueue_indirect_dma source(%dma_start3A_95 : memref<10000x128xf32, #tpu.memory_space<hbm>>) target(%arg10 : memref<128x128xf32, #tpu.memory_space<vmem>>) offsets(%dma_start3A_92 : memref<128xi32, #tpu.memory_space<vmem>>) semaphore(%arg13 : memref<!tpu.dma_semaphore, #tpu.memory_space<semaphore_mem>>)
        %add3A_96 = arith.constant 2 : i32
        %add3A_97 = arith.addi %add3A_50, %add3A_96 : i32
        "tpu.region"() ({
          %run_scoped3A_98 = tpu.sem_alloc : memref<!tpu.dma_semaphore, #tpu.memory_space<semaphore_mem>>
          %dma_start3A_99 = arith.constant 0 : i32
          %dma_start3A_100 = tpu.memref_slice %arg4[%add3A, %add3A_97, %dma_start3A_99] : memref<32x80x128xi32, #tpu.memory_space<hbm>> -> memref<1x1x128xi32, #tpu.memory_space<hbm>>
          %dma_start3A_101 = tpu.memref_squeeze %dma_start3A_100 : memref<1x1x128xi32, #tpu.memory_space<hbm>> -> memref<128xi32, #tpu.memory_space<hbm>>
          %dma_start3A_102 = arith.constant 0 : i32
          %dma_start3A_103 = tpu.memref_slice %arg4[%add3A, %add3A_97, %dma_start3A_102] : memref<32x80x128xi32, #tpu.memory_space<hbm>> -> memref<1x1x128xi32, #tpu.memory_space<hbm>>
          %dma_start3A_104 = tpu.memref_squeeze %dma_start3A_103 : memref<1x1x128xi32, #tpu.memory_space<hbm>> -> memref<128xi32, #tpu.memory_space<hbm>>
          tpu.enqueue_dma source(%dma_start3A_104 : memref<128xi32, #tpu.memory_space<hbm>>) target(%arg8 : memref<128xi32, #tpu.memory_space<vmem>>) target_semaphore(%run_scoped3A_98 : memref<!tpu.dma_semaphore, #tpu.memory_space<semaphore_mem>>)
          %dma_wait3A_105 = arith.constant 0 : i32
          %dma_wait3A_106 = tpu.memref_slice %arg4[%add3A, %add3A_97, %dma_wait3A_105] : memref<32x80x128xi32, #tpu.memory_space<hbm>> -> memref<1x1x128xi32, #tpu.memory_space<hbm>>
          %dma_wait3A_107 = tpu.memref_squeeze %dma_wait3A_106 : memref<1x1x128xi32, #tpu.memory_space<hbm>> -> memref<128xi32, #tpu.memory_space<hbm>>
          %dma_wait3A_108 = arith.constant 0 : i32
          %dma_wait3A_109 = tpu.memref_slice %arg4[%add3A, %add3A_97, %dma_wait3A_108] : memref<32x80x128xi32, #tpu.memory_space<hbm>> -> memref<1x1x128xi32, #tpu.memory_space<hbm>>
          %dma_wait3A_110 = tpu.memref_squeeze %dma_wait3A_109 : memref<1x1x128xi32, #tpu.memory_space<hbm>> -> memref<128xi32, #tpu.memory_space<hbm>>
          tpu.wait_dma2 semaphore(%run_scoped3A_98 : memref<!tpu.dma_semaphore, #tpu.memory_space<semaphore_mem>>) src(%dma_wait3A_110 : memref<128xi32, #tpu.memory_space<hbm>>) dst(%arg8 : memref<128xi32, #tpu.memory_space<vmem>>)
          tpu.yield
        }) : () -> ()
      } else {
      }
      %scan3A_71 = arith.constant 0 : i32
      scf.yield %scan3A_71 : i32
    }
    %scan3A_34 = arith.constant 40 : i32
    %dma_wait3A = arith.constant 0 : i32
    %dma_wait3A_35 = arith.constant 0 : i32
    %dma_wait3A_36 = tpu.memref_slice %arg11[%dma_wait3A, %dma_wait3A_35] : memref<10240x128xf32, #tpu.memory_space<vmem_shared>> -> memref<10240x128xf32, #tpu.memory_space<vmem_shared>>
    tpu.wait_indirect_dma semaphore(%arg14 : memref<!tpu.dma_semaphore, #tpu.memory_space<semaphore_mem>>) src(%arg9 : memref<128x128xf32, #tpu.memory_space<vmem>>) dst(%dma_wait3A_36 : memref<10240x128xf32, #tpu.memory_space<vmem_shared>>)
    %dma_wait3A_37 = arith.constant 0 : i32
    %dma_wait3A_38 = arith.constant 0 : i32
    %dma_wait3A_39 = tpu.memref_slice %arg11[%dma_wait3A_37, %dma_wait3A_38] : memref<10240x128xf32, #tpu.memory_space<vmem_shared>> -> memref<10240x128xf32, #tpu.memory_space<vmem_shared>>
    tpu.wait_indirect_dma semaphore(%arg15 : memref<!tpu.dma_semaphore, #tpu.memory_space<semaphore_mem>>) src(%arg10 : memref<128x128xf32, #tpu.memory_space<vmem>>) dst(%dma_wait3A_39 : memref<10240x128xf32, #tpu.memory_space<vmem_shared>>)
    %barrier3A_40 = arith.constant 0 : index
    tpu.barrier barrier_id(%barrier3A_40)
    %mul3A_41 = arith.constant 640 : i32
    %mul3A_42 = arith.muli %arg1, %mul3A_41 : i32
    %mul3A_43 = arith.constant 640 : i32
    %mul3A_44 = arith.muli %arg1, %mul3A_43 : i32
    "tpu.region"() ({
      %run_scoped3A_45 = tpu.sem_alloc : memref<!tpu.dma_semaphore, #tpu.memory_space<semaphore_mem>>
      %dma_start3A_46 = arith.constant 0 : i32
      %dma_start3A_47 = tpu.memref_slice %arg5[%arg0, %mul3A_44, %dma_start3A_46] : memref<2x10240x128xf32, #tpu.memory_space<hbm>> -> memref<1x640x128xf32, #tpu.memory_space<hbm>>
      %dma_start3A_48 = tpu.memref_squeeze %dma_start3A_47 : memref<1x640x128xf32, #tpu.memory_space<hbm>> -> memref<640x128xf32, #tpu.memory_space<hbm>>
      %dma_start3A_49 = arith.constant 0 : i32
      %dma_start3A_50 = tpu.memref_slice %arg11[%mul3A_42, %dma_start3A_49] : memref<10240x128xf32, #tpu.memory_space<vmem_shared>> -> memref<640x128xf32, #tpu.memory_space<vmem_shared>>
      tpu.enqueue_dma source(%dma_start3A_50 : memref<640x128xf32, #tpu.memory_space<vmem_shared>>) target(%dma_start3A_48 : memref<640x128xf32, #tpu.memory_space<hbm>>) target_semaphore(%run_scoped3A_45 : memref<!tpu.dma_semaphore, #tpu.memory_space<semaphore_mem>>)
      %dma_wait3A_51 = arith.constant 0 : i32
      %dma_wait3A_52 = tpu.memref_slice %arg5[%arg0, %mul3A_44, %dma_wait3A_51] : memref<2x10240x128xf32, #tpu.memory_space<hbm>> -> memref<1x640x128xf32, #tpu.memory_space<hbm>>
      %dma_wait3A_53 = tpu.memref_squeeze %dma_wait3A_52 : memref<1x640x128xf32, #tpu.memory_space<hbm>> -> memref<640x128xf32, #tpu.memory_space<hbm>>
      %dma_wait3A_54 = arith.constant 0 : i32
      %dma_wait3A_55 = tpu.memref_slice %arg11[%mul3A_42, %dma_wait3A_54] : memref<10240x128xf32, #tpu.memory_space<vmem_shared>> -> memref<640x128xf32, #tpu.memory_space<vmem_shared>>
      tpu.wait_dma2 semaphore(%run_scoped3A_45 : memref<!tpu.dma_semaphore, #tpu.memory_space<semaphore_mem>>) src(%dma_wait3A_55 : memref<640x128xf32, #tpu.memory_space<vmem_shared>>) dst(%dma_wait3A_53 : memref<640x128xf32, #tpu.memory_space<hbm>>)
      tpu.yield
    }) : () -> ()
    return
  }
}

#map = affine_map<(d0, d1) -> (0, 0, 0)>
#map1 = affine_map<(d0, d1) -> (0)>
module attributes {stable_mosaic.version = 14 : i64} {
  func.func @_deg_body(%arg0: i32, %arg1: i32, %arg2: memref<32x80x128xi32, #tpu.memory_space<hbm>>, %arg3: memref<32x80x128xi32, #tpu.memory_space<hbm>>, %arg4: memref<40960xf32, #tpu.memory_space<hbm>>, %arg5: memref<80x128xi32, #tpu.memory_space<vmem>>, %arg6: memref<80x128xi32, #tpu.memory_space<vmem>>, %arg7: memref<128xf32, #tpu.memory_space<vmem>>, %arg8: memref<640xf32, #tpu.memory_space<vmem>>, %arg9: memref<10240xf32, #tpu.memory_space<vmem_shared>>, %arg10: memref<10240xf32, #tpu.memory_space<vmem_shared>>, %arg11: memref<!tpu.dma_semaphore, #tpu.memory_space<semaphore_mem>>) attributes {dimension_semantics = [#tpu.dimension_semantics<core_parallel>, #tpu.dimension_semantics<subcore_parallel>], iteration_bounds = array<i64: 2, 16>, scalar_prefetch = 0 : i64, scratch_operands = 7 : i64, tpu.core_type = #tpu.core_type<sc_vector_subcore>, window_params = [{transform_indices = #map}, {transform_indices = #map}, {transform_indices = #map1}]} {
    %mul3A = arith.constant 16 : i32
    %mul3A_0 = arith.muli %arg0, %mul3A : i32
    %add3A = arith.addi %mul3A_0, %arg1 : i32
    %scan3A = arith.constant 0 : i32
    %scan3A_1 = arith.constant 0 : i32
    %scan3A_2 = arith.constant 8 : i32
    %scan3A_3 = arith.addi %scan3A_1, %scan3A_2 : i32
    %scan3A_4 = arith.constant 1 : i32
    %scan3A_5 = scf.for %scan3A_42 = %scan3A_1 to %scan3A_3 step %scan3A_4 iter_args(%scan3A_43 = %scan3A) -> (i32)  : i32 {
      %broadcast_in_dim3A = arith.constant 1.000000e+00 : f32
      %broadcast_in_dim3A_44 = vector.broadcast %broadcast_in_dim3A : f32 to vector<16xf32>
      %mul3A_45 = arith.constant 16 : i32
      %mul3A_46 = arith.muli %scan3A_42, %mul3A_45 : i32
      %swap3A = arith.index_cast %mul3A_46 : i32 to index
      %swap3A_47 = tpu.vector_load %arg7[%swap3A] {strides = array<i32>} : memref<128xf32, #tpu.memory_space<vmem>>, vector<16xf32>,
      %swap3A_48 = vector.shape_cast %swap3A_47 : vector<16xf32> to vector<16xf32>
      %swap3A_49 = vector.shape_cast %broadcast_in_dim3A_44 : vector<16xf32> to vector<16xf32>
      tpu.vector_store %arg7[%swap3A], %swap3A_49 {strides = array<i32>} : memref<128xf32, #tpu.memory_space<vmem>>, vector<16xf32>,
      %scan3A_50 = arith.constant 0 : i32
      scf.yield %scan3A_50 : i32
    }
    %scan3A_6 = arith.constant 8 : i32
    %scan3A_7 = arith.constant 0 : i32
    %scan3A_8 = arith.constant 0 : i32
    %scan3A_9 = arith.constant 40 : i32
    %scan3A_10 = arith.addi %scan3A_8, %scan3A_9 : i32
    %scan3A_11 = arith.constant 1 : i32
    %scan3A_12 = scf.for %scan3A_42 = %scan3A_8 to %scan3A_10 step %scan3A_11 iter_args(%scan3A_43 = %scan3A_7) -> (i32)  : i32 {
      %broadcast_in_dim3A = arith.constant 0.000000e+00 : f32
      %broadcast_in_dim3A_44 = vector.broadcast %broadcast_in_dim3A : f32 to vector<16xf32>
      %mul3A_45 = arith.constant 16 : i32
      %mul3A_46 = arith.muli %scan3A_42, %mul3A_45 : i32
      %swap3A = arith.index_cast %mul3A_46 : i32 to index
      %swap3A_47 = tpu.vector_load %arg8[%swap3A] {strides = array<i32>} : memref<640xf32, #tpu.memory_space<vmem>>, vector<16xf32>,
      %swap3A_48 = vector.shape_cast %swap3A_47 : vector<16xf32> to vector<16xf32>
      %swap3A_49 = vector.shape_cast %broadcast_in_dim3A_44 : vector<16xf32> to vector<16xf32>
      tpu.vector_store %arg8[%swap3A], %swap3A_49 {strides = array<i32>} : memref<640xf32, #tpu.memory_space<vmem>>, vector<16xf32>,
      %scan3A_50 = arith.constant 0 : i32
      scf.yield %scan3A_50 : i32
    }
    %scan3A_13 = arith.constant 40 : i32
    %mul3A_14 = arith.constant 640 : i32
    %mul3A_15 = arith.muli %arg1, %mul3A_14 : i32
    "tpu.region"() ({
      %run_scoped3A = tpu.sem_alloc : memref<!tpu.dma_semaphore, #tpu.memory_space<semaphore_mem>>
      %dma_start3A = tpu.memref_slice %arg9[%mul3A_15] : memref<10240xf32, #tpu.memory_space<vmem_shared>> -> memref<640xf32, #tpu.memory_space<vmem_shared>>
      %dma_start3A_42 = tpu.memref_slice %arg9[%mul3A_15] : memref<10240xf32, #tpu.memory_space<vmem_shared>> -> memref<640xf32, #tpu.memory_space<vmem_shared>>
      tpu.enqueue_dma source(%arg8 : memref<640xf32, #tpu.memory_space<vmem>>) target(%dma_start3A_42 : memref<640xf32, #tpu.memory_space<vmem_shared>>) target_semaphore(%run_scoped3A : memref<!tpu.dma_semaphore, #tpu.memory_space<semaphore_mem>>)
      %dma_wait3A = tpu.memref_slice %arg9[%mul3A_15] : memref<10240xf32, #tpu.memory_space<vmem_shared>> -> memref<640xf32, #tpu.memory_space<vmem_shared>>
      %dma_wait3A_43 = tpu.memref_slice %arg9[%mul3A_15] : memref<10240xf32, #tpu.memory_space<vmem_shared>> -> memref<640xf32, #tpu.memory_space<vmem_shared>>
      tpu.wait_dma2 semaphore(%run_scoped3A : memref<!tpu.dma_semaphore, #tpu.memory_space<semaphore_mem>>) src(%arg8 : memref<640xf32, #tpu.memory_space<vmem>>) dst(%dma_wait3A_43 : memref<640xf32, #tpu.memory_space<vmem_shared>>)
      tpu.yield
    }) : () -> ()
    %mul3A_16 = arith.constant 640 : i32
    %mul3A_17 = arith.muli %arg1, %mul3A_16 : i32
    "tpu.region"() ({
      %run_scoped3A = tpu.sem_alloc : memref<!tpu.dma_semaphore, #tpu.memory_space<semaphore_mem>>
      %dma_start3A = tpu.memref_slice %arg10[%mul3A_17] : memref<10240xf32, #tpu.memory_space<vmem_shared>> -> memref<640xf32, #tpu.memory_space<vmem_shared>>
      %dma_start3A_42 = tpu.memref_slice %arg10[%mul3A_17] : memref<10240xf32, #tpu.memory_space<vmem_shared>> -> memref<640xf32, #tpu.memory_space<vmem_shared>>
      tpu.enqueue_dma source(%arg8 : memref<640xf32, #tpu.memory_space<vmem>>) target(%dma_start3A_42 : memref<640xf32, #tpu.memory_space<vmem_shared>>) target_semaphore(%run_scoped3A : memref<!tpu.dma_semaphore, #tpu.memory_space<semaphore_mem>>)
      %dma_wait3A = tpu.memref_slice %arg10[%mul3A_17] : memref<10240xf32, #tpu.memory_space<vmem_shared>> -> memref<640xf32, #tpu.memory_space<vmem_shared>>
      %dma_wait3A_43 = tpu.memref_slice %arg10[%mul3A_17] : memref<10240xf32, #tpu.memory_space<vmem_shared>> -> memref<640xf32, #tpu.memory_space<vmem_shared>>
      tpu.wait_dma2 semaphore(%run_scoped3A : memref<!tpu.dma_semaphore, #tpu.memory_space<semaphore_mem>>) src(%arg8 : memref<640xf32, #tpu.memory_space<vmem>>) dst(%dma_wait3A_43 : memref<640xf32, #tpu.memory_space<vmem_shared>>)
      tpu.yield
    }) : () -> ()
    "tpu.region"() ({
      %run_scoped3A = tpu.sem_alloc : memref<!tpu.dma_semaphore, #tpu.memory_space<semaphore_mem>>
      %dma_start3A = arith.constant 0 : i32
      %dma_start3A_42 = arith.constant 0 : i32
      %dma_start3A_43 = tpu.memref_slice %arg2[%add3A, %dma_start3A, %dma_start3A_42] : memref<32x80x128xi32, #tpu.memory_space<hbm>> -> memref<1x80x128xi32, #tpu.memory_space<hbm>>
      %dma_start3A_44 = tpu.memref_squeeze %dma_start3A_43 : memref<1x80x128xi32, #tpu.memory_space<hbm>> -> memref<80x128xi32, #tpu.memory_space<hbm>>
      %dma_start3A_45 = arith.constant 0 : i32
      %dma_start3A_46 = arith.constant 0 : i32
      %dma_start3A_47 = tpu.memref_slice %arg2[%add3A, %dma_start3A_45, %dma_start3A_46] : memref<32x80x128xi32, #tpu.memory_space<hbm>> -> memref<1x80x128xi32, #tpu.memory_space<hbm>>
      %dma_start3A_48 = tpu.memref_squeeze %dma_start3A_47 : memref<1x80x128xi32, #tpu.memory_space<hbm>> -> memref<80x128xi32, #tpu.memory_space<hbm>>
      tpu.enqueue_dma source(%dma_start3A_48 : memref<80x128xi32, #tpu.memory_space<hbm>>) target(%arg5 : memref<80x128xi32, #tpu.memory_space<vmem>>) target_semaphore(%run_scoped3A : memref<!tpu.dma_semaphore, #tpu.memory_space<semaphore_mem>>)
      %dma_wait3A = arith.constant 0 : i32
      %dma_wait3A_49 = arith.constant 0 : i32
      %dma_wait3A_50 = tpu.memref_slice %arg2[%add3A, %dma_wait3A, %dma_wait3A_49] : memref<32x80x128xi32, #tpu.memory_space<hbm>> -> memref<1x80x128xi32, #tpu.memory_space<hbm>>
      %dma_wait3A_51 = tpu.memref_squeeze %dma_wait3A_50 : memref<1x80x128xi32, #tpu.memory_space<hbm>> -> memref<80x128xi32, #tpu.memory_space<hbm>>
      %dma_wait3A_52 = arith.constant 0 : i32
      %dma_wait3A_53 = arith.constant 0 : i32
      %dma_wait3A_54 = tpu.memref_slice %arg2[%add3A, %dma_wait3A_52, %dma_wait3A_53] : memref<32x80x128xi32, #tpu.memory_space<hbm>> -> memref<1x80x128xi32, #tpu.memory_space<hbm>>
      %dma_wait3A_55 = tpu.memref_squeeze %dma_wait3A_54 : memref<1x80x128xi32, #tpu.memory_space<hbm>> -> memref<80x128xi32, #tpu.memory_space<hbm>>
      tpu.wait_dma2 semaphore(%run_scoped3A : memref<!tpu.dma_semaphore, #tpu.memory_space<semaphore_mem>>) src(%dma_wait3A_55 : memref<80x128xi32, #tpu.memory_space<hbm>>) dst(%arg5 : memref<80x128xi32, #tpu.memory_space<vmem>>)
      tpu.yield
    }) : () -> ()
    "tpu.region"() ({
      %run_scoped3A = tpu.sem_alloc : memref<!tpu.dma_semaphore, #tpu.memory_space<semaphore_mem>>
      %dma_start3A = arith.constant 0 : i32
      %dma_start3A_42 = arith.constant 0 : i32
      %dma_start3A_43 = tpu.memref_slice %arg3[%add3A, %dma_start3A, %dma_start3A_42] : memref<32x80x128xi32, #tpu.memory_space<hbm>> -> memref<1x80x128xi32, #tpu.memory_space<hbm>>
      %dma_start3A_44 = tpu.memref_squeeze %dma_start3A_43 : memref<1x80x128xi32, #tpu.memory_space<hbm>> -> memref<80x128xi32, #tpu.memory_space<hbm>>
      %dma_start3A_45 = arith.constant 0 : i32
      %dma_start3A_46 = arith.constant 0 : i32
      %dma_start3A_47 = tpu.memref_slice %arg3[%add3A, %dma_start3A_45, %dma_start3A_46] : memref<32x80x128xi32, #tpu.memory_space<hbm>> -> memref<1x80x128xi32, #tpu.memory_space<hbm>>
      %dma_start3A_48 = tpu.memref_squeeze %dma_start3A_47 : memref<1x80x128xi32, #tpu.memory_space<hbm>> -> memref<80x128xi32, #tpu.memory_space<hbm>>
      tpu.enqueue_dma source(%dma_start3A_48 : memref<80x128xi32, #tpu.memory_space<hbm>>) target(%arg6 : memref<80x128xi32, #tpu.memory_space<vmem>>) target_semaphore(%run_scoped3A : memref<!tpu.dma_semaphore, #tpu.memory_space<semaphore_mem>>)
      %dma_wait3A = arith.constant 0 : i32
      %dma_wait3A_49 = arith.constant 0 : i32
      %dma_wait3A_50 = tpu.memref_slice %arg3[%add3A, %dma_wait3A, %dma_wait3A_49] : memref<32x80x128xi32, #tpu.memory_space<hbm>> -> memref<1x80x128xi32, #tpu.memory_space<hbm>>
      %dma_wait3A_51 = tpu.memref_squeeze %dma_wait3A_50 : memref<1x80x128xi32, #tpu.memory_space<hbm>> -> memref<80x128xi32, #tpu.memory_space<hbm>>
      %dma_wait3A_52 = arith.constant 0 : i32
      %dma_wait3A_53 = arith.constant 0 : i32
      %dma_wait3A_54 = tpu.memref_slice %arg3[%add3A, %dma_wait3A_52, %dma_wait3A_53] : memref<32x80x128xi32, #tpu.memory_space<hbm>> -> memref<1x80x128xi32, #tpu.memory_space<hbm>>
      %dma_wait3A_55 = tpu.memref_squeeze %dma_wait3A_54 : memref<1x80x128xi32, #tpu.memory_space<hbm>> -> memref<80x128xi32, #tpu.memory_space<hbm>>
      tpu.wait_dma2 semaphore(%run_scoped3A : memref<!tpu.dma_semaphore, #tpu.memory_space<semaphore_mem>>) src(%dma_wait3A_55 : memref<80x128xi32, #tpu.memory_space<hbm>>) dst(%arg6 : memref<80x128xi32, #tpu.memory_space<vmem>>)
      tpu.yield
    }) : () -> ()
    %barrier3A = arith.constant 0 : index
    tpu.barrier barrier_id(%barrier3A)
    %scan3A_18 = arith.constant 0 : i32
    %scan3A_19 = arith.constant 0 : i32
    %scan3A_20 = arith.constant 10 : i32
    %scan3A_21 = arith.addi %scan3A_19, %scan3A_20 : i32
    %scan3A_22 = arith.constant 1 : i32
    %scan3A_23 = scf.for %scan3A_42 = %scan3A_19 to %scan3A_21 step %scan3A_22 iter_args(%scan3A_43 = %scan3A_18) -> (i32)  : i32 {
      %mul3A_44 = arith.constant 8 : i32
      %mul3A_45 = arith.muli %scan3A_42, %mul3A_44 : i32
      %add3A_46 = arith.constant 0 : i32
      %add3A_47 = arith.addi %mul3A_45, %add3A_46 : i32
      %dma_start3A = arith.constant 0 : i32
      %dma_start3A_48 = tpu.memref_slice %arg5[%add3A_47, %dma_start3A] : memref<80x128xi32, #tpu.memory_space<vmem>> -> memref<1x128xi32, #tpu.memory_space<vmem>>
      %dma_start3A_49 = tpu.memref_squeeze %dma_start3A_48 : memref<1x128xi32, #tpu.memory_space<vmem>> -> memref<128xi32, #tpu.memory_space<vmem>>
      %dma_start3A_50 = arith.constant 0 : i32
      %dma_start3A_51 = tpu.memref_slice %arg9[%dma_start3A_50] : memref<10240xf32, #tpu.memory_space<vmem_shared>> -> memref<10240xf32, #tpu.memory_space<vmem_shared>>
      tpu.enqueue_indirect_dma source(%arg7 : memref<128xf32, #tpu.memory_space<vmem>>) target(%dma_start3A_51 : memref<10240xf32, #tpu.memory_space<vmem_shared>>) offsets(%dma_start3A_49 : memref<128xi32, #tpu.memory_space<vmem>>) semaphore(%arg11 : memref<!tpu.dma_semaphore, #tpu.memory_space<semaphore_mem>>) {add = true}
      %dma_start3A_52 = arith.constant 0 : i32
      %dma_start3A_53 = tpu.memref_slice %arg6[%add3A_47, %dma_start3A_52] : memref<80x128xi32, #tpu.memory_space<vmem>> -> memref<1x128xi32, #tpu.memory_space<vmem>>
      %dma_start3A_54 = tpu.memref_squeeze %dma_start3A_53 : memref<1x128xi32, #tpu.memory_space<vmem>> -> memref<128xi32, #tpu.memory_space<vmem>>
      %dma_start3A_55 = arith.constant 0 : i32
      %dma_start3A_56 = tpu.memref_slice %arg10[%dma_start3A_55] : memref<10240xf32, #tpu.memory_space<vmem_shared>> -> memref<10240xf32, #tpu.memory_space<vmem_shared>>
      tpu.enqueue_indirect_dma source(%arg7 : memref<128xf32, #tpu.memory_space<vmem>>) target(%dma_start3A_56 : memref<10240xf32, #tpu.memory_space<vmem_shared>>) offsets(%dma_start3A_54 : memref<128xi32, #tpu.memory_space<vmem>>) semaphore(%arg11 : memref<!tpu.dma_semaphore, #tpu.memory_space<semaphore_mem>>) {add = true}
      %mul3A_57 = arith.constant 8 : i32
      %mul3A_58 = arith.muli %scan3A_42, %mul3A_57 : i32
      %add3A_59 = arith.constant 1 : i32
      %add3A_60 = arith.addi %mul3A_58, %add3A_59 : i32
      %dma_start3A_61 = arith.constant 0 : i32
      %dma_start3A_62 = tpu.memref_slice %arg5[%add3A_60, %dma_start3A_61] : memref<80x128xi32, #tpu.memory_space<vmem>> -> memref<1x128xi32, #tpu.memory_space<vmem>>
      %dma_start3A_63 = tpu.memref_squeeze %dma_start3A_62 : memref<1x128xi32, #tpu.memory_space<vmem>> -> memref<128xi32, #tpu.memory_space<vmem>>
      %dma_start3A_64 = arith.constant 0 : i32
      %dma_start3A_65 = tpu.memref_slice %arg9[%dma_start3A_64] : memref<10240xf32, #tpu.memory_space<vmem_shared>> -> memref<10240xf32, #tpu.memory_space<vmem_shared>>
      tpu.enqueue_indirect_dma source(%arg7 : memref<128xf32, #tpu.memory_space<vmem>>) target(%dma_start3A_65 : memref<10240xf32, #tpu.memory_space<vmem_shared>>) offsets(%dma_start3A_63 : memref<128xi32, #tpu.memory_space<vmem>>) semaphore(%arg11 : memref<!tpu.dma_semaphore, #tpu.memory_space<semaphore_mem>>) {add = true}
      %dma_start3A_66 = arith.constant 0 : i32
      %dma_start3A_67 = tpu.memref_slice %arg6[%add3A_60, %dma_start3A_66] : memref<80x128xi32, #tpu.memory_space<vmem>> -> memref<1x128xi32, #tpu.memory_space<vmem>>
      %dma_start3A_68 = tpu.memref_squeeze %dma_start3A_67 : memref<1x128xi32, #tpu.memory_space<vmem>> -> memref<128xi32, #tpu.memory_space<vmem>>
      %dma_start3A_69 = arith.constant 0 : i32
      %dma_start3A_70 = tpu.memref_slice %arg10[%dma_start3A_69] : memref<10240xf32, #tpu.memory_space<vmem_shared>> -> memref<10240xf32, #tpu.memory_space<vmem_shared>>
      tpu.enqueue_indirect_dma source(%arg7 : memref<128xf32, #tpu.memory_space<vmem>>) target(%dma_start3A_70 : memref<10240xf32, #tpu.memory_space<vmem_shared>>) offsets(%dma_start3A_68 : memref<128xi32, #tpu.memory_space<vmem>>) semaphore(%arg11 : memref<!tpu.dma_semaphore, #tpu.memory_space<semaphore_mem>>) {add = true}
      %mul3A_71 = arith.constant 8 : i32
      %mul3A_72 = arith.muli %scan3A_42, %mul3A_71 : i32
      %add3A_73 = arith.constant 2 : i32
      %add3A_74 = arith.addi %mul3A_72, %add3A_73 : i32
      %dma_start3A_75 = arith.constant 0 : i32
      %dma_start3A_76 = tpu.memref_slice %arg5[%add3A_74, %dma_start3A_75] : memref<80x128xi32, #tpu.memory_space<vmem>> -> memref<1x128xi32, #tpu.memory_space<vmem>>
      %dma_start3A_77 = tpu.memref_squeeze %dma_start3A_76 : memref<1x128xi32, #tpu.memory_space<vmem>> -> memref<128xi32, #tpu.memory_space<vmem>>
      %dma_start3A_78 = arith.constant 0 : i32
      %dma_start3A_79 = tpu.memref_slice %arg9[%dma_start3A_78] : memref<10240xf32, #tpu.memory_space<vmem_shared>> -> memref<10240xf32, #tpu.memory_space<vmem_shared>>
      tpu.enqueue_indirect_dma source(%arg7 : memref<128xf32, #tpu.memory_space<vmem>>) target(%dma_start3A_79 : memref<10240xf32, #tpu.memory_space<vmem_shared>>) offsets(%dma_start3A_77 : memref<128xi32, #tpu.memory_space<vmem>>) semaphore(%arg11 : memref<!tpu.dma_semaphore, #tpu.memory_space<semaphore_mem>>) {add = true}
      %dma_start3A_80 = arith.constant 0 : i32
      %dma_start3A_81 = tpu.memref_slice %arg6[%add3A_74, %dma_start3A_80] : memref<80x128xi32, #tpu.memory_space<vmem>> -> memref<1x128xi32, #tpu.memory_space<vmem>>
      %dma_start3A_82 = tpu.memref_squeeze %dma_start3A_81 : memref<1x128xi32, #tpu.memory_space<vmem>> -> memref<128xi32, #tpu.memory_space<vmem>>
      %dma_start3A_83 = arith.constant 0 : i32
      %dma_start3A_84 = tpu.memref_slice %arg10[%dma_start3A_83] : memref<10240xf32, #tpu.memory_space<vmem_shared>> -> memref<10240xf32, #tpu.memory_space<vmem_shared>>
      tpu.enqueue_indirect_dma source(%arg7 : memref<128xf32, #tpu.memory_space<vmem>>) target(%dma_start3A_84 : memref<10240xf32, #tpu.memory_space<vmem_shared>>) offsets(%dma_start3A_82 : memref<128xi32, #tpu.memory_space<vmem>>) semaphore(%arg11 : memref<!tpu.dma_semaphore, #tpu.memory_space<semaphore_mem>>) {add = true}
      %mul3A_85 = arith.constant 8 : i32
      %mul3A_86 = arith.muli %scan3A_42, %mul3A_85 : i32
      %add3A_87 = arith.constant 3 : i32
      %add3A_88 = arith.addi %mul3A_86, %add3A_87 : i32
      %dma_start3A_89 = arith.constant 0 : i32
      %dma_start3A_90 = tpu.memref_slice %arg5[%add3A_88, %dma_start3A_89] : memref<80x128xi32, #tpu.memory_space<vmem>> -> memref<1x128xi32, #tpu.memory_space<vmem>>
      %dma_start3A_91 = tpu.memref_squeeze %dma_start3A_90 : memref<1x128xi32, #tpu.memory_space<vmem>> -> memref<128xi32, #tpu.memory_space<vmem>>
      %dma_start3A_92 = arith.constant 0 : i32
      %dma_start3A_93 = tpu.memref_slice %arg9[%dma_start3A_92] : memref<10240xf32, #tpu.memory_space<vmem_shared>> -> memref<10240xf32, #tpu.memory_space<vmem_shared>>
      tpu.enqueue_indirect_dma source(%arg7 : memref<128xf32, #tpu.memory_space<vmem>>) target(%dma_start3A_93 : memref<10240xf32, #tpu.memory_space<vmem_shared>>) offsets(%dma_start3A_91 : memref<128xi32, #tpu.memory_space<vmem>>) semaphore(%arg11 : memref<!tpu.dma_semaphore, #tpu.memory_space<semaphore_mem>>) {add = true}
      %dma_start3A_94 = arith.constant 0 : i32
      %dma_start3A_95 = tpu.memref_slice %arg6[%add3A_88, %dma_start3A_94] : memref<80x128xi32, #tpu.memory_space<vmem>> -> memref<1x128xi32, #tpu.memory_space<vmem>>
      %dma_start3A_96 = tpu.memref_squeeze %dma_start3A_95 : memref<1x128xi32, #tpu.memory_space<vmem>> -> memref<128xi32, #tpu.memory_space<vmem>>
      %dma_start3A_97 = arith.constant 0 : i32
      %dma_start3A_98 = tpu.memref_slice %arg10[%dma_start3A_97] : memref<10240xf32, #tpu.memory_space<vmem_shared>> -> memref<10240xf32, #tpu.memory_space<vmem_shared>>
      tpu.enqueue_indirect_dma source(%arg7 : memref<128xf32, #tpu.memory_space<vmem>>) target(%dma_start3A_98 : memref<10240xf32, #tpu.memory_space<vmem_shared>>) offsets(%dma_start3A_96 : memref<128xi32, #tpu.memory_space<vmem>>) semaphore(%arg11 : memref<!tpu.dma_semaphore, #tpu.memory_space<semaphore_mem>>) {add = true}
      %mul3A_99 = arith.constant 8 : i32
      %mul3A_100 = arith.muli %scan3A_42, %mul3A_99 : i32
      %add3A_101 = arith.constant 4 : i32
      %add3A_102 = arith.addi %mul3A_100, %add3A_101 : i32
      %dma_start3A_103 = arith.constant 0 : i32
      %dma_start3A_104 = tpu.memref_slice %arg5[%add3A_102, %dma_start3A_103] : memref<80x128xi32, #tpu.memory_space<vmem>> -> memref<1x128xi32, #tpu.memory_space<vmem>>
      %dma_start3A_105 = tpu.memref_squeeze %dma_start3A_104 : memref<1x128xi32, #tpu.memory_space<vmem>> -> memref<128xi32, #tpu.memory_space<vmem>>
      %dma_start3A_106 = arith.constant 0 : i32
      %dma_start3A_107 = tpu.memref_slice %arg9[%dma_start3A_106] : memref<10240xf32, #tpu.memory_space<vmem_shared>> -> memref<10240xf32, #tpu.memory_space<vmem_shared>>
      tpu.enqueue_indirect_dma source(%arg7 : memref<128xf32, #tpu.memory_space<vmem>>) target(%dma_start3A_107 : memref<10240xf32, #tpu.memory_space<vmem_shared>>) offsets(%dma_start3A_105 : memref<128xi32, #tpu.memory_space<vmem>>) semaphore(%arg11 : memref<!tpu.dma_semaphore, #tpu.memory_space<semaphore_mem>>) {add = true}
      %dma_start3A_108 = arith.constant 0 : i32
      %dma_start3A_109 = tpu.memref_slice %arg6[%add3A_102, %dma_start3A_108] : memref<80x128xi32, #tpu.memory_space<vmem>> -> memref<1x128xi32, #tpu.memory_space<vmem>>
      %dma_start3A_110 = tpu.memref_squeeze %dma_start3A_109 : memref<1x128xi32, #tpu.memory_space<vmem>> -> memref<128xi32, #tpu.memory_space<vmem>>
      %dma_start3A_111 = arith.constant 0 : i32
      %dma_start3A_112 = tpu.memref_slice %arg10[%dma_start3A_111] : memref<10240xf32, #tpu.memory_space<vmem_shared>> -> memref<10240xf32, #tpu.memory_space<vmem_shared>>
      tpu.enqueue_indirect_dma source(%arg7 : memref<128xf32, #tpu.memory_space<vmem>>) target(%dma_start3A_112 : memref<10240xf32, #tpu.memory_space<vmem_shared>>) offsets(%dma_start3A_110 : memref<128xi32, #tpu.memory_space<vmem>>) semaphore(%arg11 : memref<!tpu.dma_semaphore, #tpu.memory_space<semaphore_mem>>) {add = true}
      %mul3A_113 = arith.constant 8 : i32
      %mul3A_114 = arith.muli %scan3A_42, %mul3A_113 : i32
      %add3A_115 = arith.constant 5 : i32
      %add3A_116 = arith.addi %mul3A_114, %add3A_115 : i32
      %dma_start3A_117 = arith.constant 0 : i32
      %dma_start3A_118 = tpu.memref_slice %arg5[%add3A_116, %dma_start3A_117] : memref<80x128xi32, #tpu.memory_space<vmem>> -> memref<1x128xi32, #tpu.memory_space<vmem>>
      %dma_start3A_119 = tpu.memref_squeeze %dma_start3A_118 : memref<1x128xi32, #tpu.memory_space<vmem>> -> memref<128xi32, #tpu.memory_space<vmem>>
      %dma_start3A_120 = arith.constant 0 : i32
      %dma_start3A_121 = tpu.memref_slice %arg9[%dma_start3A_120] : memref<10240xf32, #tpu.memory_space<vmem_shared>> -> memref<10240xf32, #tpu.memory_space<vmem_shared>>
      tpu.enqueue_indirect_dma source(%arg7 : memref<128xf32, #tpu.memory_space<vmem>>) target(%dma_start3A_121 : memref<10240xf32, #tpu.memory_space<vmem_shared>>) offsets(%dma_start3A_119 : memref<128xi32, #tpu.memory_space<vmem>>) semaphore(%arg11 : memref<!tpu.dma_semaphore, #tpu.memory_space<semaphore_mem>>) {add = true}
      %dma_start3A_122 = arith.constant 0 : i32
      %dma_start3A_123 = tpu.memref_slice %arg6[%add3A_116, %dma_start3A_122] : memref<80x128xi32, #tpu.memory_space<vmem>> -> memref<1x128xi32, #tpu.memory_space<vmem>>
      %dma_start3A_124 = tpu.memref_squeeze %dma_start3A_123 : memref<1x128xi32, #tpu.memory_space<vmem>> -> memref<128xi32, #tpu.memory_space<vmem>>
      %dma_start3A_125 = arith.constant 0 : i32
      %dma_start3A_126 = tpu.memref_slice %arg10[%dma_start3A_125] : memref<10240xf32, #tpu.memory_space<vmem_shared>> -> memref<10240xf32, #tpu.memory_space<vmem_shared>>
      tpu.enqueue_indirect_dma source(%arg7 : memref<128xf32, #tpu.memory_space<vmem>>) target(%dma_start3A_126 : memref<10240xf32, #tpu.memory_space<vmem_shared>>) offsets(%dma_start3A_124 : memref<128xi32, #tpu.memory_space<vmem>>) semaphore(%arg11 : memref<!tpu.dma_semaphore, #tpu.memory_space<semaphore_mem>>) {add = true}
      %mul3A_127 = arith.constant 8 : i32
      %mul3A_128 = arith.muli %scan3A_42, %mul3A_127 : i32
      %add3A_129 = arith.constant 6 : i32
      %add3A_130 = arith.addi %mul3A_128, %add3A_129 : i32
      %dma_start3A_131 = arith.constant 0 : i32
      %dma_start3A_132 = tpu.memref_slice %arg5[%add3A_130, %dma_start3A_131] : memref<80x128xi32, #tpu.memory_space<vmem>> -> memref<1x128xi32, #tpu.memory_space<vmem>>
      %dma_start3A_133 = tpu.memref_squeeze %dma_start3A_132 : memref<1x128xi32, #tpu.memory_space<vmem>> -> memref<128xi32, #tpu.memory_space<vmem>>
      %dma_start3A_134 = arith.constant 0 : i32
      %dma_start3A_135 = tpu.memref_slice %arg9[%dma_start3A_134] : memref<10240xf32, #tpu.memory_space<vmem_shared>> -> memref<10240xf32, #tpu.memory_space<vmem_shared>>
      tpu.enqueue_indirect_dma source(%arg7 : memref<128xf32, #tpu.memory_space<vmem>>) target(%dma_start3A_135 : memref<10240xf32, #tpu.memory_space<vmem_shared>>) offsets(%dma_start3A_133 : memref<128xi32, #tpu.memory_space<vmem>>) semaphore(%arg11 : memref<!tpu.dma_semaphore, #tpu.memory_space<semaphore_mem>>) {add = true}
      %dma_start3A_136 = arith.constant 0 : i32
      %dma_start3A_137 = tpu.memref_slice %arg6[%add3A_130, %dma_start3A_136] : memref<80x128xi32, #tpu.memory_space<vmem>> -> memref<1x128xi32, #tpu.memory_space<vmem>>
      %dma_start3A_138 = tpu.memref_squeeze %dma_start3A_137 : memref<1x128xi32, #tpu.memory_space<vmem>> -> memref<128xi32, #tpu.memory_space<vmem>>
      %dma_start3A_139 = arith.constant 0 : i32
      %dma_start3A_140 = tpu.memref_slice %arg10[%dma_start3A_139] : memref<10240xf32, #tpu.memory_space<vmem_shared>> -> memref<10240xf32, #tpu.memory_space<vmem_shared>>
      tpu.enqueue_indirect_dma source(%arg7 : memref<128xf32, #tpu.memory_space<vmem>>) target(%dma_start3A_140 : memref<10240xf32, #tpu.memory_space<vmem_shared>>) offsets(%dma_start3A_138 : memref<128xi32, #tpu.memory_space<vmem>>) semaphore(%arg11 : memref<!tpu.dma_semaphore, #tpu.memory_space<semaphore_mem>>) {add = true}
      %mul3A_141 = arith.constant 8 : i32
      %mul3A_142 = arith.muli %scan3A_42, %mul3A_141 : i32
      %add3A_143 = arith.constant 7 : i32
      %add3A_144 = arith.addi %mul3A_142, %add3A_143 : i32
      %dma_start3A_145 = arith.constant 0 : i32
      %dma_start3A_146 = tpu.memref_slice %arg5[%add3A_144, %dma_start3A_145] : memref<80x128xi32, #tpu.memory_space<vmem>> -> memref<1x128xi32, #tpu.memory_space<vmem>>
      %dma_start3A_147 = tpu.memref_squeeze %dma_start3A_146 : memref<1x128xi32, #tpu.memory_space<vmem>> -> memref<128xi32, #tpu.memory_space<vmem>>
      %dma_start3A_148 = arith.constant 0 : i32
      %dma_start3A_149 = tpu.memref_slice %arg9[%dma_start3A_148] : memref<10240xf32, #tpu.memory_space<vmem_shared>> -> memref<10240xf32, #tpu.memory_space<vmem_shared>>
      tpu.enqueue_indirect_dma source(%arg7 : memref<128xf32, #tpu.memory_space<vmem>>) target(%dma_start3A_149 : memref<10240xf32, #tpu.memory_space<vmem_shared>>) offsets(%dma_start3A_147 : memref<128xi32, #tpu.memory_space<vmem>>) semaphore(%arg11 : memref<!tpu.dma_semaphore, #tpu.memory_space<semaphore_mem>>) {add = true}
      %dma_start3A_150 = arith.constant 0 : i32
      %dma_start3A_151 = tpu.memref_slice %arg6[%add3A_144, %dma_start3A_150] : memref<80x128xi32, #tpu.memory_space<vmem>> -> memref<1x128xi32, #tpu.memory_space<vmem>>
      %dma_start3A_152 = tpu.memref_squeeze %dma_start3A_151 : memref<1x128xi32, #tpu.memory_space<vmem>> -> memref<128xi32, #tpu.memory_space<vmem>>
      %dma_start3A_153 = arith.constant 0 : i32
      %dma_start3A_154 = tpu.memref_slice %arg10[%dma_start3A_153] : memref<10240xf32, #tpu.memory_space<vmem_shared>> -> memref<10240xf32, #tpu.memory_space<vmem_shared>>
      tpu.enqueue_indirect_dma source(%arg7 : memref<128xf32, #tpu.memory_space<vmem>>) target(%dma_start3A_154 : memref<10240xf32, #tpu.memory_space<vmem_shared>>) offsets(%dma_start3A_152 : memref<128xi32, #tpu.memory_space<vmem>>) semaphore(%arg11 : memref<!tpu.dma_semaphore, #tpu.memory_space<semaphore_mem>>) {add = true}
      %dma_wait3A = arith.constant 0 : i32
      %dma_wait3A_155 = arith.constant 0 : i32
      %dma_wait3A_156 = tpu.memref_slice %arg5[%dma_wait3A, %dma_wait3A_155] : memref<80x128xi32, #tpu.memory_space<vmem>> -> memref<1x128xi32, #tpu.memory_space<vmem>>
      %dma_wait3A_157 = tpu.memref_squeeze %dma_wait3A_156 : memref<1x128xi32, #tpu.memory_space<vmem>> -> memref<128xi32, #tpu.memory_space<vmem>>
      %dma_wait3A_158 = arith.constant 0 : i32
      %dma_wait3A_159 = tpu.memref_slice %arg9[%dma_wait3A_158] : memref<10240xf32, #tpu.memory_space<vmem_shared>> -> memref<10240xf32, #tpu.memory_space<vmem_shared>>
      tpu.wait_indirect_dma semaphore(%arg11 : memref<!tpu.dma_semaphore, #tpu.memory_space<semaphore_mem>>) src(%arg7 : memref<128xf32, #tpu.memory_space<vmem>>) dst(%dma_wait3A_159 : memref<10240xf32, #tpu.memory_space<vmem_shared>>)
      %dma_wait3A_160 = arith.constant 0 : i32
      %dma_wait3A_161 = arith.constant 0 : i32
      %dma_wait3A_162 = tpu.memref_slice %arg5[%dma_wait3A_160, %dma_wait3A_161] : memref<80x128xi32, #tpu.memory_space<vmem>> -> memref<1x128xi32, #tpu.memory_space<vmem>>
      %dma_wait3A_163 = tpu.memref_squeeze %dma_wait3A_162 : memref<1x128xi32, #tpu.memory_space<vmem>> -> memref<128xi32, #tpu.memory_space<vmem>>
      %dma_wait3A_164 = arith.constant 0 : i32
      %dma_wait3A_165 = tpu.memref_slice %arg9[%dma_wait3A_164] : memref<10240xf32, #tpu.memory_space<vmem_shared>> -> memref<10240xf32, #tpu.memory_space<vmem_shared>>
      tpu.wait_indirect_dma semaphore(%arg11 : memref<!tpu.dma_semaphore, #tpu.memory_space<semaphore_mem>>) src(%arg7 : memref<128xf32, #tpu.memory_space<vmem>>) dst(%dma_wait3A_165 : memref<10240xf32, #tpu.memory_space<vmem_shared>>)
      %dma_wait3A_166 = arith.constant 0 : i32
      %dma_wait3A_167 = arith.constant 0 : i32
      %dma_wait3A_168 = tpu.memref_slice %arg5[%dma_wait3A_166, %dma_wait3A_167] : memref<80x128xi32, #tpu.memory_space<vmem>> -> memref<1x128xi32, #tpu.memory_space<vmem>>
      %dma_wait3A_169 = tpu.memref_squeeze %dma_wait3A_168 : memref<1x128xi32, #tpu.memory_space<vmem>> -> memref<128xi32, #tpu.memory_space<vmem>>
      %dma_wait3A_170 = arith.constant 0 : i32
      %dma_wait3A_171 = tpu.memref_slice %arg9[%dma_wait3A_170] : memref<10240xf32, #tpu.memory_space<vmem_shared>> -> memref<10240xf32, #tpu.memory_space<vmem_shared>>
      tpu.wait_indirect_dma semaphore(%arg11 : memref<!tpu.dma_semaphore, #tpu.memory_space<semaphore_mem>>) src(%arg7 : memref<128xf32, #tpu.memory_space<vmem>>) dst(%dma_wait3A_171 : memref<10240xf32, #tpu.memory_space<vmem_shared>>)
      %dma_wait3A_172 = arith.constant 0 : i32
      %dma_wait3A_173 = arith.constant 0 : i32
      %dma_wait3A_174 = tpu.memref_slice %arg5[%dma_wait3A_172, %dma_wait3A_173] : memref<80x128xi32, #tpu.memory_space<vmem>> -> memref<1x128xi32, #tpu.memory_space<vmem>>
      %dma_wait3A_175 = tpu.memref_squeeze %dma_wait3A_174 : memref<1x128xi32, #tpu.memory_space<vmem>> -> memref<128xi32, #tpu.memory_space<vmem>>
      %dma_wait3A_176 = arith.constant 0 : i32
      %dma_wait3A_177 = tpu.memref_slice %arg9[%dma_wait3A_176] : memref<10240xf32, #tpu.memory_space<vmem_shared>> -> memref<10240xf32, #tpu.memory_space<vmem_shared>>
      tpu.wait_indirect_dma semaphore(%arg11 : memref<!tpu.dma_semaphore, #tpu.memory_space<semaphore_mem>>) src(%arg7 : memref<128xf32, #tpu.memory_space<vmem>>) dst(%dma_wait3A_177 : memref<10240xf32, #tpu.memory_space<vmem_shared>>)
      %dma_wait3A_178 = arith.constant 0 : i32
      %dma_wait3A_179 = arith.constant 0 : i32
      %dma_wait3A_180 = tpu.memref_slice %arg5[%dma_wait3A_178, %dma_wait3A_179] : memref<80x128xi32, #tpu.memory_space<vmem>> -> memref<1x128xi32, #tpu.memory_space<vmem>>
      %dma_wait3A_181 = tpu.memref_squeeze %dma_wait3A_180 : memref<1x128xi32, #tpu.memory_space<vmem>> -> memref<128xi32, #tpu.memory_space<vmem>>
      %dma_wait3A_182 = arith.constant 0 : i32
      %dma_wait3A_183 = tpu.memref_slice %arg9[%dma_wait3A_182] : memref<10240xf32, #tpu.memory_space<vmem_shared>> -> memref<10240xf32, #tpu.memory_space<vmem_shared>>
      tpu.wait_indirect_dma semaphore(%arg11 : memref<!tpu.dma_semaphore, #tpu.memory_space<semaphore_mem>>) src(%arg7 : memref<128xf32, #tpu.memory_space<vmem>>) dst(%dma_wait3A_183 : memref<10240xf32, #tpu.memory_space<vmem_shared>>)
      %dma_wait3A_184 = arith.constant 0 : i32
      %dma_wait3A_185 = arith.constant 0 : i32
      %dma_wait3A_186 = tpu.memref_slice %arg5[%dma_wait3A_184, %dma_wait3A_185] : memref<80x128xi32, #tpu.memory_space<vmem>> -> memref<1x128xi32, #tpu.memory_space<vmem>>
      %dma_wait3A_187 = tpu.memref_squeeze %dma_wait3A_186 : memref<1x128xi32, #tpu.memory_space<vmem>> -> memref<128xi32, #tpu.memory_space<vmem>>
      %dma_wait3A_188 = arith.constant 0 : i32
      %dma_wait3A_189 = tpu.memref_slice %arg9[%dma_wait3A_188] : memref<10240xf32, #tpu.memory_space<vmem_shared>> -> memref<10240xf32, #tpu.memory_space<vmem_shared>>
      tpu.wait_indirect_dma semaphore(%arg11 : memref<!tpu.dma_semaphore, #tpu.memory_space<semaphore_mem>>) src(%arg7 : memref<128xf32, #tpu.memory_space<vmem>>) dst(%dma_wait3A_189 : memref<10240xf32, #tpu.memory_space<vmem_shared>>)
      %dma_wait3A_190 = arith.constant 0 : i32
      %dma_wait3A_191 = arith.constant 0 : i32
      %dma_wait3A_192 = tpu.memref_slice %arg5[%dma_wait3A_190, %dma_wait3A_191] : memref<80x128xi32, #tpu.memory_space<vmem>> -> memref<1x128xi32, #tpu.memory_space<vmem>>
      %dma_wait3A_193 = tpu.memref_squeeze %dma_wait3A_192 : memref<1x128xi32, #tpu.memory_space<vmem>> -> memref<128xi32, #tpu.memory_space<vmem>>
      %dma_wait3A_194 = arith.constant 0 : i32
      %dma_wait3A_195 = tpu.memref_slice %arg9[%dma_wait3A_194] : memref<10240xf32, #tpu.memory_space<vmem_shared>> -> memref<10240xf32, #tpu.memory_space<vmem_shared>>
      tpu.wait_indirect_dma semaphore(%arg11 : memref<!tpu.dma_semaphore, #tpu.memory_space<semaphore_mem>>) src(%arg7 : memref<128xf32, #tpu.memory_space<vmem>>) dst(%dma_wait3A_195 : memref<10240xf32, #tpu.memory_space<vmem_shared>>)
      %dma_wait3A_196 = arith.constant 0 : i32
      %dma_wait3A_197 = arith.constant 0 : i32
      %dma_wait3A_198 = tpu.memref_slice %arg5[%dma_wait3A_196, %dma_wait3A_197] : memref<80x128xi32, #tpu.memory_space<vmem>> -> memref<1x128xi32, #tpu.memory_space<vmem>>
      %dma_wait3A_199 = tpu.memref_squeeze %dma_wait3A_198 : memref<1x128xi32, #tpu.memory_space<vmem>> -> memref<128xi32, #tpu.memory_space<vmem>>
      %dma_wait3A_200 = arith.constant 0 : i32
      %dma_wait3A_201 = tpu.memref_slice %arg9[%dma_wait3A_200] : memref<10240xf32, #tpu.memory_space<vmem_shared>> -> memref<10240xf32, #tpu.memory_space<vmem_shared>>
      tpu.wait_indirect_dma semaphore(%arg11 : memref<!tpu.dma_semaphore, #tpu.memory_space<semaphore_mem>>) src(%arg7 : memref<128xf32, #tpu.memory_space<vmem>>) dst(%dma_wait3A_201 : memref<10240xf32, #tpu.memory_space<vmem_shared>>)
      %dma_wait3A_202 = arith.constant 0 : i32
      %dma_wait3A_203 = arith.constant 0 : i32
      %dma_wait3A_204 = tpu.memref_slice %arg5[%dma_wait3A_202, %dma_wait3A_203] : memref<80x128xi32, #tpu.memory_space<vmem>> -> memref<1x128xi32, #tpu.memory_space<vmem>>
      %dma_wait3A_205 = tpu.memref_squeeze %dma_wait3A_204 : memref<1x128xi32, #tpu.memory_space<vmem>> -> memref<128xi32, #tpu.memory_space<vmem>>
      %dma_wait3A_206 = arith.constant 0 : i32
      %dma_wait3A_207 = tpu.memref_slice %arg9[%dma_wait3A_206] : memref<10240xf32, #tpu.memory_space<vmem_shared>> -> memref<10240xf32, #tpu.memory_space<vmem_shared>>
      tpu.wait_indirect_dma semaphore(%arg11 : memref<!tpu.dma_semaphore, #tpu.memory_space<semaphore_mem>>) src(%arg7 : memref<128xf32, #tpu.memory_space<vmem>>) dst(%dma_wait3A_207 : memref<10240xf32, #tpu.memory_space<vmem_shared>>)
      %dma_wait3A_208 = arith.constant 0 : i32
      %dma_wait3A_209 = arith.constant 0 : i32
      %dma_wait3A_210 = tpu.memref_slice %arg5[%dma_wait3A_208, %dma_wait3A_209] : memref<80x128xi32, #tpu.memory_space<vmem>> -> memref<1x128xi32, #tpu.memory_space<vmem>>
      %dma_wait3A_211 = tpu.memref_squeeze %dma_wait3A_210 : memref<1x128xi32, #tpu.memory_space<vmem>> -> memref<128xi32, #tpu.memory_space<vmem>>
      %dma_wait3A_212 = arith.constant 0 : i32
      %dma_wait3A_213 = tpu.memref_slice %arg9[%dma_wait3A_212] : memref<10240xf32, #tpu.memory_space<vmem_shared>> -> memref<10240xf32, #tpu.memory_space<vmem_shared>>
      tpu.wait_indirect_dma semaphore(%arg11 : memref<!tpu.dma_semaphore, #tpu.memory_space<semaphore_mem>>) src(%arg7 : memref<128xf32, #tpu.memory_space<vmem>>) dst(%dma_wait3A_213 : memref<10240xf32, #tpu.memory_space<vmem_shared>>)
      %dma_wait3A_214 = arith.constant 0 : i32
      %dma_wait3A_215 = arith.constant 0 : i32
      %dma_wait3A_216 = tpu.memref_slice %arg5[%dma_wait3A_214, %dma_wait3A_215] : memref<80x128xi32, #tpu.memory_space<vmem>> -> memref<1x128xi32, #tpu.memory_space<vmem>>
      %dma_wait3A_217 = tpu.memref_squeeze %dma_wait3A_216 : memref<1x128xi32, #tpu.memory_space<vmem>> -> memref<128xi32, #tpu.memory_space<vmem>>
      %dma_wait3A_218 = arith.constant 0 : i32
      %dma_wait3A_219 = tpu.memref_slice %arg9[%dma_wait3A_218] : memref<10240xf32, #tpu.memory_space<vmem_shared>> -> memref<10240xf32, #tpu.memory_space<vmem_shared>>
      tpu.wait_indirect_dma semaphore(%arg11 : memref<!tpu.dma_semaphore, #tpu.memory_space<semaphore_mem>>) src(%arg7 : memref<128xf32, #tpu.memory_space<vmem>>) dst(%dma_wait3A_219 : memref<10240xf32, #tpu.memory_space<vmem_shared>>)
      %dma_wait3A_220 = arith.constant 0 : i32
      %dma_wait3A_221 = arith.constant 0 : i32
      %dma_wait3A_222 = tpu.memref_slice %arg5[%dma_wait3A_220, %dma_wait3A_221] : memref<80x128xi32, #tpu.memory_space<vmem>> -> memref<1x128xi32, #tpu.memory_space<vmem>>
      %dma_wait3A_223 = tpu.memref_squeeze %dma_wait3A_222 : memref<1x128xi32, #tpu.memory_space<vmem>> -> memref<128xi32, #tpu.memory_space<vmem>>
      %dma_wait3A_224 = arith.constant 0 : i32
      %dma_wait3A_225 = tpu.memref_slice %arg9[%dma_wait3A_224] : memref<10240xf32, #tpu.memory_space<vmem_shared>> -> memref<10240xf32, #tpu.memory_space<vmem_shared>>
      tpu.wait_indirect_dma semaphore(%arg11 : memref<!tpu.dma_semaphore, #tpu.memory_space<semaphore_mem>>) src(%arg7 : memref<128xf32, #tpu.memory_space<vmem>>) dst(%dma_wait3A_225 : memref<10240xf32, #tpu.memory_space<vmem_shared>>)
      %dma_wait3A_226 = arith.constant 0 : i32
      %dma_wait3A_227 = arith.constant 0 : i32
      %dma_wait3A_228 = tpu.memref_slice %arg5[%dma_wait3A_226, %dma_wait3A_227] : memref<80x128xi32, #tpu.memory_space<vmem>> -> memref<1x128xi32, #tpu.memory_space<vmem>>
      %dma_wait3A_229 = tpu.memref_squeeze %dma_wait3A_228 : memref<1x128xi32, #tpu.memory_space<vmem>> -> memref<128xi32, #tpu.memory_space<vmem>>
      %dma_wait3A_230 = arith.constant 0 : i32
      %dma_wait3A_231 = tpu.memref_slice %arg9[%dma_wait3A_230] : memref<10240xf32, #tpu.memory_space<vmem_shared>> -> memref<10240xf32, #tpu.memory_space<vmem_shared>>
      tpu.wait_indirect_dma semaphore(%arg11 : memref<!tpu.dma_semaphore, #tpu.memory_space<semaphore_mem>>) src(%arg7 : memref<128xf32, #tpu.memory_space<vmem>>) dst(%dma_wait3A_231 : memref<10240xf32, #tpu.memory_space<vmem_shared>>)
      %dma_wait3A_232 = arith.constant 0 : i32
      %dma_wait3A_233 = arith.constant 0 : i32
      %dma_wait3A_234 = tpu.memref_slice %arg5[%dma_wait3A_232, %dma_wait3A_233] : memref<80x128xi32, #tpu.memory_space<vmem>> -> memref<1x128xi32, #tpu.memory_space<vmem>>
      %dma_wait3A_235 = tpu.memref_squeeze %dma_wait3A_234 : memref<1x128xi32, #tpu.memory_space<vmem>> -> memref<128xi32, #tpu.memory_space<vmem>>
      %dma_wait3A_236 = arith.constant 0 : i32
      %dma_wait3A_237 = tpu.memref_slice %arg9[%dma_wait3A_236] : memref<10240xf32, #tpu.memory_space<vmem_shared>> -> memref<10240xf32, #tpu.memory_space<vmem_shared>>
      tpu.wait_indirect_dma semaphore(%arg11 : memref<!tpu.dma_semaphore, #tpu.memory_space<semaphore_mem>>) src(%arg7 : memref<128xf32, #tpu.memory_space<vmem>>) dst(%dma_wait3A_237 : memref<10240xf32, #tpu.memory_space<vmem_shared>>)
      %dma_wait3A_238 = arith.constant 0 : i32
      %dma_wait3A_239 = arith.constant 0 : i32
      %dma_wait3A_240 = tpu.memref_slice %arg5[%dma_wait3A_238, %dma_wait3A_239] : memref<80x128xi32, #tpu.memory_space<vmem>> -> memref<1x128xi32, #tpu.memory_space<vmem>>
      %dma_wait3A_241 = tpu.memref_squeeze %dma_wait3A_240 : memref<1x128xi32, #tpu.memory_space<vmem>> -> memref<128xi32, #tpu.memory_space<vmem>>
      %dma_wait3A_242 = arith.constant 0 : i32
      %dma_wait3A_243 = tpu.memref_slice %arg9[%dma_wait3A_242] : memref<10240xf32, #tpu.memory_space<vmem_shared>> -> memref<10240xf32, #tpu.memory_space<vmem_shared>>
      tpu.wait_indirect_dma semaphore(%arg11 : memref<!tpu.dma_semaphore, #tpu.memory_space<semaphore_mem>>) src(%arg7 : memref<128xf32, #tpu.memory_space<vmem>>) dst(%dma_wait3A_243 : memref<10240xf32, #tpu.memory_space<vmem_shared>>)
      %dma_wait3A_244 = arith.constant 0 : i32
      %dma_wait3A_245 = arith.constant 0 : i32
      %dma_wait3A_246 = tpu.memref_slice %arg5[%dma_wait3A_244, %dma_wait3A_245] : memref<80x128xi32, #tpu.memory_space<vmem>> -> memref<1x128xi32, #tpu.memory_space<vmem>>
      %dma_wait3A_247 = tpu.memref_squeeze %dma_wait3A_246 : memref<1x128xi32, #tpu.memory_space<vmem>> -> memref<128xi32, #tpu.memory_space<vmem>>
      %dma_wait3A_248 = arith.constant 0 : i32
      %dma_wait3A_249 = tpu.memref_slice %arg9[%dma_wait3A_248] : memref<10240xf32, #tpu.memory_space<vmem_shared>> -> memref<10240xf32, #tpu.memory_space<vmem_shared>>
      tpu.wait_indirect_dma semaphore(%arg11 : memref<!tpu.dma_semaphore, #tpu.memory_space<semaphore_mem>>) src(%arg7 : memref<128xf32, #tpu.memory_space<vmem>>) dst(%dma_wait3A_249 : memref<10240xf32, #tpu.memory_space<vmem_shared>>)
      %scan3A_250 = arith.constant 0 : i32
      scf.yield %scan3A_250 : i32
    }
    %scan3A_24 = arith.constant 10 : i32
    %barrier3A_25 = arith.constant 0 : index
    tpu.barrier barrier_id(%barrier3A_25)
    %mul3A_26 = arith.constant 2 : i32
    %mul3A_27 = arith.muli %arg0, %mul3A_26 : i32
    %mul3A_28 = arith.constant 10240 : i32
    %mul3A_29 = arith.muli %mul3A_27, %mul3A_28 : i32
    %mul3A_30 = arith.constant 640 : i32
    %mul3A_31 = arith.muli %arg1, %mul3A_30 : i32
    %mul3A_32 = arith.constant 640 : i32
    %mul3A_33 = arith.muli %arg1, %mul3A_32 : i32
    %add3A_34 = arith.addi %mul3A_29, %mul3A_33 : i32
    "tpu.region"() ({
      %run_scoped3A = tpu.sem_alloc : memref<!tpu.dma_semaphore, #tpu.memory_space<semaphore_mem>>
      %dma_start3A = tpu.memref_slice %arg4[%add3A_34] : memref<40960xf32, #tpu.memory_space<hbm>> -> memref<640xf32, #tpu.memory_space<hbm>>
      %dma_start3A_42 = tpu.memref_slice %arg9[%mul3A_31] : memref<10240xf32, #tpu.memory_space<vmem_shared>> -> memref<640xf32, #tpu.memory_space<vmem_shared>>
      tpu.enqueue_dma source(%dma_start3A_42 : memref<640xf32, #tpu.memory_space<vmem_shared>>) target(%dma_start3A : memref<640xf32, #tpu.memory_space<hbm>>) target_semaphore(%run_scoped3A : memref<!tpu.dma_semaphore, #tpu.memory_space<semaphore_mem>>)
      %dma_wait3A = tpu.memref_slice %arg4[%add3A_34] : memref<40960xf32, #tpu.memory_space<hbm>> -> memref<640xf32, #tpu.memory_space<hbm>>
      %dma_wait3A_43 = tpu.memref_slice %arg9[%mul3A_31] : memref<10240xf32, #tpu.memory_space<vmem_shared>> -> memref<640xf32, #tpu.memory_space<vmem_shared>>
      tpu.wait_dma2 semaphore(%run_scoped3A : memref<!tpu.dma_semaphore, #tpu.memory_space<semaphore_mem>>) src(%dma_wait3A_43 : memref<640xf32, #tpu.memory_space<vmem_shared>>) dst(%dma_wait3A : memref<640xf32, #tpu.memory_space<hbm>>)
      tpu.yield
    }) : () -> ()
    %mul3A_35 = arith.constant 640 : i32
    %mul3A_36 = arith.muli %arg1, %mul3A_35 : i32
    %add3A_37 = arith.constant 10240 : i32
    %add3A_38 = arith.addi %mul3A_29, %add3A_37 : i32
    %mul3A_39 = arith.constant 640 : i32
    %mul3A_40 = arith.muli %arg1, %mul3A_39 : i32
    %add3A_41 = arith.addi %add3A_38, %mul3A_40 : i32
    "tpu.region"() ({
      %run_scoped3A = tpu.sem_alloc : memref<!tpu.dma_semaphore, #tpu.memory_space<semaphore_mem>>
      %dma_start3A = tpu.memref_slice %arg4[%add3A_41] : memref<40960xf32, #tpu.memory_space<hbm>> -> memref<640xf32, #tpu.memory_space<hbm>>
      %dma_start3A_42 = tpu.memref_slice %arg10[%mul3A_36] : memref<10240xf32, #tpu.memory_space<vmem_shared>> -> memref<640xf32, #tpu.memory_space<vmem_shared>>
      tpu.enqueue_dma source(%dma_start3A_42 : memref<640xf32, #tpu.memory_space<vmem_shared>>) target(%dma_start3A : memref<640xf32, #tpu.memory_space<hbm>>) target_semaphore(%run_scoped3A : memref<!tpu.dma_semaphore, #tpu.memory_space<semaphore_mem>>)
      %dma_wait3A = tpu.memref_slice %arg4[%add3A_41] : memref<40960xf32, #tpu.memory_space<hbm>> -> memref<640xf32, #tpu.memory_space<hbm>>
      %dma_wait3A_43 = tpu.memref_slice %arg10[%mul3A_36] : memref<10240xf32, #tpu.memory_space<vmem_shared>> -> memref<640xf32, #tpu.memory_space<vmem_shared>>
      tpu.wait_dma2 semaphore(%run_scoped3A : memref<!tpu.dma_semaphore, #tpu.memory_space<semaphore_mem>>) src(%dma_wait3A_43 : memref<640xf32, #tpu.memory_space<vmem_shared>>) dst(%dma_wait3A : memref<640xf32, #tpu.memory_space<hbm>>)
      tpu.yield
    }) : () -> ()
    return
  }
}

module attributes {stable_mosaic.version = 14 : i64} {
  func.func @_mm_body(%arg0: i32, %arg1: memref<1024x128xf32, #tpu.memory_space<vmem>>, %arg2: memref<128x128xf32, #tpu.memory_space<vmem>>, %arg3: memref<1024x128xf32, #tpu.memory_space<vmem>>) attributes {dimension_semantics = [#tpu.dimension_semantics<arbitrary>], iteration_bounds = array<i64: 10>, scalar_prefetch = 0 : i64, scratch_operands = 0 : i64, tpu.core_type = #tpu.core_type<tc>, window_params = [{transform_indices = @transform_0, window_bounds = array<i64: 1024, 128>}, {pipeline_mode = #tpu.pipeline_mode<synchronous>, transform_indices = @transform_1, window_bounds = array<i64: 128, 128>}, {transform_indices = @transform_2, window_bounds = array<i64: 1024, 128>}]} {
    %get3A = arith.constant 0 : index
    %get3A_0 = arith.constant 0 : index
    %get3A_1 = vector.load %arg1[%get3A, %get3A_0] : memref<1024x128xf32, #tpu.memory_space<vmem>>, vector<1024x128xf32>
    %get3A_2 = arith.constant 0 : index
    %get3A_3 = arith.constant 0 : index
    %get3A_4 = vector.load %arg2[%get3A_2, %get3A_3] : memref<128x128xf32, #tpu.memory_space<vmem>>, vector<128x128xf32>
    %dot_general3A = arith.constant dense<0.000000e+00> : vector<1024x128xf32>
    %dot_general3A_5 = tpu.matmul %get3A_1, %get3A_4, %dot_general3A {dimension_numbers = #tpu.dot_dimension_numbers<[1], [0], [0], [1], [0, 0, 1, 1], [], []>, transpose_lhs_hint = false} : vector<1024x128xf32>, vector<128x128xf32>, vector<1024x128xf32> -> vector<1024x128xf32>
    %swap3A = arith.constant 0 : index
    %swap3A_6 = arith.constant 0 : index
    %swap3A_7 = vector.load %arg3[%swap3A, %swap3A_6] : memref<1024x128xf32, #tpu.memory_space<vmem>>, vector<1024x128xf32>
    tpu.vector_store %arg3[%swap3A, %swap3A_6], %dot_general3A_5 {strides = array<i32>} : memref<1024x128xf32, #tpu.memory_space<vmem>>, vector<1024x128xf32>,
    return
  }
  func.func @transform_0(%arg0: i32) -> (i32, i32) {
    %c0_i32 = arith.constant 0 : i32
    %c0_i32_0 = arith.constant 0 : i32
    return %arg0, %c0_i32 : i32, i32
  }
  func.func @transform_1(%arg0: i32) -> (i32, i32) {
    %c0_i32 = arith.constant 0 : i32
    %c0_i32_0 = arith.constant 0 : i32
    %c0_i32_1 = arith.constant 0 : i32
    return %c0_i32, %c0_i32_0 : i32, i32
  }
  func.func @transform_2(%arg0: i32) -> (i32, i32) {
    %c0_i32 = arith.constant 0 : i32
    %c0_i32_0 = arith.constant 0 : i32
    return %arg0, %c0_i32 : i32, i32
  }
}

module attributes {stable_mosaic.version = 14 : i64} {
  func.func @_scale_body(%arg0: i32, %arg1: memref<40960xf32, #tpu.memory_space<vmem>>, %arg2: memref<10240xf32, #tpu.memory_space<vmem>>, %arg3: memref<1024x128xf32, #tpu.memory_space<vmem>>, %arg4: memref<1024x128xf32, #tpu.memory_space<vmem>>) attributes {dimension_semantics = [#tpu.dimension_semantics<arbitrary>], iteration_bounds = array<i64: 10>, scalar_prefetch = 0 : i64, scratch_operands = 0 : i64, tpu.core_type = #tpu.core_type<tc>, window_params = [{pipeline_mode = #tpu.pipeline_mode<synchronous>, transform_indices = @transform_0, window_bounds = array<i64: 40960>}, {pipeline_mode = #tpu.pipeline_mode<synchronous>, transform_indices = @transform_1, window_bounds = array<i64: 10240>}, {transform_indices = @transform_2, window_bounds = array<i64: 1024, 128>}, {transform_indices = @transform_3, window_bounds = array<i64: 1024, 128>}]} {
    %get3A = arith.constant 0 : index
    %get3A_0 = arith.constant 0 : index
    %get3A_1 = vector.load %arg3[%get3A, %get3A_0] : memref<1024x128xf32, #tpu.memory_space<vmem>>, vector<1024x128xf32>
    %mul3A = arith.constant 1024 : i32
    %mul3A_2 = arith.muli %arg0, %mul3A : i32
    %get3A_3 = arith.index_cast %mul3A_2 : i32 to index
    %get3A_4 = vector.load %arg1[%get3A_3] : memref<40960xf32, #tpu.memory_space<vmem>>, vector<1024xf32>
    %mul3A_5 = arith.constant 1024 : i32
    %mul3A_6 = arith.muli %arg0, %mul3A_5 : i32
    %add3A = arith.constant 20480 : i32
    %add3A_7 = arith.addi %add3A, %mul3A_6 : i32
    %get3A_8 = arith.index_cast %add3A_7 : i32 to index
    %get3A_9 = vector.load %arg1[%get3A_8] : memref<40960xf32, #tpu.memory_space<vmem>>, vector<1024xf32>
    %add3A_10 = arith.addf %get3A_4, %get3A_9 : vector<1024xf32>
    %mul3A_11 = arith.constant 1024 : i32
    %mul3A_12 = arith.muli %arg0, %mul3A_11 : i32
    %get3A_13 = arith.index_cast %mul3A_12 : i32 to index
    %get3A_14 = vector.load %arg2[%get3A_13] : memref<10240xf32, #tpu.memory_space<vmem>>, vector<1024xf32>
    %sub3A = arith.subf %add3A_10, %get3A_14 : vector<1024xf32>
    %max3A = arith.constant 1.000000e+00 : f32
    %max3A_15 = vector.broadcast %max3A : f32 to vector<1024xf32>
    %max3A_16 = arith.maximumf %sub3A, %max3A_15 : vector<1024xf32>
    %rsqrt3A = math.rsqrt %max3A_16 : vector<1024xf32>
    %broadcast_in_dim3A = vector.shape_cast %rsqrt3A : vector<1024xf32> to vector<1024x1xf32>
    %mul3A_17 = vector.broadcast %broadcast_in_dim3A : vector<1024x1xf32> to vector<1024x128xf32>
    %mul3A_18 = arith.mulf %get3A_1, %mul3A_17 : vector<1024x128xf32>
    %swap3A = arith.constant 0 : index
    %swap3A_19 = arith.constant 0 : index
    %swap3A_20 = vector.load %arg4[%swap3A, %swap3A_19] : memref<1024x128xf32, #tpu.memory_space<vmem>>, vector<1024x128xf32>
    tpu.vector_store %arg4[%swap3A, %swap3A_19], %mul3A_18 {strides = array<i32>} : memref<1024x128xf32, #tpu.memory_space<vmem>>, vector<1024x128xf32>,
    return
  }
  func.func @transform_0(%arg0: i32) -> i32 {
    %c0_i32 = arith.constant 0 : i32
    %c0_i32_0 = arith.constant 0 : i32
    return %c0_i32 : i32
  }
  func.func @transform_1(%arg0: i32) -> i32 {
    %c0_i32 = arith.constant 0 : i32
    %c0_i32_0 = arith.constant 0 : i32
    return %c0_i32 : i32
  }
  func.func @transform_2(%arg0: i32) -> (i32, i32) {
    %c0_i32 = arith.constant 0 : i32
    %c0_i32_0 = arith.constant 0 : i32
    return %arg0, %c0_i32 : i32, i32
  }
  func.func @transform_3(%arg0: i32) -> (i32, i32) {
    %c0_i32 = arith.constant 0 : i32
    %c0_i32_0 = arith.constant 0 : i32
    return %arg0, %c0_i32 : i32, i32
  }
}

module attributes {stable_mosaic.version = 14 : i64} {
  func.func @_mid_body(%arg0: i32, %arg1: memref<1x1024x128xf32, #tpu.memory_space<vmem>>, %arg2: memref<1x1024x128xf32, #tpu.memory_space<vmem>>, %arg3: memref<40960xf32, #tpu.memory_space<vmem>>, %arg4: memref<10240xf32, #tpu.memory_space<vmem>>, %arg5: memref<128xf32, #tpu.memory_space<vmem>>, %arg6: memref<128x128xf32, #tpu.memory_space<vmem>>, %arg7: memref<1024x128xf32, #tpu.memory_space<vmem>>) attributes {dimension_semantics = [#tpu.dimension_semantics<arbitrary>], iteration_bounds = array<i64: 10>, scalar_prefetch = 0 : i64, scratch_operands = 0 : i64, tpu.core_type = #tpu.core_type<tc>, window_params = [{transform_indices = @transform_0, window_bounds = array<i64: 1, 1024, 128>}, {transform_indices = @transform_1, window_bounds = array<i64: 1, 1024, 128>}, {pipeline_mode = #tpu.pipeline_mode<synchronous>, transform_indices = @transform_2, window_bounds = array<i64: 40960>}, {pipeline_mode = #tpu.pipeline_mode<synchronous>, transform_indices = @transform_3, window_bounds = array<i64: 10240>}, {pipeline_mode = #tpu.pipeline_mode<synchronous>, transform_indices = @transform_4, window_bounds = array<i64: 128>}, {pipeline_mode = #tpu.pipeline_mode<synchronous>, transform_indices = @transform_5, window_bounds = array<i64: 128, 128>}, {transform_indices = @transform_6, window_bounds = array<i64: 1024, 128>}]} {
    %get3A = arith.constant 0 : index
    %get3A_0 = arith.constant 0 : index
    %get3A_1 = arith.constant 0 : index
    %get3A_2 = vector.load %arg1[%get3A, %get3A_0, %get3A_1] : memref<1x1024x128xf32, #tpu.memory_space<vmem>>, vector<1x1024x128xf32>
    %get3A_3 = vector.shape_cast %get3A_2 : vector<1x1024x128xf32> to vector<1024x128xf32>
    %get3A_4 = arith.constant 0 : index
    %get3A_5 = arith.constant 0 : index
    %get3A_6 = arith.constant 0 : index
    %get3A_7 = vector.load %arg2[%get3A_4, %get3A_5, %get3A_6] : memref<1x1024x128xf32, #tpu.memory_space<vmem>>, vector<1x1024x128xf32>
    %get3A_8 = vector.shape_cast %get3A_7 : vector<1x1024x128xf32> to vector<1024x128xf32>
    %add3A = arith.addf %get3A_3, %get3A_8 : vector<1024x128xf32>
    %mul3A = arith.constant 1024 : i32
    %mul3A_9 = arith.muli %arg0, %mul3A : i32
    %add3A_10 = arith.constant 10240 : i32
    %add3A_11 = arith.addi %add3A_10, %mul3A_9 : i32
    %get3A_12 = arith.index_cast %add3A_11 : i32 to index
    %get3A_13 = vector.load %arg3[%get3A_12] : memref<40960xf32, #tpu.memory_space<vmem>>, vector<1024xf32>
    %mul3A_14 = arith.constant 1024 : i32
    %mul3A_15 = arith.muli %arg0, %mul3A_14 : i32
    %add3A_16 = arith.constant 30720 : i32
    %add3A_17 = arith.addi %add3A_16, %mul3A_15 : i32
    %get3A_18 = arith.index_cast %add3A_17 : i32 to index
    %get3A_19 = vector.load %arg3[%get3A_18] : memref<40960xf32, #tpu.memory_space<vmem>>, vector<1024xf32>
    %add3A_20 = arith.addf %get3A_13, %get3A_19 : vector<1024xf32>
    %max3A = arith.constant 1.000000e+00 : f32
    %max3A_21 = vector.broadcast %max3A : f32 to vector<1024xf32>
    %max3A_22 = arith.maximumf %add3A_20, %max3A_21 : vector<1024xf32>
    %rsqrt3A = math.rsqrt %max3A_22 : vector<1024xf32>
    %broadcast_in_dim3A = vector.shape_cast %rsqrt3A : vector<1024xf32> to vector<1024x1xf32>
    %mul3A_23 = vector.broadcast %broadcast_in_dim3A : vector<1024x1xf32> to vector<1024x128xf32>
    %mul3A_24 = arith.mulf %add3A, %mul3A_23 : vector<1024x128xf32>
    %get3A_25 = arith.constant 0 : index
    %get3A_26 = vector.load %arg5[%get3A_25] : memref<128xf32, #tpu.memory_space<vmem>>, vector<128xf32>
    %broadcast_in_dim3A_27 = vector.shape_cast %get3A_26 : vector<128xf32> to vector<1x128xf32>
    %add3A_28 = vector.broadcast %broadcast_in_dim3A_27 : vector<1x128xf32> to vector<1024x128xf32>
    %add3A_29 = arith.addf %mul3A_24, %add3A_28 : vector<1024x128xf32>
    %max3A_30 = arith.constant 0.000000e+00 : f32
    %max3A_31 = vector.broadcast %max3A_30 : f32 to vector<1024x128xf32>
    %max3A_32 = arith.maximumf %add3A_29, %max3A_31 : vector<1024x128xf32>
    %mul3A_33 = arith.constant 1024 : i32
    %mul3A_34 = arith.muli %arg0, %mul3A_33 : i32
    %get3A_35 = arith.index_cast %mul3A_34 : i32 to index
    %get3A_36 = vector.load %arg3[%get3A_35] : memref<40960xf32, #tpu.memory_space<vmem>>, vector<1024xf32>
    %mul3A_37 = arith.constant 1024 : i32
    %mul3A_38 = arith.muli %arg0, %mul3A_37 : i32
    %add3A_39 = arith.constant 20480 : i32
    %add3A_40 = arith.addi %add3A_39, %mul3A_38 : i32
    %get3A_41 = arith.index_cast %add3A_40 : i32 to index
    %get3A_42 = vector.load %arg3[%get3A_41] : memref<40960xf32, #tpu.memory_space<vmem>>, vector<1024xf32>
    %add3A_43 = arith.addf %get3A_36, %get3A_42 : vector<1024xf32>
    %mul3A_44 = arith.constant 1024 : i32
    %mul3A_45 = arith.muli %arg0, %mul3A_44 : i32
    %get3A_46 = arith.index_cast %mul3A_45 : i32 to index
    %get3A_47 = vector.load %arg4[%get3A_46] : memref<10240xf32, #tpu.memory_space<vmem>>, vector<1024xf32>
    %sub3A = arith.subf %add3A_43, %get3A_47 : vector<1024xf32>
    %max3A_48 = arith.constant 1.000000e+00 : f32
    %max3A_49 = vector.broadcast %max3A_48 : f32 to vector<1024xf32>
    %max3A_50 = arith.maximumf %sub3A, %max3A_49 : vector<1024xf32>
    %rsqrt3A_51 = math.rsqrt %max3A_50 : vector<1024xf32>
    %broadcast_in_dim3A_52 = vector.shape_cast %rsqrt3A_51 : vector<1024xf32> to vector<1024x1xf32>
    %mul3A_53 = vector.broadcast %broadcast_in_dim3A_52 : vector<1024x1xf32> to vector<1024x128xf32>
    %mul3A_54 = arith.mulf %max3A_32, %mul3A_53 : vector<1024x128xf32>
    %get3A_55 = arith.constant 0 : index
    %get3A_56 = arith.constant 0 : index
    %get3A_57 = vector.load %arg6[%get3A_55, %get3A_56] : memref<128x128xf32, #tpu.memory_space<vmem>>, vector<128x128xf32>
    %dot_general3A = arith.constant dense<0.000000e+00> : vector<1024x128xf32>
    %dot_general3A_58 = tpu.matmul %mul3A_54, %get3A_57, %dot_general3A {dimension_numbers = #tpu.dot_dimension_numbers<[1], [0], [0], [1], [0, 0, 1, 1], [], []>, transpose_lhs_hint = false} : vector<1024x128xf32>, vector<128x128xf32>, vector<1024x128xf32> -> vector<1024x128xf32>
    %swap3A = arith.constant 0 : index
    %swap3A_59 = arith.constant 0 : index
    %swap3A_60 = vector.load %arg7[%swap3A, %swap3A_59] : memref<1024x128xf32, #tpu.memory_space<vmem>>, vector<1024x128xf32>
    tpu.vector_store %arg7[%swap3A, %swap3A_59], %dot_general3A_58 {strides = array<i32>} : memref<1024x128xf32, #tpu.memory_space<vmem>>, vector<1024x128xf32>,
    return
  }
  func.func @transform_0(%arg0: i32) -> (i32, i32, i32) {
    %c0_i32 = arith.constant 0 : i32
    %c0_i32_0 = arith.constant 0 : i32
    %c0_i32_1 = arith.constant 0 : i32
    return %c0_i32, %arg0, %c0_i32_0 : i32, i32, i32
  }
  func.func @transform_1(%arg0: i32) -> (i32, i32, i32) {
    %c1_i32 = arith.constant 1 : i32
    %c0_i32 = arith.constant 0 : i32
    %c0_i32_0 = arith.constant 0 : i32
    return %c1_i32, %arg0, %c0_i32 : i32, i32, i32
  }
  func.func @transform_2(%arg0: i32) -> i32 {
    %c0_i32 = arith.constant 0 : i32
    %c0_i32_0 = arith.constant 0 : i32
    return %c0_i32 : i32
  }
  func.func @transform_3(%arg0: i32) -> i32 {
    %c0_i32 = arith.constant 0 : i32
    %c0_i32_0 = arith.constant 0 : i32
    return %c0_i32 : i32
  }
  func.func @transform_4(%arg0: i32) -> i32 {
    %c0_i32 = arith.constant 0 : i32
    %c0_i32_0 = arith.constant 0 : i32
    return %c0_i32 : i32
  }
  func.func @transform_5(%arg0: i32) -> (i32, i32) {
    %c0_i32 = arith.constant 0 : i32
    %c0_i32_0 = arith.constant 0 : i32
    %c0_i32_1 = arith.constant 0 : i32
    return %c0_i32, %c0_i32_0 : i32, i32
  }
  func.func @transform_6(%arg0: i32) -> (i32, i32) {
    %c0_i32 = arith.constant 0 : i32
    %c0_i32_0 = arith.constant 0 : i32
    return %arg0, %c0_i32 : i32, i32
  }
}

module attributes {stable_mosaic.version = 14 : i64} {
  func.func @_fin_body(%arg0: i32, %arg1: memref<1x1024x128xf32, #tpu.memory_space<vmem>>, %arg2: memref<1x1024x128xf32, #tpu.memory_space<vmem>>, %arg3: memref<40960xf32, #tpu.memory_space<vmem>>, %arg4: memref<128xf32, #tpu.memory_space<vmem>>, %arg5: memref<1024x128xf32, #tpu.memory_space<vmem>>) attributes {dimension_semantics = [#tpu.dimension_semantics<arbitrary>], iteration_bounds = array<i64: 10>, scalar_prefetch = 0 : i64, scratch_operands = 0 : i64, tpu.core_type = #tpu.core_type<tc>, window_params = [{transform_indices = @transform_0, window_bounds = array<i64: 1, 1024, 128>}, {transform_indices = @transform_1, window_bounds = array<i64: 1, 1024, 128>}, {pipeline_mode = #tpu.pipeline_mode<synchronous>, transform_indices = @transform_2, window_bounds = array<i64: 40960>}, {pipeline_mode = #tpu.pipeline_mode<synchronous>, transform_indices = @transform_3, window_bounds = array<i64: 128>}, {transform_indices = @transform_4, window_bounds = array<i64: 1024, 128>}]} {
    %get3A = arith.constant 0 : index
    %get3A_0 = arith.constant 0 : index
    %get3A_1 = arith.constant 0 : index
    %get3A_2 = vector.load %arg1[%get3A, %get3A_0, %get3A_1] : memref<1x1024x128xf32, #tpu.memory_space<vmem>>, vector<1x1024x128xf32>
    %get3A_3 = vector.shape_cast %get3A_2 : vector<1x1024x128xf32> to vector<1024x128xf32>
    %get3A_4 = arith.constant 0 : index
    %get3A_5 = arith.constant 0 : index
    %get3A_6 = arith.constant 0 : index
    %get3A_7 = vector.load %arg2[%get3A_4, %get3A_5, %get3A_6] : memref<1x1024x128xf32, #tpu.memory_space<vmem>>, vector<1x1024x128xf32>
    %get3A_8 = vector.shape_cast %get3A_7 : vector<1x1024x128xf32> to vector<1024x128xf32>
    %add3A = arith.addf %get3A_3, %get3A_8 : vector<1024x128xf32>
    %mul3A = arith.constant 1024 : i32
    %mul3A_9 = arith.muli %arg0, %mul3A : i32
    %add3A_10 = arith.constant 10240 : i32
    %add3A_11 = arith.addi %add3A_10, %mul3A_9 : i32
    %get3A_12 = arith.index_cast %add3A_11 : i32 to index
    %get3A_13 = vector.load %arg3[%get3A_12] : memref<40960xf32, #tpu.memory_space<vmem>>, vector<1024xf32>
    %mul3A_14 = arith.constant 1024 : i32
    %mul3A_15 = arith.muli %arg0, %mul3A_14 : i32
    %add3A_16 = arith.constant 30720 : i32
    %add3A_17 = arith.addi %add3A_16, %mul3A_15 : i32
    %get3A_18 = arith.index_cast %add3A_17 : i32 to index
    %get3A_19 = vector.load %arg3[%get3A_18] : memref<40960xf32, #tpu.memory_space<vmem>>, vector<1024xf32>
    %add3A_20 = arith.addf %get3A_13, %get3A_19 : vector<1024xf32>
    %max3A = arith.constant 1.000000e+00 : f32
    %max3A_21 = vector.broadcast %max3A : f32 to vector<1024xf32>
    %max3A_22 = arith.maximumf %add3A_20, %max3A_21 : vector<1024xf32>
    %rsqrt3A = math.rsqrt %max3A_22 : vector<1024xf32>
    %broadcast_in_dim3A = vector.shape_cast %rsqrt3A : vector<1024xf32> to vector<1024x1xf32>
    %mul3A_23 = vector.broadcast %broadcast_in_dim3A : vector<1024x1xf32> to vector<1024x128xf32>
    %mul3A_24 = arith.mulf %add3A, %mul3A_23 : vector<1024x128xf32>
    %get3A_25 = arith.constant 0 : index
    %get3A_26 = vector.load %arg4[%get3A_25] : memref<128xf32, #tpu.memory_space<vmem>>, vector<128xf32>
    %broadcast_in_dim3A_27 = vector.shape_cast %get3A_26 : vector<128xf32> to vector<1x128xf32>
    %add3A_28 = vector.broadcast %broadcast_in_dim3A_27 : vector<1x128xf32> to vector<1024x128xf32>
    %add3A_29 = arith.addf %mul3A_24, %add3A_28 : vector<1024x128xf32>
    %swap3A = arith.constant 0 : index
    %swap3A_30 = arith.constant 0 : index
    %swap3A_31 = vector.load %arg5[%swap3A, %swap3A_30] : memref<1024x128xf32, #tpu.memory_space<vmem>>, vector<1024x128xf32>
    tpu.vector_store %arg5[%swap3A, %swap3A_30], %add3A_29 {strides = array<i32>} : memref<1024x128xf32, #tpu.memory_space<vmem>>, vector<1024x128xf32>,
    return
  }
  func.func @transform_0(%arg0: i32) -> (i32, i32, i32) {
    %c0_i32 = arith.constant 0 : i32
    %c0_i32_0 = arith.constant 0 : i32
    %c0_i32_1 = arith.constant 0 : i32
    return %c0_i32, %arg0, %c0_i32_0 : i32, i32, i32
  }
  func.func @transform_1(%arg0: i32) -> (i32, i32, i32) {
    %c1_i32 = arith.constant 1 : i32
    %c0_i32 = arith.constant 0 : i32
    %c0_i32_0 = arith.constant 0 : i32
    return %c1_i32, %arg0, %c0_i32 : i32, i32, i32
  }
  func.func @transform_2(%arg0: i32) -> i32 {
    %c0_i32 = arith.constant 0 : i32
    %c0_i32_0 = arith.constant 0 : i32
    return %c0_i32 : i32
  }
  func.func @transform_3(%arg0: i32) -> i32 {
    %c0_i32 = arith.constant 0 : i32
    %c0_i32_0 = arith.constant 0 : i32
    return %c0_i32 : i32
  }
  func.func @transform_4(%arg0: i32) -> (i32, i32) {
    %c0_i32 = arith.constant 0 : i32
    %c0_i32_0 = arith.constant 0 : i32
    return %arg0, %c0_i32 : i32, i32
  }
}

</mosaic_0001>

<sc_bundles>
// kernel: kernel.12.cloned.1.call-start
scs
__scs_entry_jumppad:
0x0: {  	(pc) =	sbr.rel $0x88, $3  }
0x1: {  	(tag) =	ssettag $0x0;
	lr =	simm.s32 $0x1  }
0x2: {  	[smem:$0x3F9B] =	sst lr;
	_ =	strace $0xD0000000  }
0x3: {  	_ = 	snop  }
0x4: {  	_ = 	snop  }
0x5: {  	_ = 	snop  }
0x6: {  	_ = 	snop  }
0x7: {  	_ = 	snop  }
__scs_overlays_trampoline_lowered:
0x8: {  	[smem:$0x3FAA] =	sst s0  }
0x9: {  	[smem:$0x3FAB] =	sst s1  }
0xa: {  	[smem:$0x3FAC] =	sst s2  }
0xb: {  	[smem:$0x3FAD] =	sst s3  }
0xc: {  	[smem:$0x3FAE] =	sst s4  }
0xd: {  	[smem:$0x3FAF] =	sst s5  }
0xe: {  	[smem:$0x3FB0] =	sst s6  }
0xf: {  	[smem:$0x3FB1] =	sst s7  }
0x10: {  	[smem:$0x3FB2] =	sst s8  }
0x11: {  	[smem:$0x3FB3] =	sst s9;
	s0 =	simm.s32 @!p0 $0x0  }
0x12: {  	s1 =	sld [smem:$0x3F99];
	s0 =	simm.s32 @p0 $0x1  }
0x13: {  	[smem:$0x3FB4] =	sst s0;
	s0 =	simm.s32 @!p1 $0x0  }
0x14: {  	s2 =	sld [smem:$0x3F98];
	s0 =	simm.s32 @p1 $0x1  }
0x15: {  	[smem:$0x3FB5] =	sst s0;
	s0 =	simm.s32 @!p2 $0x0  }
0x16: {  	s3 =	sld [smem:$0x3FDB];
	s0 =	simm.s32 @p2 $0x1  }
0x17: {  	s4 =	simm.s32 $0x1BF5;
	[smem:$0x3FB7] =	sst s0  }
0x18: {  	s0 =	sld [smem:$0x3F9A];
	_ =	swait.ge [sflag:s4], $0x0  }
0x19: {  	s7 =	sld [smem:$0x3F9B]  }
0x1a: {  	s8 =	sadd.s32 $0xFFFFE003, lr  }
0x1b: {  	s9 =	sadd.s32 $0xFFFFFEF7, lr;
	s5 =	simm.s32 $0xFFFFFFFF;
	p2 =	slt.u32 s8, $0xFFFFF086  }
0x1c: {  	p1 =	slt.u32 s9, $0xF7A;
	s5 =	simm.s32 @!p2 $0x0  }
0x1d: {  	s5 =	simm.s32 @p1 $0x1;
	p0 =	seq.s32 s7, s2  }
0x1e: {  	s7 =	smul.u32 @!p0 $0xF7A, s2;
	p2 =	seq.s32 @!p0 s5, $0x0  }
0x1f: {  	s9 =	smul.u32 $0xF7A, s1;
	s8 =	simm.s32 @!p0 $0x1BF5;
	p2 =	por !p2, p0  }
0x20: {  	[sflag:s8] =	ssyncset.s32 @!p0 $0xFFFFF086;
	s6 =	sadd.s32 @!p0 s3, s7;
	s7 =	simm.s32 @!p0 $0x108  }
0x21: {  	s3 =	sadd.s32 s3, s9;
	s6 =	sadd.s32 @!p0 $0x88, s6;
	s7 =	simm.s32 @p2 $0x1082  }
0x22: {  	[simem:s7], [sflag:s8] =	dma.local @!p0 [hbm:s6], $0xF7A  }
0x23: {  	s9 =	sor.u32 $0xD0000000, s2;
	s6 =	simm.s32 $0x108;
	_ =	swait.ge @!p0 [sflag:s8], $0x0  }
0x24: {  	s3 =	sadd.s32 $0x88, s3;
	s6 =	simm.s32 @!p1 $0x1082;
	[sflag:s4] =	ssyncset.s32 $0xFFFFF086  }
0x25: {  	[simem:s6], [sflag:s4] =	dma.local [hbm:s3], $0xF7A  }
0x26: {  	[smem:$0x3F9B] =	sst s1;
	(tag) =	ssettag s2;
	_ =	strace s9  }
0x27: {  	s1 =	sld [smem:$0x3FAB]  }
0x28: {  	s2 =	sld [smem:$0x3FAC]  }
0x29: {  	s4 =	sld [smem:$0x3FAE]  }
0x2a: {  	p0 =	seq.s32 s5, $0x0;
	s5 =	sld [smem:$0x3FAF]  }
0x2b: {  	s6 =	sld [smem:$0x3FB0]  }
0x2c: {  	s7 =	sld [smem:$0x3FB1]  }
0x2d: {  	s3 =	simm.s32 $0x108;
	s8 =	sld [smem:$0x3FB2]  }
0x2e: {  	s3 =	simm.s32 @!p0 $0x1082;
	s9 =	sld [smem:$0x3FB3]  }
0x2f: {  	lr =	sadd.s32 s0, s3;
	s0 =	sld [smem:$0x3FAA]  }
0x30: {  	s3 =	sld [smem:$0x3FAD]  }
0x31: {  	[smem:$0x3FB6] =	sst s10  }
0x32: {  	s10 =	sld [smem:$0x3FB4];
	_ =	sdelay $0x3  }
0x33: {  	p0 =	seq.s32 s10, $0x1;
	s10 =	sld [smem:$0x3FB6];
	_ =	sdelay $0x3  }
0x34: {  	[smem:$0x3FB6] =	sst s10  }
0x35: {  	s10 =	sld [smem:$0x3FB5];
	_ =	sdelay $0x3  }
0x36: {  	p1 =	seq.s32 s10, $0x1;
	s10 =	sld [smem:$0x3FB6];
	_ =	sdelay $0x3  }
0x37: {  	[smem:$0x3FB6] =	sst s10  }
0x38: {  	s10 =	sld [smem:$0x3FB7]  }
0x39: {  	_ = 	snop;
	(pc) =	sbr.ind lr, $3  }
0x3a: {  	_ = 	snop  }
0x3b: {  	_ = 	snop  }
0x3c: {  	p2 =	seq.s32 s10, $0x1;
	s10 =	sld [smem:$0x3FB6]  }
0x3d: {  	_ =	shalt  }
0x3e: {  	_ =	shalt  }
0x3f: {  	_ =	shalt  }
0x40: {  	_ =	shalt  }
0x41: {  	_ =	shalt  }
0x42: {  	_ =	shalt  }
0x43: {  	_ =	shalt  }
0x44: {  	_ =	shalt  }
0x45: {  	_ =	shalt  }
0x46: {  	_ =	shalt  }
0x47: {  	_ =	shalt  }
0x48: {  	_ =	shalt  }
0x49: {  	_ =	shalt  }
0x4a: {  	_ =	shalt  }
0x4b: {  	_ =	shalt  }
0x4c: {  	_ =	shalt  }
0x4d: {  	_ =	shalt  }
0x4e: {  	_ =	shalt  }
0x4f: {  	_ =	shalt  }
0x50: {  	_ =	shalt  }
0x51: {  	_ =	shalt  }
0x52: {  	_ =	shalt  }
0x53: {  	_ =	shalt  }
0x54: {  	_ =	shalt  }
0x55: {  	_ =	shalt  }
0x56: {  	_ =	shalt  }
0x57: {  	_ =	shalt  }
0x58: {  	_ =	shalt  }
0x59: {  	_ =	shalt  }
0x5a: {  	_ =	shalt  }
0x5b: {  	_ =	shalt  }
0x5c: {  	_ =	shalt  }
0x5d: {  	_ =	shalt  }
0x5e: {  	_ =	shalt  }
0x5f: {  	_ =	shalt  }
0x60: {  	_ =	shalt  }
0x61: {  	_ =	shalt  }
0x62: {  	_ =	shalt  }
0x63: {  	_ =	shalt  }
0x64: {  	_ =	shalt  }
0x65: {  	_ =	shalt  }
0x66: {  	_ =	shalt  }
0x67: {  	_ =	shalt  }
0x68: {  	_ =	shalt  }
0x69: {  	_ =	shalt  }
0x6a: {  	_ =	shalt  }
0x6b: {  	_ =	shalt  }
0x6c: {  	_ =	shalt  }
0x6d: {  	_ =	shalt  }
0x6e: {  	_ =	shalt  }
0x6f: {  	_ =	shalt  }
0x70: {  	_ =	shalt  }
0x71: {  	_ =	shalt  }
0x72: {  	_ =	shalt  }
0x73: {  	_ =	shalt  }
0x74: {  	_ =	shalt  }
0x75: {  	_ =	shalt  }
0x76: {  	_ =	shalt  }
0x77: {  	_ =	shalt  }
0x78: {  	_ =	shalt  }
0x79: {  	_ =	shalt  }
0x7a: {  	_ =	shalt  }
0x7b: {  	_ =	shalt  }
0x7c: {  	_ =	shalt  }
0x7d: {  	_ =	shalt  }
0x7e: {  	_ =	shalt  }
0x7f: {  	_ =	shalt  }
0x80: {  	_ =	shalt  }
0x81: {  	_ =	shalt  }
0x82: {  	_ =	shalt  }
0x83: {  	_ =	shalt  }
0x84: {  	_ =	shalt  }
0x85: {  	_ =	shalt  }
0x86: {  	_ =	shalt  }
0x87: {  	_ =	shalt  }
.Lfunc_end0:
.L_simem_size_0:
called_computation.1_lowered:
.L_overlay_start_0:
0x88: {  	s2 =	sld [smem:$0x3FD9]  }
0x89: {  	s3 =	sld [smem:$0x3FFE];
	_ =	sdelay $0x1  }
0x8a: {  	s1 =	srdreg.scid  }
0x8b: {  	s0 =	sand.u32 $0x1, s1  }
0x8c: {  	s17 =	sshll.u32 s0, $0xA;
	s2 =	sadd.s32 s3, s2  }
0x8d: {  	s2 =	sadd.s32 s2, s17  }
0x8e: {  	[smem:$0x3FC2] =	sst s2  }
0x8f: {  	_ = 	snop  }
0x90: {  	s2 =	sld [smem:$0x3FD0];
	(tm) =	ssettm $0x1  }
0x91: {  	s18 =	sld [smem:$0x3FFB];
	_ =	sdelay $0x3  }
0x92: {  	_ =	strace s18  }
0x93: {  	s3 =	sld [smem:$0x3FFC];
	_ =	sdelay $0x3  }
0x94: {  	_ =	strace s3  }
0x95: {  	s3 =	sld [smem:$0x3FFD];
	_ =	sdelay $0x3  }
0x96: {  	_ =	strace s3  }
0x97: {  	_ =	strace $0x8FFFFFFF  }
0x98: {  	s19 =	sld [smem:$0x3FDB];
	_ =	sdelay $0x1  }
0x99: {  	s4 =	simm.s32 $_scs_section_size  }
0x9a: {  	s5 =	simm.s32 $_size__tile_overlayer_lowered;
	s6 =	simm.s32 $_tile_overlayer_lowered  }
0x9b: {  	s22 =	simm.s32 $0x1BFF;
	s21 =	sshll.u32 s6, $0x1;
	s3 =	sadd.s32 s4, s19  }
0x9c: {  	s7 =	simm.s32 $0x0;
	s20 =	sshll.u32 s5, $0x1;
	s5 =	sadd.s32 s21, s3  }
0x9d: {  	[timem:s7], [sflag:s22] =	dma.local [hbm:s5], s20  }
0x9e: {  	_ =	swait.ge [sflag:s22], s20  }
0x9f: {  	s4 =	ssub.s32 $0x0, s20;
	[sflag:s22] =	ssyncset.done $0x0  }
0xa0: {  	[sflag:s22] =	ssyncadd.s32 s4;
	_ =	sdelay $0x1  }
0xa1: {  	s23 =	simm.s32 $0x1B8B  }
0xa2: {  	_ =	swait.ge [sflag:s23], $0x1  }
0xa3: {  	[sflag:s23] =	ssyncset.done $0x0  }
0xa4: {  	s25 =	simm.s32 $0x1B8E;
	s24 =	sld [smem:$0x3FFE];
	[sflag:s23] =	ssyncadd.s32 $0xFFFFFFFF  }
0xa5: {  	s26 =	simm.s32 $execute0_lowered;
	[smem:$0x3FD2] =	sst s25  }
0xa6: {  	s5 =	sshll.u32 s26, $0x1;
	_ =	strace $0x80000049;
	[dreg:$0x1] =	wrdreg $0xFFFFFFFF  }
0xa7: {  	s28 =	simm.s32 $_size_execute0_lowered;
	s3 =	sadd.s32 s3, s5;
	[dreg:$0x0] =	wrdreg $0x0  }
0xa8: {  	s5 =	sshll.u32 s28, $0x1;
	[dreg:$0x2] =	wrdreg s3  }
0xa9: {  	[dreg:$0x3] =	wrdreg s5  }
0xaa: {  	[dreg:$0x4] =	wrdreg $0xC0  }
0xab: {  	_ =	task [dreg:s7], $0x5FFFF  }
0xac: {  	[dreg:$0x1] =	wrdreg $0xFFFFFFFF  }
0xad: {  	[dreg:$0x0] =	wrdreg $0x60  }
0xae: {  	[dreg:$0x2] =	wrdreg s2  }
0xaf: {  	[dreg:$0x3] =	wrdreg s24  }
0xb0: {  	[dreg:$0x4] =	wrdreg $0xA9000  }
0xb1: {  	[dreg:$0x5] =	wrdreg $0x9  }
0xb2: {  	_ =	task.clear_ibuf [dreg:s7], $0x6FFFF;
	_ =	strace $0x90000049  }
0xb3: {  	s29 =	simm.s32 $0x9;
	_ =	strace $0x8000004B  }
0xb4: {  	_ =	swait.ge [sflag:s29], $0x1  }
0xb5: {  	[sflag:s29] =	ssyncadd.s32 $0xFFFFFFFF  }
0xb6: {  	_ =	strace $0x9000004B  }
0xb7: {  	_ =	sfence  }
0xb8: {  	s30 =	sld [smem:$0x0];
	_ =	sdelay $0x2  }
0xb9: {  	s31 =	sshll.u32 s1, $0xD;
	s1 =	sshrl.u32 s1, $0x2  }
0xba: {  	s3 =	sand.u32 $0x4000, s31;
	s1 =	sadd.s32 s1, s30  }
0xbb: {  	s0 =	sor.u32 s3, s0;
	s1 =	sshll.u32 s1, $0x11  }
0xbc: {  	s0 =	sor.u32 s1, s0  }
0xbd: {  	s0 =	sadd.s32 $0x8F2B, s0  }
0xbe: {  	[sflag:s0] =	ssyncadd.remote.s32 $0x1  }
0xbf: {  	_ =	sfence.sel $0xFFFF  }
0xc0: {  	[dreg:$0x0] =	wrdreg $0xFFFFFFFF;
	(pc) =	sbr.abs _section_cstart, $3  }
0xc1: {  	[dreg:$0x1] =	wrdreg $0xFFFFFFFF  }
0xc2: {  	_ =	task.clear_ibuf [dreg:s7], $0x2FFFF;
	_ =	strace $0x9FFFFFFF  }
0xc3: {  	(tm) =	ssettm $0x7FFFFFFF  }
tec
execute0_lowered:
.L_overlay_start_1:
0x0: {  	(tag) =	ssettag $0x1  }
0x1: {  	s2 =	rddreg [dreg:$0x0]  }
0x2: {  	s0 =	srdreg.scid;
	s7 =	rddreg [dreg:$0x1]  }
0x3: {  	s25 =	stileid.u32;
	s4 =	rddreg [dreg:$0x2];
	s5 =	simm.s32 $0x0  }
0x4: {  	s17 =	simm.s32 $0x2900;
	s18 =	simm.s32 $0x5;
	s19 =	simm.s32 $0x2800  }
0x5: {  	s20 =	simm.s32 $0x2880;
	s21 =	simm.s32 $0x80;
	s22 =	simm.s32 $0x6900  }
0x6: {  	s23 =	simm.s32 $0x1;
	s24 =	simm.s32 $0x2;
	s28 =	simm.s32 $0x4  }
0x7: {  	s29 =	simm.s32 $0x0;
	s1 =	sand.u32 $0x1, s0;
	s8 =	smul.u32 $0x14000, s25  }
0x8: {  	[smem:$0x7FF] =	sst s5;
	s11 =	smul.u32 $0x50000, s25;
	s3 =	sshll.u32 s1, $0x4  }
0x9: {  	s6 =	smul.u32 $0x140000, s1;
	_ =	strace $0x8000004A;
	s1 =	ssub.s32 $0x2, s1  }
0xa: {  	s3 =	sor.u32 s25, s3;
	s26 =	sshrl.u32 s1, $0x1;
	s30 =	sshrl.u32 s11, $0x2  }
0xb: {  	s25 =	simm.s32 $0x3;
	s3 =	smul.u32 $0x2800, s3;
	s6 =	sadd.s32 s8, s6  }
0xc: {  	s1 =	ssub.s32 s1, s26;
	s26 =	simm.s32 $0x6;
	s8 =	sshrl.u32 s6, $0x3  }
0xd: {  	s6 =	sadd.s32 $0x2400, s7;
	s9 =	sshrl.u32 s3, $0x3;
	s12 =	sadd.s32 s8, s7  }
0xe: {  	s8 =	sadd.s32 s30, s4;
	s10 =	sadd.s32 s9, s7;
	s7 =	sadd.s32 s6, s9  }
0xf: {  	s11 =	sadd.s32 $0x16400, s12;
	s12 =	smax.u32 s1, $0x1;
	s13 =	sadd.s32 $0x4000, s8  }
0x10: {  	s14 =	sadd.s32 $0x8000, s8;
	s15 =	sadd.s32 $0xC000, s8;
	s31 =	sadd.s32 $0xC400, s10  }
0x11: {  	v0 =	vimm.f32 $0.0e+00;
	s16 =	sadd.s32 $0x10000, s8;
	s10 =	sadd.s32 $0x10, s7;
	[dreg:$0x4] =	wrdreg s31  }
.LBB2_1:
0x12: {  	s1 =	sand.u32 $0xFE00, s5  }
0x13: {  	s31 =	sand.u32 $0x70, s5;
	s1 =	sshrl.u32 s1, $0x2  }
0x14: {  	s30 =	simm.s32 $0x40;
	s1 =	sor.u32 s31, s1;
	s31 =	simm.s32 $0x0  }
.LBB2_2:
0x15: {  	p0 =	sne.s32 s30, $0xFFC0  }
0x16: {  	[tilespmem:s1+$0x2900] =	vst v0;
	s31 =	sadd.s32 $0x10, s31;
	s1 =	smov.u32 s30;
	s30 =	sadd.s32 $0x40, s30  }
.Ltmp0:
0x17: {  	(pc) =	sbr.rel @p0 .LBB2_2-.Ltmp0, $4  }
0x18: {  	_ = 	snop  }
0x19: {  	s1 =	sand.u32 $0xFE00, s1  }
0x1a: {  	s0 =	sand.u32 $0x70, s31;
	s1 =	sshrl.u32 s1, $0x2  }
0x1b: {  	s1 =	sor.u32 s0, s1  }
0x1c: {  	[tilespmem:s1+$0x2900] =	vst v0  }
0x1d: {  	[spmem:s8] =	stream.linear.scatter [tilespmem:s17], [sflag:$0x5], $0x4000, $0x38;
	[tilespmem:$0x1E900] =	vst v63  }
0x1e: {  	_ =	swait.ge [sflag:s18], $0x4000  }
0x1f: {  	[sflag:s18] =	ssyncset.done $0x0  }
0x20: {  	[sflag:s18] =	ssyncadd.s32 $0xFFFFC000  }
0x21: {  	[spmem:s13] =	stream.linear.scatter [tilespmem:s17], [sflag:$0x5], $0x4000, $0x38;
	[tilespmem:$0x1E900] =	vst v63  }
0x22: {  	_ =	swait.ge [sflag:s18], $0x4000  }
0x23: {  	[sflag:s18] =	ssyncset.done $0x0  }
0x24: {  	[sflag:s18] =	ssyncadd.s32 $0xFFFFC000  }
0x25: {  	[spmem:s14] =	stream.linear.scatter [tilespmem:s17], [sflag:$0x5], $0x4000, $0x38;
	[tilespmem:$0x1E900] =	vst v63  }
0x26: {  	_ =	swait.ge [sflag:s18], $0x4000  }
0x27: {  	[sflag:s18] =	ssyncset.done $0x0  }
0x28: {  	[sflag:s18] =	ssyncadd.s32 $0xFFFFC000  }
0x29: {  	[spmem:s15] =	stream.linear.scatter [tilespmem:s17], [sflag:$0x5], $0x4000, $0x38;
	[tilespmem:$0x1E900] =	vst v63  }
0x2a: {  	_ =	swait.ge [sflag:s18], $0x4000  }
0x2b: {  	[sflag:s18] =	ssyncset.done $0x0  }
0x2c: {  	[sflag:s18] =	ssyncadd.s32 $0xFFFFC000  }
0x2d: {  	[spmem:s16] =	stream.linear.scatter [tilespmem:s17], [sflag:$0x5], $0x4000, $0x38;
	[tilespmem:$0x1E900] =	vst v63  }
0x2e: {  	_ =	swait.ge [sflag:s18], $0x4000  }
0x2f: {  	[sflag:s18] =	ssyncset.done $0x0  }
0x30: {  	s0 =	rddreg [dreg:$0x4];
	[sflag:s18] =	ssyncadd.s32 $0xFFFFC000  }
0x31: {  	[tilespmem:s5], [sflag:$0x5] =	stream.linear.gather [hbm4b:s0+s5], $0x2800, $0x38;
	[tilespmem:$0x1E900] =	vst v63  }
0x32: {  	_ =	swait.ge [sflag:s18], $0x2800  }
0x33: {  	[sflag:s18] =	ssyncset.done $0x0  }
0x34: {  	[sflag:s18] =	ssyncadd.s32 $0xFFFFD800  }
0x35: {  	[tilespmem:s19], [sflag:$0x5] =	stream.linear.gather [hbm4b:s7+s5], $0x80, $0x38;
	[tilespmem:$0x1E900] =	vst v63  }
0x36: {  	_ =	swait.ge [sflag:s18], $0x80  }
0x37: {  	[sflag:s18] =	ssyncset.done $0x0  }
0x38: {  	[sflag:s18] =	ssyncadd.s32 $0xFFFFFF80  }
0x39: {  	[tilespmem:s20], [sflag:$0x5] =	stream.linear.gather [hbm4b:s10+s5], $0x80, $0x38;
	[tilespmem:$0x1E900] =	vst v63  }
0x3a: {  	_ =	swait.ge [sflag:s18], $0x80  }
0x3b: {  	[sflag:s18] =	ssyncset.done $0x0  }
0x3c: {  	[sflag:s18] =	ssyncadd.s32 $0xFFFFFF80  }
0x3d: {  	[bflag:$0x0] =	sbarrier.arrive $0xFFFF  }
0x3e: {  	[tilespmem:s17], [sflag:$0x1] =	stream.indirect.gather [hbm4b:s2+s21], $0x80, s5, s21, $0xb8;
	[tilespmem:$0x1E900] =	vst v63  }
0x3f: {  	_ = 	snop  }
0x40: {  	[tilespmem:s22], [sflag:$0x2] =	stream.indirect.gather [hbm4b:s2+s21], $0x80, s21, s21, $0xb8;
	[tilespmem:$0x1E900] =	vst v63  }
0x41: {  	_ =	swait.ge [sflag:s23], $0x4000  }
0x42: {  	[sflag:s23] =	ssyncset.done $0x0  }
0x43: {  	[sflag:s23] =	ssyncadd.s32 $0xFFFFC000  }
0x44: {  	[spmem:s4] =	stream.indirect.scatter.add.f32 [tilespmem:s17], [sflag:$0x3], $0x80, s19, s21, $0xb8;
	[tilespmem:$0x1E900] =	vst v63  }
0x45: {  	_ =	swait.ge [sflag:s24], $0x4000  }
0x46: {  	s0 =	simm.s32 $0x100;
	[sflag:s24] =	ssyncset.done $0x0  }
0x47: {  	s9 =	sand.u32 $0x7C00, s0;
	[sflag:s24] =	ssyncadd.s32 $0xFFFFC000  }
0x48: {  	[spmem:s4] =	stream.indirect.scatter.add.f32 [tilespmem:s22], [sflag:$0x4], $0x80, s20, s21, $0xb8;
	[tilespmem:$0x1E900] =	vst v63  }
0x49: {  	s0 =	sand.u32 $0x300, s0;
	s1 =	sadd.s32 s3, s9;
	_ =	swait.ge [sflag:s25], $0x4000  }
0x4a: {  	s0 =	sor.u32 s0, s1;
	[sflag:s25] =	ssyncset.done $0x0  }
0x4b: {  	s30 =	simm.s32 $0x100;
	s0 =	sshrl.u32 s0, $0x3;
	[sflag:s25] =	ssyncadd.s32 $0xFFFFC000  }
0x4c: {  	[tilespmem:s17], [sflag:$0x1] =	stream.indirect.gather [hbm4b:s2+s21], $0x80, s30, s21, $0xb8;
	[tilespmem:$0x1E900] =	vst v63  }
0x4d: {  	s0 =	sadd.s32 s6, s0  }
0x4e: {  	[tilespmem:s19], [sflag:$0x6] =	stream.linear.gather [hbm4b:s0+s5], $0x80, $0x38;
	[tilespmem:$0x1E900] =	vst v63  }
0x4f: {  	_ =	swait.ge [sflag:s26], $0x80  }
0x50: {  	s0 =	simm.s32 $0x180;
	[sflag:s26] =	ssyncset.done $0x0  }
0x51: {  	s9 =	sand.u32 $0x7C00, s0;
	[sflag:s26] =	ssyncadd.s32 $0xFFFFFF80  }
0x52: {  	s0 =	sand.u32 $0x380, s0;
	s1 =	sadd.s32 s3, s9;
	_ =	swait.ge [sflag:s28], $0x4000  }
0x53: {  	s0 =	sor.u32 s0, s1;
	[sflag:s28] =	ssyncset.done $0x0  }
0x54: {  	s9 =	simm.s32 $0x180;
	s0 =	sshrl.u32 s0, $0x3;
	[sflag:s28] =	ssyncadd.s32 $0xFFFFC000  }
0x55: {  	[tilespmem:s22], [sflag:$0x2] =	stream.indirect.gather [hbm4b:s2+s21], $0x80, s9, s21, $0xb8;
	[tilespmem:$0x1E900] =	vst v63  }
0x56: {  	s0 =	sadd.s32 s6, s0  }
0x57: {  	[tilespmem:s20], [sflag:$0x5] =	stream.linear.gather [hbm4b:s0+s5], $0x80, $0x38;
	[tilespmem:$0x1E900] =	vst v63  }
0x58: {  	s31 =	simm.s32 $0x280;
	_ =	swait.ge [sflag:s18], $0x80  }
.LBB2_4:
0x59: {  	p0 =	sne.s32 s31, $0x2780;
	[sflag:s18] =	ssyncset.done $0x0;
	s30 =	sadd.s32 $0x100, s30  }
0x5a: {  	s0 =	smov.u32 s31;
	s31 =	sadd.s32 $0x100, s31;
	[sflag:s18] =	ssyncadd.s32 $0xFFFFFF80  }
0x5b: {  	_ =	swait.ge [sflag:s23], $0x4000  }
0x5c: {  	[sflag:s23] =	ssyncset.done $0x0  }
0x5d: {  	[sflag:s23] =	ssyncadd.s32 $0xFFFFC000  }
0x5e: {  	[spmem:s4] =	stream.indirect.scatter.add.f32 [tilespmem:s17], [sflag:$0x3], $0x80, s19, s21, $0xb8;
	[tilespmem:$0x1E900] =	vst v63  }
0x5f: {  	_ =	swait.ge [sflag:s24], $0x4000  }
0x60: {  	[sflag:s24] =	ssyncset.done $0x0  }
0x61: {  	s1 =	sadd.s32 $0xFFFFFF80, s0;
	[sflag:s24] =	ssyncadd.s32 $0xFFFFC000  }
0x62: {  	[spmem:s4] =	stream.indirect.scatter.add.f32 [tilespmem:s22], [sflag:$0x4], $0x80, s20, s21, $0xb8;
	[tilespmem:$0x1E900] =	vst v63  }
0x63: {  	s9 =	sand.u32 $0x7C00, s1;
	_ =	swait.ge [sflag:s25], $0x4000  }
0x64: {  	s1 =	sand.u32 $0x300, s1;
	s9 =	sadd.s32 s3, s9;
	[sflag:s25] =	ssyncset.done $0x0  }
0x65: {  	s1 =	sor.u32 s1, s9;
	[sflag:s25] =	ssyncadd.s32 $0xFFFFC000  }
0x66: {  	[tilespmem:s17], [sflag:$0x1] =	stream.indirect.gather [hbm4b:s2+s21], $0x80, s30, s21, $0xb8;
	[tilespmem:$0x1E900] =	vst v63  }
0x67: {  	s1 =	sshrl.u32 s1, $0x3  }
0x68: {  	s1 =	sadd.s32 s6, s1  }
0x69: {  	[tilespmem:s19], [sflag:$0x6] =	stream.linear.gather [hbm4b:s1+s5], $0x80, $0x38;
	[tilespmem:$0x1E900] =	vst v63  }
0x6a: {  	_ =	swait.ge [sflag:s26], $0x80  }
0x6b: {  	[sflag:s26] =	ssyncset.done $0x0  }
0x6c: {  	s1 =	sand.u32 $0x7C00, s0;
	[sflag:s26] =	ssyncadd.s32 $0xFFFFFF80  }
0x6d: {  	s0 =	sand.u32 $0x380, s0;
	s1 =	sadd.s32 s3, s1;
	_ =	swait.ge [sflag:s28], $0x4000  }
0x6e: {  	s0 =	sor.u32 s0, s1;
	s1 =	sadd.s32 $0x80, s30;
	[sflag:s28] =	ssyncset.done $0x0  }
.Ltmp1:
0x6f: {  	s0 =	sshrl.u32 s0, $0x3;
	[sflag:s28] =	ssyncadd.s32 $0xFFFFC000;
	(pc) =	sbr.rel @p0 .LBB2_4-.Ltmp1, $4  }
0x70: {  	[tilespmem:s22], [sflag:$0x2] =	stream.indirect.gather [hbm4b:s2+s21], $0x80, s1, s21, $0xb8;
	[tilespmem:$0x1E900] =	vst v63  }
0x71: {  	s0 =	sadd.s32 s6, s0  }
0x72: {  	[tilespmem:s20], [sflag:$0x5] =	stream.linear.gather [hbm4b:s0+s5], $0x80, $0x38;
	[tilespmem:$0x1E900] =	vst v63  }
0x73: {  	_ =	swait.ge [sflag:s18], $0x80  }
0x74: {  	[sflag:s18] =	ssyncset.done $0x0  }
0x75: {  	[sflag:s18] =	ssyncadd.s32 $0xFFFFFF80  }
0x76: {  	_ =	swait.ge [sflag:s23], $0x4000  }
0x77: {  	[sflag:s23] =	ssyncset.done $0x0  }
0x78: {  	[sflag:s23] =	ssyncadd.s32 $0xFFFFC000  }
0x79: {  	[spmem:s4] =	stream.indirect.scatter.add.f32 [tilespmem:s17], [sflag:$0x3], $0x80, s19, s21, $0xb8;
	[tilespmem:$0x1E900] =	vst v63  }
0x7a: {  	_ =	swait.ge [sflag:s24], $0x4000  }
0x7b: {  	[sflag:s24] =	ssyncset.done $0x0  }
0x7c: {  	[sflag:s24] =	ssyncadd.s32 $0xFFFFC000  }
0x7d: {  	[spmem:s4] =	stream.indirect.scatter.add.f32 [tilespmem:s22], [sflag:$0x4], $0x80, s20, s21, $0xb8;
	[tilespmem:$0x1E900] =	vst v63  }
0x7e: {  	_ =	swait.ge [sflag:s25], $0x4000  }
0x7f: {  	[sflag:s25] =	ssyncset.done $0x0  }
0x80: {  	[sflag:s25] =	ssyncadd.s32 $0xFFFFC000  }
0x81: {  	s0 =	stileid.u32;
	_ =	swait.ge [sflag:s28], $0x4000  }
0x82: {  	s1 =	sshrl.u32 s8, $0x3;
	s29 =	sadd.s32 $0x1, s29;
	[sflag:s28] =	ssyncset.done $0x0  }
0x83: {  	s0 =	sshll.u32 s0, $0x6;
	p0 =	sne.s32 s29, s12;
	[sflag:s28] =	ssyncadd.s32 $0xFFFFC000  }
.Ltmp2:
0x84: {  	s0 =	sor.u32 $0x1C05, s0;
	[bflag:$0x0] =	sbarrier.arrive $0xFFFF;
	(pc) =	sbr.rel @p0 .LBB2_1-.Ltmp2, $4  }
0x85: {  	[hbm:s11], [sflag:s0] =	dma.local [spmem:s1], $0x2800  }
0x86: {  	_ =	swait.ge [sflag:s18], $0x2800  }
0x87: {  	[sflag:s18] =	ssyncset.done $0x0  }
0x88: {  	[sflag:s18] =	ssyncadd.s32 $0xFFFFD800  }
0x89: {  	_ =	sfence.sel $0x180000  }
0x8a: {  	[bflag:$0x0] =	sbarrier.arrive $0xFFFF  }
0x8b: {  	_ =	strace $0x9000004A  }
0x8c: {  	s0 =	stileid.u32;
	[bflag:$0x2] =	sbarrier.arrive $0xFFFF  }
0x8d: {  	p0 =	sne.s32 s0, $0x0;
	s0 =	rddreg [dreg:$0x3]  }
0x8e: {  	s0 =	sadd.s32 @!p0 $0x100000, s0  }
0x8f: {  	[sflag:s0] =	ssyncadd.tile.s32 @!p0 $0x1;
	_ =	shalt  }
.Lfunc_end2:
_tile_overlayer_lowered:
.L_overlay_start_2:
0x90: {  	(tag) =	ssettag $0x2  }
0x91: {  	s0 =	rddreg [dreg:$0x0];
	s2 =	stileid.u32  }
0x92: {  	s1 =	rddreg [dreg:$0x1];
	p0 =	sne.s32 s2, $0x0  }
0x93: {  	s3 =	rddreg [dreg:$0x2];
	[bflag:$0x3] =	sbarrier.arrive $0xFFFF;
	s2 =	simm.s32 @!p0 $0x1C05  }
0x94: {  	[timem:s3], [sflag:s2] =	dma.local @!p0 [hbm:s0], s1  }
0x95: {  	s0 =	simm.s32 @!p0 $0x5  }
0x96: {  	_ =	swait.ge @!p0 [sflag:s0], s1  }
0x97: {  	s1 =	ssub.s32 @!p0 $0x0, s1;
	[sflag:s0] =	ssyncset.done @!p0 $0x0  }
0x98: {  	[sflag:s0] =	ssyncadd.s32 @!p0 s1  }
0x99: {  	[bflag:$0x3] =	sbarrier.arrive $0xFFFF  }
0x9a: {  	_ =	shalt  }

// kernel: kernel.15.cloned.1.call-start
scs
__scs_entry_jumppad:
0x0: {  	(pc) =	sbr.rel $0x88, $3  }
0x1: {  	(tag) =	ssettag $0x0;
	lr =	simm.s32 $0x1  }
0x2: {  	[smem:$0x3F9B] =	sst lr;
	_ =	strace $0xD0000000  }
0x3: {  	_ = 	snop  }
0x4: {  	_ = 	snop  }
0x5: {  	_ = 	snop  }
0x6: {  	_ = 	snop  }
0x7: {  	_ = 	snop  }
__scs_overlays_trampoline_lowered:
0x8: {  	[smem:$0x3FAA] =	sst s0  }
0x9: {  	[smem:$0x3FAB] =	sst s1  }
0xa: {  	[smem:$0x3FAC] =	sst s2  }
0xb: {  	[smem:$0x3FAD] =	sst s3  }
0xc: {  	[smem:$0x3FAE] =	sst s4  }
0xd: {  	[smem:$0x3FAF] =	sst s5  }
0xe: {  	[smem:$0x3FB0] =	sst s6  }
0xf: {  	[smem:$0x3FB1] =	sst s7  }
0x10: {  	[smem:$0x3FB2] =	sst s8  }
0x11: {  	[smem:$0x3FB3] =	sst s9;
	s0 =	simm.s32 @!p0 $0x0  }
0x12: {  	s1 =	sld [smem:$0x3F99];
	s0 =	simm.s32 @p0 $0x1  }
0x13: {  	[smem:$0x3FB4] =	sst s0;
	s0 =	simm.s32 @!p1 $0x0  }
0x14: {  	s2 =	sld [smem:$0x3F98];
	s0 =	simm.s32 @p1 $0x1  }
0x15: {  	[smem:$0x3FB5] =	sst s0;
	s0 =	simm.s32 @!p2 $0x0  }
0x16: {  	s3 =	sld [smem:$0x3FDB];
	s0 =	simm.s32 @p2 $0x1  }
0x17: {  	s4 =	simm.s32 $0x1BF5;
	[smem:$0x3FB7] =	sst s0  }
0x18: {  	s0 =	sld [smem:$0x3F9A];
	_ =	swait.ge [sflag:s4], $0x0  }
0x19: {  	s7 =	sld [smem:$0x3F9B]  }
0x1a: {  	s8 =	sadd.s32 $0xFFFFE003, lr  }
0x1b: {  	s9 =	sadd.s32 $0xFFFFFEF7, lr;
	s5 =	simm.s32 $0xFFFFFFFF;
	p2 =	slt.u32 s8, $0xFFFFF086  }
0x1c: {  	p1 =	slt.u32 s9, $0xF7A;
	s5 =	simm.s32 @!p2 $0x0  }
0x1d: {  	s5 =	simm.s32 @p1 $0x1;
	p0 =	seq.s32 s7, s2  }
0x1e: {  	s7 =	smul.u32 @!p0 $0xF7A, s2;
	p2 =	seq.s32 @!p0 s5, $0x0  }
0x1f: {  	s9 =	smul.u32 $0xF7A, s1;
	s8 =	simm.s32 @!p0 $0x1BF5;
	p2 =	por !p2, p0  }
0x20: {  	[sflag:s8] =	ssyncset.s32 @!p0 $0xFFFFF086;
	s6 =	sadd.s32 @!p0 s3, s7;
	s7 =	simm.s32 @!p0 $0x108  }
0x21: {  	s3 =	sadd.s32 s3, s9;
	s6 =	sadd.s32 @!p0 $0x88, s6;
	s7 =	simm.s32 @p2 $0x1082  }
0x22: {  	[simem:s7], [sflag:s8] =	dma.local @!p0 [hbm:s6], $0xF7A  }
0x23: {  	s9 =	sor.u32 $0xD0000000, s2;
	s6 =	simm.s32 $0x108;
	_ =	swait.ge @!p0 [sflag:s8], $0x0  }
0x24: {  	s3 =	sadd.s32 $0x88, s3;
	s6 =	simm.s32 @!p1 $0x1082;
	[sflag:s4] =	ssyncset.s32 $0xFFFFF086  }
0x25: {  	[simem:s6], [sflag:s4] =	dma.local [hbm:s3], $0xF7A  }
0x26: {  	[smem:$0x3F9B] =	sst s1;
	(tag) =	ssettag s2;
	_ =	strace s9  }
0x27: {  	s1 =	sld [smem:$0x3FAB]  }
0x28: {  	s2 =	sld [smem:$0x3FAC]  }
0x29: {  	s4 =	sld [smem:$0x3FAE]  }
0x2a: {  	p0 =	seq.s32 s5, $0x0;
	s5 =	sld [smem:$0x3FAF]  }
0x2b: {  	s6 =	sld [smem:$0x3FB0]  }
0x2c: {  	s7 =	sld [smem:$0x3FB1]  }
0x2d: {  	s3 =	simm.s32 $0x108;
	s8 =	sld [smem:$0x3FB2]  }
0x2e: {  	s3 =	simm.s32 @!p0 $0x1082;
	s9 =	sld [smem:$0x3FB3]  }
0x2f: {  	lr =	sadd.s32 s0, s3;
	s0 =	sld [smem:$0x3FAA]  }
0x30: {  	s3 =	sld [smem:$0x3FAD]  }
0x31: {  	[smem:$0x3FB6] =	sst s10  }
0x32: {  	s10 =	sld [smem:$0x3FB4];
	_ =	sdelay $0x3  }
0x33: {  	p0 =	seq.s32 s10, $0x1;
	s10 =	sld [smem:$0x3FB6];
	_ =	sdelay $0x3  }
0x34: {  	[smem:$0x3FB6] =	sst s10  }
0x35: {  	s10 =	sld [smem:$0x3FB5];
	_ =	sdelay $0x3  }
0x36: {  	p1 =	seq.s32 s10, $0x1;
	s10 =	sld [smem:$0x3FB6];
	_ =	sdelay $0x3  }
0x37: {  	[smem:$0x3FB6] =	sst s10  }
0x38: {  	s10 =	sld [smem:$0x3FB7]  }
0x39: {  	_ = 	snop;
	(pc) =	sbr.ind lr, $3  }
0x3a: {  	_ = 	snop  }
0x3b: {  	_ = 	snop  }
0x3c: {  	p2 =	seq.s32 s10, $0x1;
	s10 =	sld [smem:$0x3FB6]  }
0x3d: {  	_ =	shalt  }
0x3e: {  	_ =	shalt  }
0x3f: {  	_ =	shalt  }
0x40: {  	_ =	shalt  }
0x41: {  	_ =	shalt  }
0x42: {  	_ =	shalt  }
0x43: {  	_ =	shalt  }
0x44: {  	_ =	shalt  }
0x45: {  	_ =	shalt  }
0x46: {  	_ =	shalt  }
0x47: {  	_ =	shalt  }
0x48: {  	_ =	shalt  }
0x49: {  	_ =	shalt  }
0x4a: {  	_ =	shalt  }
0x4b: {  	_ =	shalt  }
0x4c: {  	_ =	shalt  }
0x4d: {  	_ =	shalt  }
0x4e: {  	_ =	shalt  }
0x4f: {  	_ =	shalt  }
0x50: {  	_ =	shalt  }
0x51: {  	_ =	shalt  }
0x52: {  	_ =	shalt  }
0x53: {  	_ =	shalt  }
0x54: {  	_ =	shalt  }
0x55: {  	_ =	shalt  }
0x56: {  	_ =	shalt  }
0x57: {  	_ =	shalt  }
0x58: {  	_ =	shalt  }
0x59: {  	_ =	shalt  }
0x5a: {  	_ =	shalt  }
0x5b: {  	_ =	shalt  }
0x5c: {  	_ =	shalt  }
0x5d: {  	_ =	shalt  }
0x5e: {  	_ =	shalt  }
0x5f: {  	_ =	shalt  }
0x60: {  	_ =	shalt  }
0x61: {  	_ =	shalt  }
0x62: {  	_ =	shalt  }
0x63: {  	_ =	shalt  }
0x64: {  	_ =	shalt  }
0x65: {  	_ =	shalt  }
0x66: {  	_ =	shalt  }
0x67: {  	_ =	shalt  }
0x68: {  	_ =	shalt  }
0x69: {  	_ =	shalt  }
0x6a: {  	_ =	shalt  }
0x6b: {  	_ =	shalt  }
0x6c: {  	_ =	shalt  }
0x6d: {  	_ =	shalt  }
0x6e: {  	_ =	shalt  }
0x6f: {  	_ =	shalt  }
0x70: {  	_ =	shalt  }
0x71: {  	_ =	shalt  }
0x72: {  	_ =	shalt  }
0x73: {  	_ =	shalt  }
0x74: {  	_ =	shalt  }
0x75: {  	_ =	shalt  }
0x76: {  	_ =	shalt  }
0x77: {  	_ =	shalt  }
0x78: {  	_ =	shalt  }
0x79: {  	_ =	shalt  }
0x7a: {  	_ =	shalt  }
0x7b: {  	_ =	shalt  }
0x7c: {  	_ =	shalt  }
0x7d: {  	_ =	shalt  }
0x7e: {  	_ =	shalt  }
0x7f: {  	_ =	shalt  }
0x80: {  	_ =	shalt  }
0x81: {  	_ =	shalt  }
0x82: {  	_ =	shalt  }
0x83: {  	_ =	shalt  }
0x84: {  	_ =	shalt  }
0x85: {  	_ =	shalt  }
0x86: {  	_ =	shalt  }
0x87: {  	_ =	shalt  }
.Lfunc_end0:
.L_simem_size_0:
called_computation.2_lowered:
.L_overlay_start_0:
0x88: {  	s2 =	sld [smem:$0x3FD9]  }
0x89: {  	s3 =	sld [smem:$0x3FFE];
	_ =	sdelay $0x1  }
0x8a: {  	s1 =	srdreg.scid  }
0x8b: {  	s0 =	sand.u32 $0x1, s1  }
0x8c: {  	s17 =	sshll.u32 s0, $0xA;
	s2 =	sadd.s32 s3, s2  }
0x8d: {  	s2 =	sadd.s32 s2, s17  }
0x8e: {  	[smem:$0x3FC2] =	sst s2  }
0x8f: {  	_ = 	snop  }
0x90: {  	s2 =	sld [smem:$0x3FD0];
	(tm) =	ssettm $0x1  }
0x91: {  	s18 =	sld [smem:$0x3FFB];
	_ =	sdelay $0x3  }
0x92: {  	_ =	strace s18  }
0x93: {  	s3 =	sld [smem:$0x3FFC];
	_ =	sdelay $0x3  }
0x94: {  	_ =	strace s3  }
0x95: {  	s3 =	sld [smem:$0x3FFD];
	_ =	sdelay $0x3  }
0x96: {  	_ =	strace s3  }
0x97: {  	_ =	strace $0x8FFFFFFF  }
0x98: {  	s19 =	sld [smem:$0x3FDB];
	_ =	sdelay $0x1  }
0x99: {  	s4 =	simm.s32 $_scs_section_size  }
0x9a: {  	s5 =	simm.s32 $_size__tile_overlayer_lowered;
	s6 =	simm.s32 $_tile_overlayer_lowered  }
0x9b: {  	s22 =	simm.s32 $0x1BFF;
	s21 =	sshll.u32 s6, $0x1;
	s3 =	sadd.s32 s4, s19  }
0x9c: {  	s7 =	simm.s32 $0x0;
	s20 =	sshll.u32 s5, $0x1;
	s5 =	sadd.s32 s21, s3  }
0x9d: {  	[timem:s7], [sflag:s22] =	dma.local [hbm:s5], s20  }
0x9e: {  	_ =	swait.ge [sflag:s22], s20  }
0x9f: {  	s4 =	ssub.s32 $0x0, s20;
	[sflag:s22] =	ssyncset.done $0x0  }
0xa0: {  	[sflag:s22] =	ssyncadd.s32 s4;
	_ =	sdelay $0x1  }
0xa1: {  	s23 =	simm.s32 $0x1B8B  }
0xa2: {  	_ =	swait.ge [sflag:s23], $0x1  }
0xa3: {  	[sflag:s23] =	ssyncset.done $0x0  }
0xa4: {  	s25 =	simm.s32 $0x1B8E;
	s24 =	sld [smem:$0x3FFE];
	[sflag:s23] =	ssyncadd.s32 $0xFFFFFFFF  }
0xa5: {  	s26 =	simm.s32 $execute0_lowered;
	[smem:$0x3FD2] =	sst s25  }
0xa6: {  	s5 =	sshll.u32 s26, $0x1;
	_ =	strace $0x8000004C;
	[dreg:$0x1] =	wrdreg $0xFFFFFFFF  }
0xa7: {  	s28 =	simm.s32 $_size_execute0_lowered;
	s3 =	sadd.s32 s3, s5;
	[dreg:$0x0] =	wrdreg $0x0  }
0xa8: {  	s5 =	sshll.u32 s28, $0x1;
	[dreg:$0x2] =	wrdreg s3  }
0xa9: {  	[dreg:$0x3] =	wrdreg s5  }
0xaa: {  	[dreg:$0x4] =	wrdreg $0xC0  }
0xab: {  	_ =	task [dreg:s7], $0x5FFFF  }
0xac: {  	[dreg:$0x1] =	wrdreg $0xFFFFFFFF  }
0xad: {  	[dreg:$0x0] =	wrdreg $0x60  }
0xae: {  	[dreg:$0x2] =	wrdreg s2  }
0xaf: {  	[dreg:$0x3] =	wrdreg s24  }
0xb0: {  	[dreg:$0x4] =	wrdreg $0xA9000  }
0xb1: {  	[dreg:$0x5] =	wrdreg $0x9  }
0xb2: {  	_ =	task.clear_ibuf [dreg:s7], $0x6FFFF;
	_ =	strace $0x9000004C  }
0xb3: {  	s29 =	simm.s32 $0x9;
	_ =	strace $0x8000004E  }
0xb4: {  	_ =	swait.ge [sflag:s29], $0x1  }
0xb5: {  	[sflag:s29] =	ssyncadd.s32 $0xFFFFFFFF  }
0xb6: {  	_ =	strace $0x9000004E  }
0xb7: {  	_ =	sfence  }
0xb8: {  	s30 =	sld [smem:$0x0];
	_ =	sdelay $0x2  }
0xb9: {  	s31 =	sshll.u32 s1, $0xD;
	s1 =	sshrl.u32 s1, $0x2  }
0xba: {  	s3 =	sand.u32 $0x4000, s31;
	s1 =	sadd.s32 s1, s30  }
0xbb: {  	s0 =	sor.u32 s3, s0;
	s1 =	sshll.u32 s1, $0x11  }
0xbc: {  	s0 =	sor.u32 s1, s0  }
0xbd: {  	s0 =	sadd.s32 $0x8F2B, s0  }
0xbe: {  	[sflag:s0] =	ssyncadd.remote.s32 $0x1  }
0xbf: {  	_ =	sfence.sel $0xFFFF  }
0xc0: {  	[dreg:$0x0] =	wrdreg $0xFFFFFFFF;
	(pc) =	sbr.abs _section_cstart, $3  }
0xc1: {  	[dreg:$0x1] =	wrdreg $0xFFFFFFFF  }
0xc2: {  	_ =	task.clear_ibuf [dreg:s7], $0x2FFFF;
	_ =	strace $0x9FFFFFFF  }
0xc3: {  	(tm) =	ssettm $0x7FFFFFFF  }
tec
execute0_lowered:
.L_overlay_start_1:
0x0: {  	(tag) =	ssettag $0x1  }
0x1: {  	s2 =	rddreg [dreg:$0x0]  }
0x2: {  	s0 =	srdreg.scid;
	s7 =	rddreg [dreg:$0x1]  }
0x3: {  	s25 =	stileid.u32;
	s4 =	rddreg [dreg:$0x2];
	s5 =	simm.s32 $0x0  }
0x4: {  	s17 =	simm.s32 $0x2900;
	s18 =	simm.s32 $0x5;
	s19 =	simm.s32 $0x2800  }
0x5: {  	s20 =	simm.s32 $0x2880;
	s21 =	simm.s32 $0x80;
	s22 =	simm.s32 $0x6900  }
0x6: {  	s23 =	simm.s32 $0x1;
	s24 =	simm.s32 $0x2;
	s28 =	simm.s32 $0x4  }
0x7: {  	s29 =	simm.s32 $0x0;
	s1 =	sand.u32 $0x1, s0;
	s8 =	smul.u32 $0x14000, s25  }
0x8: {  	[smem:$0x7FF] =	sst s5;
	s11 =	smul.u32 $0x50000, s25;
	s3 =	sshll.u32 s1, $0x4  }
0x9: {  	s6 =	smul.u32 $0x140000, s1;
	_ =	strace $0x8000004D;
	s1 =	ssub.s32 $0x2, s1  }
0xa: {  	s3 =	sor.u32 s25, s3;
	s26 =	sshrl.u32 s1, $0x1;
	s30 =	sshrl.u32 s11, $0x2  }
0xb: {  	s25 =	simm.s32 $0x3;
	s3 =	smul.u32 $0x2800, s3;
	s6 =	sadd.s32 s8, s6  }
0xc: {  	s1 =	ssub.s32 s1, s26;
	s26 =	simm.s32 $0x6;
	s8 =	sshrl.u32 s6, $0x3  }
0xd: {  	s6 =	sadd.s32 $0x2400, s7;
	s9 =	sshrl.u32 s3, $0x3;
	s12 =	sadd.s32 s8, s7  }
0xe: {  	s8 =	sadd.s32 s30, s4;
	s10 =	sadd.s32 s9, s7;
	s7 =	sadd.s32 s6, s9  }
0xf: {  	s11 =	sadd.s32 $0x16400, s12;
	s12 =	smax.u32 s1, $0x1;
	s13 =	sadd.s32 $0x4000, s8  }
0x10: {  	s14 =	sadd.s32 $0x8000, s8;
	s15 =	sadd.s32 $0xC000, s8;
	s31 =	sadd.s32 $0xC400, s10  }
0x11: {  	v0 =	vimm.f32 $0.0e+00;
	s16 =	sadd.s32 $0x10000, s8;
	s10 =	sadd.s32 $0x10, s7;
	[dreg:$0x4] =	wrdreg s31  }
.LBB2_1:
0x12: {  	s1 =	sand.u32 $0xFE00, s5  }
0x13: {  	s31 =	sand.u32 $0x70, s5;
	s1 =	sshrl.u32 s1, $0x2  }
0x14: {  	s30 =	simm.s32 $0x40;
	s1 =	sor.u32 s31, s1;
	s31 =	simm.s32 $0x0  }
.LBB2_2:
0x15: {  	p0 =	sne.s32 s30, $0xFFC0  }
0x16: {  	[tilespmem:s1+$0x2900] =	vst v0;
	s31 =	sadd.s32 $0x10, s31;
	s1 =	smov.u32 s30;
	s30 =	sadd.s32 $0x40, s30  }
.Ltmp0:
0x17: {  	(pc) =	sbr.rel @p0 .LBB2_2-.Ltmp0, $4  }
0x18: {  	_ = 	snop  }
0x19: {  	s1 =	sand.u32 $0xFE00, s1  }
0x1a: {  	s0 =	sand.u32 $0x70, s31;
	s1 =	sshrl.u32 s1, $0x2  }
0x1b: {  	s1 =	sor.u32 s0, s1  }
0x1c: {  	[tilespmem:s1+$0x2900] =	vst v0  }
0x1d: {  	[spmem:s8] =	stream.linear.scatter [tilespmem:s17], [sflag:$0x5], $0x4000, $0x38;
	[tilespmem:$0x1E900] =	vst v63  }
0x1e: {  	_ =	swait.ge [sflag:s18], $0x4000  }
0x1f: {  	[sflag:s18] =	ssyncset.done $0x0  }
0x20: {  	[sflag:s18] =	ssyncadd.s32 $0xFFFFC000  }
0x21: {  	[spmem:s13] =	stream.linear.scatter [tilespmem:s17], [sflag:$0x5], $0x4000, $0x38;
	[tilespmem:$0x1E900] =	vst v63  }
0x22: {  	_ =	swait.ge [sflag:s18], $0x4000  }
0x23: {  	[sflag:s18] =	ssyncset.done $0x0  }
0x24: {  	[sflag:s18] =	ssyncadd.s32 $0xFFFFC000  }
0x25: {  	[spmem:s14] =	stream.linear.scatter [tilespmem:s17], [sflag:$0x5], $0x4000, $0x38;
	[tilespmem:$0x1E900] =	vst v63  }
0x26: {  	_ =	swait.ge [sflag:s18], $0x4000  }
0x27: {  	[sflag:s18] =	ssyncset.done $0x0  }
0x28: {  	[sflag:s18] =	ssyncadd.s32 $0xFFFFC000  }
0x29: {  	[spmem:s15] =	stream.linear.scatter [tilespmem:s17], [sflag:$0x5], $0x4000, $0x38;
	[tilespmem:$0x1E900] =	vst v63  }
0x2a: {  	_ =	swait.ge [sflag:s18], $0x4000  }
0x2b: {  	[sflag:s18] =	ssyncset.done $0x0  }
0x2c: {  	[sflag:s18] =	ssyncadd.s32 $0xFFFFC000  }
0x2d: {  	[spmem:s16] =	stream.linear.scatter [tilespmem:s17], [sflag:$0x5], $0x4000, $0x38;
	[tilespmem:$0x1E900] =	vst v63  }
0x2e: {  	_ =	swait.ge [sflag:s18], $0x4000  }
0x2f: {  	[sflag:s18] =	ssyncset.done $0x0  }
0x30: {  	s0 =	rddreg [dreg:$0x4];
	[sflag:s18] =	ssyncadd.s32 $0xFFFFC000  }
0x31: {  	[tilespmem:s5], [sflag:$0x5] =	stream.linear.gather [hbm4b:s0+s5], $0x2800, $0x38;
	[tilespmem:$0x1E900] =	vst v63  }
0x32: {  	_ =	swait.ge [sflag:s18], $0x2800  }
0x33: {  	[sflag:s18] =	ssyncset.done $0x0  }
0x34: {  	[sflag:s18] =	ssyncadd.s32 $0xFFFFD800  }
0x35: {  	[tilespmem:s19], [sflag:$0x5] =	stream.linear.gather [hbm4b:s7+s5], $0x80, $0x38;
	[tilespmem:$0x1E900] =	vst v63  }
0x36: {  	_ =	swait.ge [sflag:s18], $0x80  }
0x37: {  	[sflag:s18] =	ssyncset.done $0x0  }
0x38: {  	[sflag:s18] =	ssyncadd.s32 $0xFFFFFF80  }
0x39: {  	[tilespmem:s20], [sflag:$0x5] =	stream.linear.gather [hbm4b:s10+s5], $0x80, $0x38;
	[tilespmem:$0x1E900] =	vst v63  }
0x3a: {  	_ =	swait.ge [sflag:s18], $0x80  }
0x3b: {  	[sflag:s18] =	ssyncset.done $0x0  }
0x3c: {  	[sflag:s18] =	ssyncadd.s32 $0xFFFFFF80  }
0x3d: {  	[bflag:$0x0] =	sbarrier.arrive $0xFFFF  }
0x3e: {  	[tilespmem:s17], [sflag:$0x1] =	stream.indirect.gather [hbm4b:s2+s21], $0x80, s5, s21, $0xb8;
	[tilespmem:$0x1E900] =	vst v63  }
0x3f: {  	_ = 	snop  }
0x40: {  	[tilespmem:s22], [sflag:$0x2] =	stream.indirect.gather [hbm4b:s2+s21], $0x80, s21, s21, $0xb8;
	[tilespmem:$0x1E900] =	vst v63  }
0x41: {  	_ =	swait.ge [sflag:s23], $0x4000  }
0x42: {  	[sflag:s23] =	ssyncset.done $0x0  }
0x43: {  	[sflag:s23] =	ssyncadd.s32 $0xFFFFC000  }
0x44: {  	[spmem:s4] =	stream.indirect.scatter.add.f32 [tilespmem:s17], [sflag:$0x3], $0x80, s19, s21, $0xb8;
	[tilespmem:$0x1E900] =	vst v63  }
0x45: {  	_ =	swait.ge [sflag:s24], $0x4000  }
0x46: {  	s0 =	simm.s32 $0x100;
	[sflag:s24] =	ssyncset.done $0x0  }
0x47: {  	s9 =	sand.u32 $0x7C00, s0;
	[sflag:s24] =	ssyncadd.s32 $0xFFFFC000  }
0x48: {  	[spmem:s4] =	stream.indirect.scatter.add.f32 [tilespmem:s22], [sflag:$0x4], $0x80, s20, s21, $0xb8;
	[tilespmem:$0x1E900] =	vst v63  }
0x49: {  	s0 =	sand.u32 $0x300, s0;
	s1 =	sadd.s32 s3, s9;
	_ =	swait.ge [sflag:s25], $0x4000  }
0x4a: {  	s0 =	sor.u32 s0, s1;
	[sflag:s25] =	ssyncset.done $0x0  }
0x4b: {  	s30 =	simm.s32 $0x100;
	s0 =	sshrl.u32 s0, $0x3;
	[sflag:s25] =	ssyncadd.s32 $0xFFFFC000  }
0x4c: {  	[tilespmem:s17], [sflag:$0x1] =	stream.indirect.gather [hbm4b:s2+s21], $0x80, s30, s21, $0xb8;
	[tilespmem:$0x1E900] =	vst v63  }
0x4d: {  	s0 =	sadd.s32 s6, s0  }
0x4e: {  	[tilespmem:s19], [sflag:$0x6] =	stream.linear.gather [hbm4b:s0+s5], $0x80, $0x38;
	[tilespmem:$0x1E900] =	vst v63  }
0x4f: {  	_ =	swait.ge [sflag:s26], $0x80  }
0x50: {  	s0 =	simm.s32 $0x180;
	[sflag:s26] =	ssyncset.done $0x0  }
0x51: {  	s9 =	sand.u32 $0x7C00, s0;
	[sflag:s26] =	ssyncadd.s32 $0xFFFFFF80  }
0x52: {  	s0 =	sand.u32 $0x380, s0;
	s1 =	sadd.s32 s3, s9;
	_ =	swait.ge [sflag:s28], $0x4000  }
0x53: {  	s0 =	sor.u32 s0, s1;
	[sflag:s28] =	ssyncset.done $0x0  }
0x54: {  	s9 =	simm.s32 $0x180;
	s0 =	sshrl.u32 s0, $0x3;
	[sflag:s28] =	ssyncadd.s32 $0xFFFFC000  }
0x55: {  	[tilespmem:s22], [sflag:$0x2] =	stream.indirect.gather [hbm4b:s2+s21], $0x80, s9, s21, $0xb8;
	[tilespmem:$0x1E900] =	vst v63  }
0x56: {  	s0 =	sadd.s32 s6, s0  }
0x57: {  	[tilespmem:s20], [sflag:$0x5] =	stream.linear.gather [hbm4b:s0+s5], $0x80, $0x38;
	[tilespmem:$0x1E900] =	vst v63  }
0x58: {  	s31 =	simm.s32 $0x280;
	_ =	swait.ge [sflag:s18], $0x80  }
.LBB2_4:
0x59: {  	p0 =	sne.s32 s31, $0x2780;
	[sflag:s18] =	ssyncset.done $0x0;
	s30 =	sadd.s32 $0x100, s30  }
0x5a: {  	s0 =	smov.u32 s31;
	s31 =	sadd.s32 $0x100, s31;
	[sflag:s18] =	ssyncadd.s32 $0xFFFFFF80  }
0x5b: {  	_ =	swait.ge [sflag:s23], $0x4000  }
0x5c: {  	[sflag:s23] =	ssyncset.done $0x0  }
0x5d: {  	[sflag:s23] =	ssyncadd.s32 $0xFFFFC000  }
0x5e: {  	[spmem:s4] =	stream.indirect.scatter.add.f32 [tilespmem:s17], [sflag:$0x3], $0x80, s19, s21, $0xb8;
	[tilespmem:$0x1E900] =	vst v63  }
0x5f: {  	_ =	swait.ge [sflag:s24], $0x4000  }
0x60: {  	[sflag:s24] =	ssyncset.done $0x0  }
0x61: {  	s1 =	sadd.s32 $0xFFFFFF80, s0;
	[sflag:s24] =	ssyncadd.s32 $0xFFFFC000  }
0x62: {  	[spmem:s4] =	stream.indirect.scatter.add.f32 [tilespmem:s22], [sflag:$0x4], $0x80, s20, s21, $0xb8;
	[tilespmem:$0x1E900] =	vst v63  }
0x63: {  	s9 =	sand.u32 $0x7C00, s1;
	_ =	swait.ge [sflag:s25], $0x4000  }
0x64: {  	s1 =	sand.u32 $0x300, s1;
	s9 =	sadd.s32 s3, s9;
	[sflag:s25] =	ssyncset.done $0x0  }
0x65: {  	s1 =	sor.u32 s1, s9;
	[sflag:s25] =	ssyncadd.s32 $0xFFFFC000  }
0x66: {  	[tilespmem:s17], [sflag:$0x1] =	stream.indirect.gather [hbm4b:s2+s21], $0x80, s30, s21, $0xb8;
	[tilespmem:$0x1E900] =	vst v63  }
0x67: {  	s1 =	sshrl.u32 s1, $0x3  }
0x68: {  	s1 =	sadd.s32 s6, s1  }
0x69: {  	[tilespmem:s19], [sflag:$0x6] =	stream.linear.gather [hbm4b:s1+s5], $0x80, $0x38;
	[tilespmem:$0x1E900] =	vst v63  }
0x6a: {  	_ =	swait.ge [sflag:s26], $0x80  }
0x6b: {  	[sflag:s26] =	ssyncset.done $0x0  }
0x6c: {  	s1 =	sand.u32 $0x7C00, s0;
	[sflag:s26] =	ssyncadd.s32 $0xFFFFFF80  }
0x6d: {  	s0 =	sand.u32 $0x380, s0;
	s1 =	sadd.s32 s3, s1;
	_ =	swait.ge [sflag:s28], $0x4000  }
0x6e: {  	s0 =	sor.u32 s0, s1;
	s1 =	sadd.s32 $0x80, s30;
	[sflag:s28] =	ssyncset.done $0x0  }
.Ltmp1:
0x6f: {  	s0 =	sshrl.u32 s0, $0x3;
	[sflag:s28] =	ssyncadd.s32 $0xFFFFC000;
	(pc) =	sbr.rel @p0 .LBB2_4-.Ltmp1, $4  }
0x70: {  	[tilespmem:s22], [sflag:$0x2] =	stream.indirect.gather [hbm4b:s2+s21], $0x80, s1, s21, $0xb8;
	[tilespmem:$0x1E900] =	vst v63  }
0x71: {  	s0 =	sadd.s32 s6, s0  }
0x72: {  	[tilespmem:s20], [sflag:$0x5] =	stream.linear.gather [hbm4b:s0+s5], $0x80, $0x38;
	[tilespmem:$0x1E900] =	vst v63  }
0x73: {  	_ =	swait.ge [sflag:s18], $0x80  }
0x74: {  	[sflag:s18] =	ssyncset.done $0x0  }
0x75: {  	[sflag:s18] =	ssyncadd.s32 $0xFFFFFF80  }
0x76: {  	_ =	swait.ge [sflag:s23], $0x4000  }
0x77: {  	[sflag:s23] =	ssyncset.done $0x0  }
0x78: {  	[sflag:s23] =	ssyncadd.s32 $0xFFFFC000  }
0x79: {  	[spmem:s4] =	stream.indirect.scatter.add.f32 [tilespmem:s17], [sflag:$0x3], $0x80, s19, s21, $0xb8;
	[tilespmem:$0x1E900] =	vst v63  }
0x7a: {  	_ =	swait.ge [sflag:s24], $0x4000  }
0x7b: {  	[sflag:s24] =	ssyncset.done $0x0  }
0x7c: {  	[sflag:s24] =	ssyncadd.s32 $0xFFFFC000  }
0x7d: {  	[spmem:s4] =	stream.indirect.scatter.add.f32 [tilespmem:s22], [sflag:$0x4], $0x80, s20, s21, $0xb8;
	[tilespmem:$0x1E900] =	vst v63  }
0x7e: {  	_ =	swait.ge [sflag:s25], $0x4000  }
0x7f: {  	[sflag:s25] =	ssyncset.done $0x0  }
0x80: {  	[sflag:s25] =	ssyncadd.s32 $0xFFFFC000  }
0x81: {  	s0 =	stileid.u32;
	_ =	swait.ge [sflag:s28], $0x4000  }
0x82: {  	s1 =	sshrl.u32 s8, $0x3;
	s29 =	sadd.s32 $0x1, s29;
	[sflag:s28] =	ssyncset.done $0x0  }
0x83: {  	s0 =	sshll.u32 s0, $0x6;
	p0 =	sne.s32 s29, s12;
	[sflag:s28] =	ssyncadd.s32 $0xFFFFC000  }
.Ltmp2:
0x84: {  	s0 =	sor.u32 $0x1C05, s0;
	[bflag:$0x0] =	sbarrier.arrive $0xFFFF;
	(pc) =	sbr.rel @p0 .LBB2_1-.Ltmp2, $4  }
0x85: {  	[hbm:s11], [sflag:s0] =	dma.local [spmem:s1], $0x2800  }
0x86: {  	_ =	swait.ge [sflag:s18], $0x2800  }
0x87: {  	[sflag:s18] =	ssyncset.done $0x0  }
0x88: {  	[sflag:s18] =	ssyncadd.s32 $0xFFFFD800  }
0x89: {  	_ =	sfence.sel $0x180000  }
0x8a: {  	[bflag:$0x0] =	sbarrier.arrive $0xFFFF  }
0x8b: {  	_ =	strace $0x9000004D  }
0x8c: {  	s0 =	stileid.u32;
	[bflag:$0x2] =	sbarrier.arrive $0xFFFF  }
0x8d: {  	p0 =	sne.s32 s0, $0x0;
	s0 =	rddreg [dreg:$0x3]  }
0x8e: {  	s0 =	sadd.s32 @!p0 $0x100000, s0  }
0x8f: {  	[sflag:s0] =	ssyncadd.tile.s32 @!p0 $0x1;
	_ =	shalt  }
.Lfunc_end2:
_tile_overlayer_lowered:
.L_overlay_start_2:
0x90: {  	(tag) =	ssettag $0x2  }
0x91: {  	s0 =	rddreg [dreg:$0x0];
	s2 =	stileid.u32  }
0x92: {  	s1 =	rddreg [dreg:$0x1];
	p0 =	sne.s32 s2, $0x0  }
0x93: {  	s3 =	rddreg [dreg:$0x2];
	[bflag:$0x3] =	sbarrier.arrive $0xFFFF;
	s2 =	simm.s32 @!p0 $0x1C05  }
0x94: {  	[timem:s3], [sflag:s2] =	dma.local @!p0 [hbm:s0], s1  }
0x95: {  	s0 =	simm.s32 @!p0 $0x5  }
0x96: {  	_ =	swait.ge @!p0 [sflag:s0], s1  }
0x97: {  	s1 =	ssub.s32 @!p0 $0x0, s1;
	[sflag:s0] =	ssyncset.done @!p0 $0x0  }
0x98: {  	[sflag:s0] =	ssyncadd.s32 @!p0 s1  }
0x99: {  	[bflag:$0x3] =	sbarrier.arrive $0xFFFF  }
0x9a: {  	_ =	shalt  }

// kernel: kernel.9.cloned.1.call-start
scs
__scs_entry_jumppad:
0x0: {  	(pc) =	sbr.rel $0x88, $3  }
0x1: {  	(tag) =	ssettag $0x0;
	lr =	simm.s32 $0x1  }
0x2: {  	[smem:$0x3F9B] =	sst lr;
	_ =	strace $0xD0000000  }
0x3: {  	_ = 	snop  }
0x4: {  	_ = 	snop  }
0x5: {  	_ = 	snop  }
0x6: {  	_ = 	snop  }
0x7: {  	_ = 	snop  }
__scs_overlays_trampoline_lowered:
0x8: {  	[smem:$0x3FAA] =	sst s0  }
0x9: {  	[smem:$0x3FAB] =	sst s1  }
0xa: {  	[smem:$0x3FAC] =	sst s2  }
0xb: {  	[smem:$0x3FAD] =	sst s3  }
0xc: {  	[smem:$0x3FAE] =	sst s4  }
0xd: {  	[smem:$0x3FAF] =	sst s5  }
0xe: {  	[smem:$0x3FB0] =	sst s6  }
0xf: {  	[smem:$0x3FB1] =	sst s7  }
0x10: {  	[smem:$0x3FB2] =	sst s8  }
0x11: {  	[smem:$0x3FB3] =	sst s9;
	s0 =	simm.s32 @!p0 $0x0  }
0x12: {  	s1 =	sld [smem:$0x3F99];
	s0 =	simm.s32 @p0 $0x1  }
0x13: {  	[smem:$0x3FB4] =	sst s0;
	s0 =	simm.s32 @!p1 $0x0  }
0x14: {  	s2 =	sld [smem:$0x3F98];
	s0 =	simm.s32 @p1 $0x1  }
0x15: {  	[smem:$0x3FB5] =	sst s0;
	s0 =	simm.s32 @!p2 $0x0  }
0x16: {  	s3 =	sld [smem:$0x3FDB];
	s0 =	simm.s32 @p2 $0x1  }
0x17: {  	s4 =	simm.s32 $0x1BF5;
	[smem:$0x3FB7] =	sst s0  }
0x18: {  	s0 =	sld [smem:$0x3F9A];
	_ =	swait.ge [sflag:s4], $0x0  }
0x19: {  	s7 =	sld [smem:$0x3F9B]  }
0x1a: {  	s8 =	sadd.s32 $0xFFFFE003, lr  }
0x1b: {  	s9 =	sadd.s32 $0xFFFFFEF7, lr;
	s5 =	simm.s32 $0xFFFFFFFF;
	p2 =	slt.u32 s8, $0xFFFFF086  }
0x1c: {  	p1 =	slt.u32 s9, $0xF7A;
	s5 =	simm.s32 @!p2 $0x0  }
0x1d: {  	s5 =	simm.s32 @p1 $0x1;
	p0 =	seq.s32 s7, s2  }
0x1e: {  	s7 =	smul.u32 @!p0 $0xF7A, s2;
	p2 =	seq.s32 @!p0 s5, $0x0  }
0x1f: {  	s9 =	smul.u32 $0xF7A, s1;
	s8 =	simm.s32 @!p0 $0x1BF5;
	p2 =	por !p2, p0  }
0x20: {  	[sflag:s8] =	ssyncset.s32 @!p0 $0xFFFFF086;
	s6 =	sadd.s32 @!p0 s3, s7;
	s7 =	simm.s32 @!p0 $0x108  }
0x21: {  	s3 =	sadd.s32 s3, s9;
	s6 =	sadd.s32 @!p0 $0x88, s6;
	s7 =	simm.s32 @p2 $0x1082  }
0x22: {  	[simem:s7], [sflag:s8] =	dma.local @!p0 [hbm:s6], $0xF7A  }
0x23: {  	s9 =	sor.u32 $0xD0000000, s2;
	s6 =	simm.s32 $0x108;
	_ =	swait.ge @!p0 [sflag:s8], $0x0  }
0x24: {  	s3 =	sadd.s32 $0x88, s3;
	s6 =	simm.s32 @!p1 $0x1082;
	[sflag:s4] =	ssyncset.s32 $0xFFFFF086  }
0x25: {  	[simem:s6], [sflag:s4] =	dma.local [hbm:s3], $0xF7A  }
0x26: {  	[smem:$0x3F9B] =	sst s1;
	(tag) =	ssettag s2;
	_ =	strace s9  }
0x27: {  	s1 =	sld [smem:$0x3FAB]  }
0x28: {  	s2 =	sld [smem:$0x3FAC]  }
0x29: {  	s4 =	sld [smem:$0x3FAE]  }
0x2a: {  	p0 =	seq.s32 s5, $0x0;
	s5 =	sld [smem:$0x3FAF]  }
0x2b: {  	s6 =	sld [smem:$0x3FB0]  }
0x2c: {  	s7 =	sld [smem:$0x3FB1]  }
0x2d: {  	s3 =	simm.s32 $0x108;
	s8 =	sld [smem:$0x3FB2]  }
0x2e: {  	s3 =	simm.s32 @!p0 $0x1082;
	s9 =	sld [smem:$0x3FB3]  }
0x2f: {  	lr =	sadd.s32 s0, s3;
	s0 =	sld [smem:$0x3FAA]  }
0x30: {  	s3 =	sld [smem:$0x3FAD]  }
0x31: {  	[smem:$0x3FB6] =	sst s10  }
0x32: {  	s10 =	sld [smem:$0x3FB4];
	_ =	sdelay $0x3  }
0x33: {  	p0 =	seq.s32 s10, $0x1;
	s10 =	sld [smem:$0x3FB6];
	_ =	sdelay $0x3  }
0x34: {  	[smem:$0x3FB6] =	sst s10  }
0x35: {  	s10 =	sld [smem:$0x3FB5];
	_ =	sdelay $0x3  }
0x36: {  	p1 =	seq.s32 s10, $0x1;
	s10 =	sld [smem:$0x3FB6];
	_ =	sdelay $0x3  }
0x37: {  	[smem:$0x3FB6] =	sst s10  }
0x38: {  	s10 =	sld [smem:$0x3FB7]  }
0x39: {  	_ = 	snop;
	(pc) =	sbr.ind lr, $3  }
0x3a: {  	_ = 	snop  }
0x3b: {  	_ = 	snop  }
0x3c: {  	p2 =	seq.s32 s10, $0x1;
	s10 =	sld [smem:$0x3FB6]  }
0x3d: {  	_ =	shalt  }
0x3e: {  	_ =	shalt  }
0x3f: {  	_ =	shalt  }
0x40: {  	_ =	shalt  }
0x41: {  	_ =	shalt  }
0x42: {  	_ =	shalt  }
0x43: {  	_ =	shalt  }
0x44: {  	_ =	shalt  }
0x45: {  	_ =	shalt  }
0x46: {  	_ =	shalt  }
0x47: {  	_ =	shalt  }
0x48: {  	_ =	shalt  }
0x49: {  	_ =	shalt  }
0x4a: {  	_ =	shalt  }
0x4b: {  	_ =	shalt  }
0x4c: {  	_ =	shalt  }
0x4d: {  	_ =	shalt  }
0x4e: {  	_ =	shalt  }
0x4f: {  	_ =	shalt  }
0x50: {  	_ =	shalt  }
0x51: {  	_ =	shalt  }
0x52: {  	_ =	shalt  }
0x53: {  	_ =	shalt  }
0x54: {  	_ =	shalt  }
0x55: {  	_ =	shalt  }
0x56: {  	_ =	shalt  }
0x57: {  	_ =	shalt  }
0x58: {  	_ =	shalt  }
0x59: {  	_ =	shalt  }
0x5a: {  	_ =	shalt  }
0x5b: {  	_ =	shalt  }
0x5c: {  	_ =	shalt  }
0x5d: {  	_ =	shalt  }
0x5e: {  	_ =	shalt  }
0x5f: {  	_ =	shalt  }
0x60: {  	_ =	shalt  }
0x61: {  	_ =	shalt  }
0x62: {  	_ =	shalt  }
0x63: {  	_ =	shalt  }
0x64: {  	_ =	shalt  }
0x65: {  	_ =	shalt  }
0x66: {  	_ =	shalt  }
0x67: {  	_ =	shalt  }
0x68: {  	_ =	shalt  }
0x69: {  	_ =	shalt  }
0x6a: {  	_ =	shalt  }
0x6b: {  	_ =	shalt  }
0x6c: {  	_ =	shalt  }
0x6d: {  	_ =	shalt  }
0x6e: {  	_ =	shalt  }
0x6f: {  	_ =	shalt  }
0x70: {  	_ =	shalt  }
0x71: {  	_ =	shalt  }
0x72: {  	_ =	shalt  }
0x73: {  	_ =	shalt  }
0x74: {  	_ =	shalt  }
0x75: {  	_ =	shalt  }
0x76: {  	_ =	shalt  }
0x77: {  	_ =	shalt  }
0x78: {  	_ =	shalt  }
0x79: {  	_ =	shalt  }
0x7a: {  	_ =	shalt  }
0x7b: {  	_ =	shalt  }
0x7c: {  	_ =	shalt  }
0x7d: {  	_ =	shalt  }
0x7e: {  	_ =	shalt  }
0x7f: {  	_ =	shalt  }
0x80: {  	_ =	shalt  }
0x81: {  	_ =	shalt  }
0x82: {  	_ =	shalt  }
0x83: {  	_ =	shalt  }
0x84: {  	_ =	shalt  }
0x85: {  	_ =	shalt  }
0x86: {  	_ =	shalt  }
0x87: {  	_ =	shalt  }
.Lfunc_end0:
.L_simem_size_0:
called_computation_lowered:
.L_overlay_start_0:
0x88: {  	s2 =	sld [smem:$0x3FD9]  }
0x89: {  	s3 =	sld [smem:$0x3FFE];
	_ =	sdelay $0x1  }
0x8a: {  	s1 =	srdreg.scid  }
0x8b: {  	s0 =	sand.u32 $0x1, s1  }
0x8c: {  	s17 =	sshll.u32 s0, $0xA;
	s2 =	sadd.s32 s3, s2  }
0x8d: {  	s2 =	sadd.s32 s2, s17  }
0x8e: {  	[smem:$0x3FC2] =	sst s2  }
0x8f: {  	_ = 	snop  }
0x90: {  	s2 =	sld [smem:$0x3FD0];
	(tm) =	ssettm $0x1  }
0x91: {  	s18 =	sld [smem:$0x3FFB];
	_ =	sdelay $0x3  }
0x92: {  	_ =	strace s18  }
0x93: {  	s3 =	sld [smem:$0x3FFC];
	_ =	sdelay $0x3  }
0x94: {  	_ =	strace s3  }
0x95: {  	s3 =	sld [smem:$0x3FFD];
	_ =	sdelay $0x3  }
0x96: {  	_ =	strace s3  }
0x97: {  	_ =	strace $0x8FFFFFFF  }
0x98: {  	s19 =	sld [smem:$0x3FDB];
	_ =	sdelay $0x1  }
0x99: {  	s4 =	simm.s32 $_scs_section_size  }
0x9a: {  	s5 =	simm.s32 $_size__tile_overlayer_lowered;
	s6 =	simm.s32 $_tile_overlayer_lowered  }
0x9b: {  	s22 =	simm.s32 $0x1BFF;
	s21 =	sshll.u32 s6, $0x1;
	s3 =	sadd.s32 s4, s19  }
0x9c: {  	s7 =	simm.s32 $0x0;
	s20 =	sshll.u32 s5, $0x1;
	s5 =	sadd.s32 s21, s3  }
0x9d: {  	[timem:s7], [sflag:s22] =	dma.local [hbm:s5], s20  }
0x9e: {  	_ =	swait.ge [sflag:s22], s20  }
0x9f: {  	s4 =	ssub.s32 $0x0, s20;
	[sflag:s22] =	ssyncset.done $0x0  }
0xa0: {  	[sflag:s22] =	ssyncadd.s32 s4;
	_ =	sdelay $0x1  }
0xa1: {  	s23 =	simm.s32 $0x1B8B  }
0xa2: {  	_ =	swait.ge [sflag:s23], $0x1  }
0xa3: {  	[sflag:s23] =	ssyncset.done $0x0  }
0xa4: {  	s25 =	simm.s32 $0x1B8E;
	s24 =	sld [smem:$0x3FFE];
	[sflag:s23] =	ssyncadd.s32 $0xFFFFFFFF  }
0xa5: {  	s26 =	simm.s32 $execute0_lowered;
	[smem:$0x3FD2] =	sst s25  }
0xa6: {  	s5 =	sshll.u32 s26, $0x1;
	_ =	strace $0x80000046;
	[dreg:$0x1] =	wrdreg $0xFFFFFFFF  }
0xa7: {  	s28 =	simm.s32 $_size_execute0_lowered;
	s3 =	sadd.s32 s3, s5;
	[dreg:$0x0] =	wrdreg $0x0  }
0xa8: {  	s5 =	sshll.u32 s28, $0x1;
	[dreg:$0x2] =	wrdreg s3  }
0xa9: {  	[dreg:$0x3] =	wrdreg s5  }
0xaa: {  	[dreg:$0x4] =	wrdreg $0xC0  }
0xab: {  	_ =	task [dreg:s7], $0x5FFFF  }
0xac: {  	[dreg:$0x1] =	wrdreg $0xFFFFFFFF  }
0xad: {  	[dreg:$0x0] =	wrdreg $0x60  }
0xae: {  	[dreg:$0x2] =	wrdreg s24  }
0xaf: {  	[dreg:$0x3] =	wrdreg s2  }
0xb0: {  	[dreg:$0x4] =	wrdreg $0x53000  }
0xb1: {  	[dreg:$0x5] =	wrdreg $0x55800  }
0xb2: {  	[dreg:$0x6] =	wrdreg $0x9  }
0xb3: {  	_ =	task.clear_ibuf [dreg:s7], $0x7FFFF;
	_ =	strace $0x90000046  }
0xb4: {  	s29 =	simm.s32 $0x9;
	_ =	strace $0x80000048  }
0xb5: {  	_ =	swait.ge [sflag:s29], $0x1  }
0xb6: {  	[sflag:s29] =	ssyncadd.s32 $0xFFFFFFFF  }
0xb7: {  	_ =	strace $0x90000048  }
0xb8: {  	_ =	sfence  }
0xb9: {  	s30 =	sld [smem:$0x0];
	_ =	sdelay $0x2  }
0xba: {  	s31 =	sshll.u32 s1, $0xD;
	s1 =	sshrl.u32 s1, $0x2  }
0xbb: {  	s3 =	sand.u32 $0x4000, s31;
	s1 =	sadd.s32 s1, s30  }
0xbc: {  	s0 =	sor.u32 s3, s0;
	s1 =	sshll.u32 s1, $0x11  }
0xbd: {  	s0 =	sor.u32 s1, s0  }
0xbe: {  	s0 =	sadd.s32 $0x8F2B, s0  }
0xbf: {  	[sflag:s0] =	ssyncadd.remote.s32 $0x1  }
0xc0: {  	_ =	sfence.sel $0xFFFF  }
0xc1: {  	[dreg:$0x0] =	wrdreg $0xFFFFFFFF;
	(pc) =	sbr.abs _section_cstart, $3  }
0xc2: {  	[dreg:$0x1] =	wrdreg $0xFFFFFFFF  }
0xc3: {  	_ =	task.clear_ibuf [dreg:s7], $0x2FFFF;
	_ =	strace $0x9FFFFFFF  }
0xc4: {  	(tm) =	ssettm $0x7FFFFFFF  }
0xc5: {  	_ =	shalt  }
tec
execute0_lowered:
.L_overlay_start_1:
0x0: {  	(tag) =	ssettag $0x1  }
0x1: {  	s5 =	rddreg [dreg:$0x0]  }
0x2: {  	s7 =	rddreg [dreg:$0x1]  }
0x3: {  	s2 =	rddreg [dreg:$0x2];
	s0 =	srdreg.scid  }
0x4: {  	s3 =	rddreg [dreg:$0x3];
	s1 =	stileid.u32;
	s4 =	simm.s32 $0x0  }
0x5: {  	s13 =	simm.s32 $0x2;
	s14 =	simm.s32 $0x2800;
	s15 =	simm.s32 $0x80  }
0x6: {  	s16 =	simm.s32 $0x5000;
	s17 =	simm.s32 $0x1;
	s21 =	simm.s32 $0x0  }
0x7: {  	s6 =	sand.u32 $0x1, s0;
	s0 =	rddreg [dreg:$0x4];
	s9 =	smul.u32 $0x280, s1  }
0x8: {  	[smem:$0x7FF] =	sst s4;
	s18 =	sshll.u32 s1, $0x6;
	s8 =	sshll.u32 s6, $0x4  }
0x9: {  	s10 =	smul.u32 $0x5000, s6;
	s6 =	ssub.s32 $0x2, s6;
	_ =	strace $0x80000047  }
0xa: {  	s18 =	sor.u32 $0x1C02, s18;
	s8 =	sor.u32 s1, s8;
	s11 =	sshrl.u32 s6, $0x1  }
0xb: {  	s8 =	smul.u32 $0x500, s8;
	s10 =	sadd.s32 s9, s10;
	s11 =	ssub.s32 s6, s11  }
0xc: {  	s6 =	sadd.s32 s9, s3;
	s31 =	sshrl.u32 s10, $0x3;
	s11 =	smax.u32 s11, $0x1  }
0xd: {  	s20 =	sshrl.u32 s6, $0x3;
	s12 =	sadd.s32 s8, s5;
	s5 =	sadd.s32 s9, s2  }
0xe: {  	s7 =	sadd.s32 s7, s31;
	s8 =	sadd.s32 $0xC400, s12;
	s9 =	sadd.s32 $0x2400, s12  }
0xf: {  	v0 =	vimm.f32 $1.000000000e+00;
	v1 =	vimm.f32 $0.0e+00;
	s10 =	sadd.s32 $0x500, s7;
	s12 =	simm.s32 $0x5080;
	s19 =	sshrl.u32 s5, $0x3  }
.LBB2_1:
0x10: {  	[tilespmem:$0x5000] =	vst v0  }
0x11: {  	[tilespmem:$0x5010] =	vst v0  }
0x12: {  	[tilespmem:$0x5020] =	vst v0  }
0x13: {  	[tilespmem:$0x5030] =	vst v0  }
0x14: {  	[tilespmem:$0x5040] =	vst v0  }
0x15: {  	[tilespmem:$0x5050] =	vst v0  }
0x16: {  	[tilespmem:$0x5060] =	vst v0  }
0x17: {  	[tilespmem:$0x5070] =	vst v0  }
0x18: {  	[tilespmem:$0x5080] =	vst v1  }
0x19: {  	[tilespmem:$0x5090] =	vst v1  }
0x1a: {  	[tilespmem:$0x50A0] =	vst v1  }
0x1b: {  	[tilespmem:$0x50B0] =	vst v1  }
0x1c: {  	[tilespmem:$0x50C0] =	vst v1  }
0x1d: {  	[tilespmem:$0x50D0] =	vst v1  }
0x1e: {  	[tilespmem:$0x50E0] =	vst v1  }
0x1f: {  	[tilespmem:$0x50F0] =	vst v1  }
0x20: {  	[tilespmem:$0x5100] =	vst v1  }
0x21: {  	[tilespmem:$0x5110] =	vst v1  }
0x22: {  	[tilespmem:$0x5120] =	vst v1  }
0x23: {  	[tilespmem:$0x5130] =	vst v1  }
0x24: {  	[tilespmem:$0x5140] =	vst v1  }
0x25: {  	[tilespmem:$0x5150] =	vst v1  }
0x26: {  	[tilespmem:$0x5160] =	vst v1  }
0x27: {  	[tilespmem:$0x5170] =	vst v1  }
0x28: {  	[tilespmem:$0x5180] =	vst v1  }
0x29: {  	[tilespmem:$0x5190] =	vst v1  }
0x2a: {  	[tilespmem:$0x51A0] =	vst v1  }
0x2b: {  	[tilespmem:$0x51B0] =	vst v1  }
0x2c: {  	[tilespmem:$0x51C0] =	vst v1  }
0x2d: {  	[tilespmem:$0x51D0] =	vst v1  }
0x2e: {  	[tilespmem:$0x51E0] =	vst v1  }
0x2f: {  	[tilespmem:$0x51F0] =	vst v1  }
0x30: {  	[tilespmem:$0x5200] =	vst v1  }
0x31: {  	[tilespmem:$0x5210] =	vst v1  }
0x32: {  	[tilespmem:$0x5220] =	vst v1  }
0x33: {  	[tilespmem:$0x5230] =	vst v1  }
0x34: {  	[tilespmem:$0x5240] =	vst v1  }
0x35: {  	[tilespmem:$0x5250] =	vst v1  }
0x36: {  	[tilespmem:$0x5260] =	vst v1  }
0x37: {  	[tilespmem:$0x5270] =	vst v1  }
0x38: {  	[tilespmem:$0x5280] =	vst v1  }
0x39: {  	[tilespmem:$0x5290] =	vst v1  }
0x3a: {  	[tilespmem:$0x52A0] =	vst v1  }
0x3b: {  	[tilespmem:$0x52B0] =	vst v1  }
0x3c: {  	[tilespmem:$0x52C0] =	vst v1  }
0x3d: {  	[tilespmem:$0x52D0] =	vst v1  }
0x3e: {  	[tilespmem:$0x52E0] =	vst v1  }
0x3f: {  	[tilespmem:$0x52F0] =	vst v1  }
0x40: {  	[spmem:s5] =	stream.linear.scatter [tilespmem:s12], [sflag:$0x2], $0x280, $0x38;
	[tilespmem:$0x5800] =	vst v63  }
0x41: {  	_ =	swait.ge [sflag:s13], $0x280  }
0x42: {  	[sflag:s13] =	ssyncset.done $0x0  }
0x43: {  	[sflag:s13] =	ssyncadd.s32 $0xFFFFFD80  }
0x44: {  	[spmem:s6] =	stream.linear.scatter [tilespmem:s12], [sflag:$0x2], $0x280, $0x38;
	[tilespmem:$0x5800] =	vst v63  }
0x45: {  	_ =	swait.ge [sflag:s13], $0x280  }
0x46: {  	[sflag:s13] =	ssyncset.done $0x0  }
0x47: {  	[sflag:s13] =	ssyncadd.s32 $0xFFFFFD80  }
0x48: {  	[tilespmem:s4], [sflag:$0x2] =	stream.linear.gather [hbm4b:s8+s4], $0x2800, $0x38;
	[tilespmem:$0x5800] =	vst v63  }
0x49: {  	_ =	swait.ge [sflag:s13], $0x2800  }
0x4a: {  	[sflag:s13] =	ssyncset.done $0x0  }
0x4b: {  	[sflag:s13] =	ssyncadd.s32 $0xFFFFD800  }
0x4c: {  	[tilespmem:s14], [sflag:$0x2] =	stream.linear.gather [hbm4b:s9+s4], $0x2800, $0x38;
	[tilespmem:$0x5800] =	vst v63  }
0x4d: {  	_ =	swait.ge [sflag:s13], $0x2800  }
0x4e: {  	[sflag:s13] =	ssyncset.done $0x0  }
0x4f: {  	[sflag:s13] =	ssyncadd.s32 $0xFFFFD800  }
0x50: {  	s22 =	simm.s32 $0x0;
	[bflag:$0x0] =	sbarrier.arrive $0xFFFF  }
0x51: {  	[spmem:s2] =	stream.indirect.scatter.add.f32 [tilespmem:s16], [sflag:$0x1], $0x1, s22, s15, $0xb8;
	[tilespmem:$0x5800] =	vst v63  }
0x52: {  	s24 =	simm.s32 $0x2800  }
0x53: {  	[spmem:s3] =	stream.indirect.scatter.add.f32 [tilespmem:s16], [sflag:$0x1], $0x1, s24, s15, $0xb8;
	[tilespmem:$0x5800] =	vst v63  }
0x54: {  	s25 =	simm.s32 $0x80  }
0x55: {  	[spmem:s2] =	stream.indirect.scatter.add.f32 [tilespmem:s16], [sflag:$0x1], $0x1, s25, s15, $0xb8;
	[tilespmem:$0x5800] =	vst v63  }
0x56: {  	s26 =	simm.s32 $0x2880  }
0x57: {  	[spmem:s3] =	stream.indirect.scatter.add.f32 [tilespmem:s16], [sflag:$0x1], $0x1, s26, s15, $0xb8;
	[tilespmem:$0x5800] =	vst v63  }
0x58: {  	s28 =	simm.s32 $0x100  }
0x59: {  	[spmem:s2] =	stream.indirect.scatter.add.f32 [tilespmem:s16], [sflag:$0x1], $0x1, s28, s15, $0xb8;
	[tilespmem:$0x5800] =	vst v63  }
0x5a: {  	s29 =	simm.s32 $0x2900  }
0x5b: {  	[spmem:s3] =	stream.indirect.scatter.add.f32 [tilespmem:s16], [sflag:$0x1], $0x1, s29, s15, $0xb8;
	[tilespmem:$0x5800] =	vst v63  }
0x5c: {  	s30 =	simm.s32 $0x180  }
0x5d: {  	[spmem:s2] =	stream.indirect.scatter.add.f32 [tilespmem:s16], [sflag:$0x1], $0x1, s30, s15, $0xb8;
	[tilespmem:$0x5800] =	vst v63  }
0x5e: {  	s31 =	simm.s32 $0x2980  }
0x5f: {  	[spmem:s3] =	stream.indirect.scatter.add.f32 [tilespmem:s16], [sflag:$0x1], $0x1, s31, s15, $0xb8;
	[tilespmem:$0x5800] =	vst v63  }
0x60: {  	s23 =	simm.s32 $0x200  }
0x61: {  	[spmem:s2] =	stream.indirect.scatter.add.f32 [tilespmem:s16], [sflag:$0x1], $0x1, s23, s15, $0xb8;
	[tilespmem:$0x5800] =	vst v63  }
0x62: {  	s24 =	simm.s32 $0x2A00  }
0x63: {  	[spmem:s3] =	stream.indirect.scatter.add.f32 [tilespmem:s16], [sflag:$0x1], $0x1, s24, s15, $0xb8;
	[tilespmem:$0x5800] =	vst v63  }
0x64: {  	s25 =	simm.s32 $0x280  }
0x65: {  	[spmem:s2] =	stream.indirect.scatter.add.f32 [tilespmem:s16], [sflag:$0x1], $0x1, s25, s15, $0xb8;
	[tilespmem:$0x5800] =	vst v63  }
0x66: {  	s26 =	simm.s32 $0x2A80  }
0x67: {  	[spmem:s3] =	stream.indirect.scatter.add.f32 [tilespmem:s16], [sflag:$0x1], $0x1, s26, s15, $0xb8;
	[tilespmem:$0x5800] =	vst v63  }
0x68: {  	s28 =	simm.s32 $0x300  }
0x69: {  	[spmem:s2] =	stream.indirect.scatter.add.f32 [tilespmem:s16], [sflag:$0x1], $0x1, s28, s15, $0xb8;
	[tilespmem:$0x5800] =	vst v63  }
0x6a: {  	s29 =	simm.s32 $0x2B00  }
0x6b: {  	[spmem:s3] =	stream.indirect.scatter.add.f32 [tilespmem:s16], [sflag:$0x1], $0x1, s29, s15, $0xb8;
	[tilespmem:$0x5800] =	vst v63  }
0x6c: {  	s30 =	simm.s32 $0x380  }
0x6d: {  	[spmem:s2] =	stream.indirect.scatter.add.f32 [tilespmem:s16], [sflag:$0x1], $0x1, s30, s15, $0xb8;
	[tilespmem:$0x5800] =	vst v63  }
0x6e: {  	s31 =	simm.s32 $0x2B80  }
0x6f: {  	[spmem:s3] =	stream.indirect.scatter.add.f32 [tilespmem:s16], [sflag:$0x1], $0x1, s31, s15, $0xb8;
	[tilespmem:$0x5800] =	vst v63  }
0x70: {  	_ =	swait.ge [sflag:s17], $0x80  }
0x71: {  	[sflag:s17] =	ssyncset.done $0x0  }
0x72: {  	[sflag:s17] =	ssyncadd.s32 $0xFFFFFF80  }
0x73: {  	_ =	swait.ge [sflag:s17], $0x80  }
0x74: {  	[sflag:s17] =	ssyncset.done $0x0  }
0x75: {  	[sflag:s17] =	ssyncadd.s32 $0xFFFFFF80  }
0x76: {  	_ =	swait.ge [sflag:s17], $0x80  }
0x77: {  	[sflag:s17] =	ssyncset.done $0x0  }
0x78: {  	[sflag:s17] =	ssyncadd.s32 $0xFFFFFF80  }
0x79: {  	_ =	swait.ge [sflag:s17], $0x80  }
0x7a: {  	[sflag:s17] =	ssyncset.done $0x0  }
0x7b: {  	[sflag:s17] =	ssyncadd.s32 $0xFFFFFF80  }
0x7c: {  	_ =	swait.ge [sflag:s17], $0x80  }
0x7d: {  	[sflag:s17] =	ssyncset.done $0x0  }
0x7e: {  	[sflag:s17] =	ssyncadd.s32 $0xFFFFFF80  }
0x7f: {  	_ =	swait.ge [sflag:s17], $0x80  }
0x80: {  	[sflag:s17] =	ssyncset.done $0x0  }
0x81: {  	[sflag:s17] =	ssyncadd.s32 $0xFFFFFF80  }
0x82: {  	_ =	swait.ge [sflag:s17], $0x80  }
0x83: {  	[sflag:s17] =	ssyncset.done $0x0  }
0x84: {  	[sflag:s17] =	ssyncadd.s32 $0xFFFFFF80  }
0x85: {  	_ =	swait.ge [sflag:s17], $0x80  }
0x86: {  	[sflag:s17] =	ssyncset.done $0x0  }
0x87: {  	[sflag:s17] =	ssyncadd.s32 $0xFFFFFF80  }
0x88: {  	_ =	swait.ge [sflag:s17], $0x80  }
0x89: {  	[sflag:s17] =	ssyncset.done $0x0  }
0x8a: {  	[sflag:s17] =	ssyncadd.s32 $0xFFFFFF80  }
0x8b: {  	_ =	swait.ge [sflag:s17], $0x80  }
0x8c: {  	[sflag:s17] =	ssyncset.done $0x0  }
0x8d: {  	[sflag:s17] =	ssyncadd.s32 $0xFFFFFF80  }
0x8e: {  	_ =	swait.ge [sflag:s17], $0x80  }
0x8f: {  	[sflag:s17] =	ssyncset.done $0x0  }
0x90: {  	[sflag:s17] =	ssyncadd.s32 $0xFFFFFF80  }
0x91: {  	_ =	swait.ge [sflag:s17], $0x80  }
0x92: {  	[sflag:s17] =	ssyncset.done $0x0  }
0x93: {  	[sflag:s17] =	ssyncadd.s32 $0xFFFFFF80  }
0x94: {  	_ =	swait.ge [sflag:s17], $0x80  }
0x95: {  	[sflag:s17] =	ssyncset.done $0x0  }
0x96: {  	[sflag:s17] =	ssyncadd.s32 $0xFFFFFF80  }
0x97: {  	_ =	swait.ge [sflag:s17], $0x80  }
0x98: {  	[sflag:s17] =	ssyncset.done $0x0  }
0x99: {  	[sflag:s17] =	ssyncadd.s32 $0xFFFFFF80  }
0x9a: {  	_ =	swait.ge [sflag:s17], $0x80  }
0x9b: {  	[sflag:s17] =	ssyncset.done $0x0  }
0x9c: {  	[sflag:s17] =	ssyncadd.s32 $0xFFFFFF80  }
0x9d: {  	_ =	swait.ge [sflag:s17], $0x80  }
0x9e: {  	s22 =	simm.s32 $0x1000;
	s25 =	simm.s32 $0x2000;
	[sflag:s17] =	ssyncset.done $0x0  }
.LBB2_2:
0x9f: {  	s24 =	sshra.s32 s22, $0x2  }
0xa0: {  	[sflag:s17] =	ssyncadd.s32 $0xFFFFFF80;
	s22 =	smov.u32 s25;
	s23 =	sadd.s32 $0x1000, s25  }
0xa1: {  	[spmem:s2] =	stream.indirect.scatter.add.f32 [tilespmem:s16], [sflag:$0x1], $0x1, s24, s15, $0xb8;
	[tilespmem:$0x5800] =	vst v63  }
0xa2: {  	p0 =	sne.s32 s25, $0x9000;
	s25 =	sadd.s32 $0x2800, s24  }
0xa3: {  	[spmem:s3] =	stream.indirect.scatter.add.f32 [tilespmem:s16], [sflag:$0x1], $0x1, s25, s15, $0xb8;
	[tilespmem:$0x5800] =	vst v63  }
0xa4: {  	s25 =	sadd.s32 $0x80, s24  }
0xa5: {  	[spmem:s2] =	stream.indirect.scatter.add.f32 [tilespmem:s16], [sflag:$0x1], $0x1, s25, s15, $0xb8;
	[tilespmem:$0x5800] =	vst v63  }
0xa6: {  	s25 =	sadd.s32 $0x2880, s24  }
0xa7: {  	[spmem:s3] =	stream.indirect.scatter.add.f32 [tilespmem:s16], [sflag:$0x1], $0x1, s25, s15, $0xb8;
	[tilespmem:$0x5800] =	vst v63  }
0xa8: {  	s25 =	sadd.s32 $0x100, s24  }
0xa9: {  	[spmem:s2] =	stream.indirect.scatter.add.f32 [tilespmem:s16], [sflag:$0x1], $0x1, s25, s15, $0xb8;
	[tilespmem:$0x5800] =	vst v63  }
0xaa: {  	s25 =	sadd.s32 $0x2900, s24  }
0xab: {  	[spmem:s3] =	stream.indirect.scatter.add.f32 [tilespmem:s16], [sflag:$0x1], $0x1, s25, s15, $0xb8;
	[tilespmem:$0x5800] =	vst v63  }
0xac: {  	s25 =	sadd.s32 $0x180, s24  }
0xad: {  	[spmem:s2] =	stream.indirect.scatter.add.f32 [tilespmem:s16], [sflag:$0x1], $0x1, s25, s15, $0xb8;
	[tilespmem:$0x5800] =	vst v63  }
0xae: {  	s25 =	sadd.s32 $0x2980, s24  }
0xaf: {  	[spmem:s3] =	stream.indirect.scatter.add.f32 [tilespmem:s16], [sflag:$0x1], $0x1, s25, s15, $0xb8;
	[tilespmem:$0x5800] =	vst v63  }
0xb0: {  	s25 =	sadd.s32 $0x200, s24  }
0xb1: {  	[spmem:s2] =	stream.indirect.scatter.add.f32 [tilespmem:s16], [sflag:$0x1], $0x1, s25, s15, $0xb8;
	[tilespmem:$0x5800] =	vst v63  }
0xb2: {  	s25 =	sadd.s32 $0x2A00, s24  }
0xb3: {  	[spmem:s3] =	stream.indirect.scatter.add.f32 [tilespmem:s16], [sflag:$0x1], $0x1, s25, s15, $0xb8;
	[tilespmem:$0x5800] =	vst v63  }
0xb4: {  	s25 =	sadd.s32 $0x280, s24  }
0xb5: {  	[spmem:s2] =	stream.indirect.scatter.add.f32 [tilespmem:s16], [sflag:$0x1], $0x1, s25, s15, $0xb8;
	[tilespmem:$0x5800] =	vst v63  }
0xb6: {  	s25 =	sadd.s32 $0x2A80, s24  }
0xb7: {  	[spmem:s3] =	stream.indirect.scatter.add.f32 [tilespmem:s16], [sflag:$0x1], $0x1, s25, s15, $0xb8;
	[tilespmem:$0x5800] =	vst v63  }
0xb8: {  	s25 =	sadd.s32 $0x300, s24  }
0xb9: {  	[spmem:s2] =	stream.indirect.scatter.add.f32 [tilespmem:s16], [sflag:$0x1], $0x1, s25, s15, $0xb8;
	[tilespmem:$0x5800] =	vst v63  }
0xba: {  	s25 =	sadd.s32 $0x2B00, s24  }
0xbb: {  	[spmem:s3] =	stream.indirect.scatter.add.f32 [tilespmem:s16], [sflag:$0x1], $0x1, s25, s15, $0xb8;
	[tilespmem:$0x5800] =	vst v63  }
0xbc: {  	s25 =	sadd.s32 $0x380, s24  }
0xbd: {  	[spmem:s2] =	stream.indirect.scatter.add.f32 [tilespmem:s16], [sflag:$0x1], $0x1, s25, s15, $0xb8;
	[tilespmem:$0x5800] =	vst v63  }
0xbe: {  	s24 =	sadd.s32 $0x2B80, s24  }
0xbf: {  	[spmem:s3] =	stream.indirect.scatter.add.f32 [tilespmem:s16], [sflag:$0x1], $0x1, s24, s15, $0xb8;
	[tilespmem:$0x5800] =	vst v63  }
0xc0: {  	_ =	swait.ge [sflag:s17], $0x80  }
0xc1: {  	[sflag:s17] =	ssyncset.done $0x0  }
0xc2: {  	[sflag:s17] =	ssyncadd.s32 $0xFFFFFF80  }
0xc3: {  	_ =	swait.ge [sflag:s17], $0x80  }
0xc4: {  	[sflag:s17] =	ssyncset.done $0x0  }
0xc5: {  	[sflag:s17] =	ssyncadd.s32 $0xFFFFFF80  }
0xc6: {  	_ =	swait.ge [sflag:s17], $0x80  }
0xc7: {  	[sflag:s17] =	ssyncset.done $0x0  }
0xc8: {  	[sflag:s17] =	ssyncadd.s32 $0xFFFFFF80  }
0xc9: {  	_ =	swait.ge [sflag:s17], $0x80  }
0xca: {  	[sflag:s17] =	ssyncset.done $0x0  }
0xcb: {  	[sflag:s17] =	ssyncadd.s32 $0xFFFFFF80  }
0xcc: {  	_ =	swait.ge [sflag:s17], $0x80  }
0xcd: {  	[sflag:s17] =	ssyncset.done $0x0  }
0xce: {  	[sflag:s17] =	ssyncadd.s32 $0xFFFFFF80  }
0xcf: {  	_ =	swait.ge [sflag:s17], $0x80  }
0xd0: {  	[sflag:s17] =	ssyncset.done $0x0  }
0xd1: {  	[sflag:s17] =	ssyncadd.s32 $0xFFFFFF80  }
0xd2: {  	_ =	swait.ge [sflag:s17], $0x80  }
0xd3: {  	[sflag:s17] =	ssyncset.done $0x0  }
0xd4: {  	[sflag:s17] =	ssyncadd.s32 $0xFFFFFF80  }
0xd5: {  	_ =	swait.ge [sflag:s17], $0x80  }
0xd6: {  	[sflag:s17] =	ssyncset.done $0x0  }
0xd7: {  	[sflag:s17] =	ssyncadd.s32 $0xFFFFFF80  }
0xd8: {  	_ =	swait.ge [sflag:s17], $0x80  }
0xd9: {  	[sflag:s17] =	ssyncset.done $0x0  }
0xda: {  	[sflag:s17] =	ssyncadd.s32 $0xFFFFFF80  }
0xdb: {  	_ =	swait.ge [sflag:s17], $0x80  }
0xdc: {  	[sflag:s17] =	ssyncset.done $0x0  }
0xdd: {  	[sflag:s17] =	ssyncadd.s32 $0xFFFFFF80  }
0xde: {  	_ =	swait.ge [sflag:s17], $0x80  }
0xdf: {  	[sflag:s17] =	ssyncset.done $0x0  }
0xe0: {  	[sflag:s17] =	ssyncadd.s32 $0xFFFFFF80  }
0xe1: {  	_ =	swait.ge [sflag:s17], $0x80  }
0xe2: {  	[sflag:s17] =	ssyncset.done $0x0  }
0xe3: {  	[sflag:s17] =	ssyncadd.s32 $0xFFFFFF80  }
0xe4: {  	_ =	swait.ge [sflag:s17], $0x80  }
0xe5: {  	[sflag:s17] =	ssyncset.done $0x0  }
0xe6: {  	[sflag:s17] =	ssyncadd.s32 $0xFFFFFF80  }
0xe7: {  	_ =	swait.ge [sflag:s17], $0x80  }
0xe8: {  	[sflag:s17] =	ssyncset.done $0x0  }
0xe9: {  	[sflag:s17] =	ssyncadd.s32 $0xFFFFFF80  }
.Ltmp0:
0xea: {  	_ =	swait.ge [sflag:s17], $0x80;
	(pc) =	sbr.rel @p0 .LBB2_2-.Ltmp0, $4  }
0xeb: {  	[sflag:s17] =	ssyncset.done $0x0  }
0xec: {  	[sflag:s17] =	ssyncadd.s32 $0xFFFFFF80  }
0xed: {  	_ =	swait.ge [sflag:s17], $0x80  }
0xee: {  	s25 =	smov.u32 s23;
	[sflag:s17] =	ssyncset.done $0x0  }
0xef: {  	s22 =	sshra.s32 s22, $0x2;
	[sflag:s17] =	ssyncadd.s32 $0xFFFFFF80  }
0xf0: {  	[spmem:s2] =	stream.indirect.scatter.add.f32 [tilespmem:s16], [sflag:$0x1], $0x1, s22, s15, $0xb8;
	[tilespmem:$0x5800] =	vst v63  }
0xf1: {  	s23 =	sadd.s32 $0x2800, s22  }
0xf2: {  	[spmem:s3] =	stream.indirect.scatter.add.f32 [tilespmem:s16], [sflag:$0x1], $0x1, s23, s15, $0xb8;
	[tilespmem:$0x5800] =	vst v63  }
0xf3: {  	s25 =	sadd.s32 $0x80, s22  }
0xf4: {  	[spmem:s2] =	stream.indirect.scatter.add.f32 [tilespmem:s16], [sflag:$0x1], $0x1, s25, s15, $0xb8;
	[tilespmem:$0x5800] =	vst v63  }
0xf5: {  	s26 =	sadd.s32 $0x2880, s22  }
0xf6: {  	[spmem:s3] =	stream.indirect.scatter.add.f32 [tilespmem:s16], [sflag:$0x1], $0x1, s26, s15, $0xb8;
	[tilespmem:$0x5800] =	vst v63  }
0xf7: {  	s28 =	sadd.s32 $0x100, s22  }
0xf8: {  	[spmem:s2] =	stream.indirect.scatter.add.f32 [tilespmem:s16], [sflag:$0x1], $0x1, s28, s15, $0xb8;
	[tilespmem:$0x5800] =	vst v63  }
0xf9: {  	s29 =	sadd.s32 $0x2900, s22  }
0xfa: {  	[spmem:s3] =	stream.indirect.scatter.add.f32 [tilespmem:s16], [sflag:$0x1], $0x1, s29, s15, $0xb8;
	[tilespmem:$0x5800] =	vst v63  }
0xfb: {  	s30 =	sadd.s32 $0x180, s22  }
0xfc: {  	[spmem:s2] =	stream.indirect.scatter.add.f32 [tilespmem:s16], [sflag:$0x1], $0x1, s30, s15, $0xb8;
	[tilespmem:$0x5800] =	vst v63  }
0xfd: {  	s31 =	sadd.s32 $0x2980, s22  }
0xfe: {  	[spmem:s3] =	stream.indirect.scatter.add.f32 [tilespmem:s16], [sflag:$0x1], $0x1, s31, s15, $0xb8;
	[tilespmem:$0x5800] =	vst v63  }
0xff: {  	s24 =	sadd.s32 $0x200, s22  }
0x100: {  	[spmem:s2] =	stream.indirect.scatter.add.f32 [tilespmem:s16], [sflag:$0x1], $0x1, s24, s15, $0xb8;
	[tilespmem:$0x5800] =	vst v63  }
0x101: {  	s25 =	sadd.s32 $0x2A00, s22  }
0x102: {  	[spmem:s3] =	stream.indirect.scatter.add.f32 [tilespmem:s16], [sflag:$0x1], $0x1, s25, s15, $0xb8;
	[tilespmem:$0x5800] =	vst v63  }
0x103: {  	s26 =	sadd.s32 $0x280, s22  }
0x104: {  	[spmem:s2] =	stream.indirect.scatter.add.f32 [tilespmem:s16], [sflag:$0x1], $0x1, s26, s15, $0xb8;
	[tilespmem:$0x5800] =	vst v63  }
0x105: {  	s28 =	sadd.s32 $0x2A80, s22  }
0x106: {  	[spmem:s3] =	stream.indirect.scatter.add.f32 [tilespmem:s16], [sflag:$0x1], $0x1, s28, s15, $0xb8;
	[tilespmem:$0x5800] =	vst v63  }
0x107: {  	s29 =	sadd.s32 $0x300, s22  }
0x108: {  	[spmem:s2] =	stream.indirect.scatter.add.f32 [tilespmem:s16], [sflag:$0x1], $0x1, s29, s15, $0xb8;
	[tilespmem:$0x5800] =	vst v63  }
0x109: {  	s30 =	sadd.s32 $0x2B00, s22  }
0x10a: {  	[spmem:s3] =	stream.indirect.scatter.add.f32 [tilespmem:s16], [sflag:$0x1], $0x1, s30, s15, $0xb8;
	[tilespmem:$0x5800] =	vst v63  }
0x10b: {  	s31 =	sadd.s32 $0x380, s22  }
0x10c: {  	[spmem:s2] =	stream.indirect.scatter.add.f32 [tilespmem:s16], [sflag:$0x1], $0x1, s31, s15, $0xb8;
	[tilespmem:$0x5800] =	vst v63  }
0x10d: {  	s22 =	sadd.s32 $0x2B80, s22  }
0x10e: {  	[spmem:s3] =	stream.indirect.scatter.add.f32 [tilespmem:s16], [sflag:$0x1], $0x1, s22, s15, $0xb8;
	[tilespmem:$0x5800] =	vst v63  }
0x10f: {  	_ =	swait.ge [sflag:s17], $0x80  }
0x110: {  	[sflag:s17] =	ssyncset.done $0x0  }
0x111: {  	[sflag:s17] =	ssyncadd.s32 $0xFFFFFF80  }
0x112: {  	_ =	swait.ge [sflag:s17], $0x80  }
0x113: {  	[sflag:s17] =	ssyncset.done $0x0  }
0x114: {  	[sflag:s17] =	ssyncadd.s32 $0xFFFFFF80  }
0x115: {  	_ =	swait.ge [sflag:s17], $0x80  }
0x116: {  	[sflag:s17] =	ssyncset.done $0x0  }
0x117: {  	[sflag:s17] =	ssyncadd.s32 $0xFFFFFF80  }
0x118: {  	_ =	swait.ge [sflag:s17], $0x80  }
0x119: {  	[sflag:s17] =	ssyncset.done $0x0  }
0x11a: {  	[sflag:s17] =	ssyncadd.s32 $0xFFFFFF80  }
0x11b: {  	_ =	swait.ge [sflag:s17], $0x80  }
0x11c: {  	[sflag:s17] =	ssyncset.done $0x0  }
0x11d: {  	[sflag:s17] =	ssyncadd.s32 $0xFFFFFF80  }
0x11e: {  	_ =	swait.ge [sflag:s17], $0x80  }
0x11f: {  	[sflag:s17] =	ssyncset.done $0x0  }
0x120: {  	[sflag:s17] =	ssyncadd.s32 $0xFFFFFF80  }
0x121: {  	_ =	swait.ge [sflag:s17], $0x80  }
0x122: {  	[sflag:s17] =	ssyncset.done $0x0  }
0x123: {  	[sflag:s17] =	ssyncadd.s32 $0xFFFFFF80  }
0x124: {  	_ =	swait.ge [sflag:s17], $0x80  }
0x125: {  	[sflag:s17] =	ssyncset.done $0x0  }
0x126: {  	[sflag:s17] =	ssyncadd.s32 $0xFFFFFF80  }
0x127: {  	_ =	swait.ge [sflag:s17], $0x80  }
0x128: {  	[sflag:s17] =	ssyncset.done $0x0  }
0x129: {  	[sflag:s17] =	ssyncadd.s32 $0xFFFFFF80  }
0x12a: {  	_ =	swait.ge [sflag:s17], $0x80  }
0x12b: {  	[sflag:s17] =	ssyncset.done $0x0  }
0x12c: {  	[sflag:s17] =	ssyncadd.s32 $0xFFFFFF80  }
0x12d: {  	_ =	swait.ge [sflag:s17], $0x80  }
0x12e: {  	[sflag:s17] =	ssyncset.done $0x0  }
0x12f: {  	[sflag:s17] =	ssyncadd.s32 $0xFFFFFF80  }
0x130: {  	_ =	swait.ge [sflag:s17], $0x80  }
0x131: {  	[sflag:s17] =	ssyncset.done $0x0  }
0x132: {  	[sflag:s17] =	ssyncadd.s32 $0xFFFFFF80  }
0x133: {  	_ =	swait.ge [sflag:s17], $0x80  }
0x134: {  	[sflag:s17] =	ssyncset.done $0x0  }
0x135: {  	[sflag:s17] =	ssyncadd.s32 $0xFFFFFF80  }
0x136: {  	_ =	swait.ge [sflag:s17], $0x80  }
0x137: {  	[sflag:s17] =	ssyncset.done $0x0  }
0x138: {  	[sflag:s17] =	ssyncadd.s32 $0xFFFFFF80  }
0x139: {  	_ =	swait.ge [sflag:s17], $0x80  }
0x13a: {  	[sflag:s17] =	ssyncset.done $0x0  }
0x13b: {  	[sflag:s17] =	ssyncadd.s32 $0xFFFFFF80  }
0x13c: {  	_ =	swait.ge [sflag:s17], $0x80  }
0x13d: {  	[sflag:s17] =	ssyncset.done $0x0  }
0x13e: {  	[sflag:s17] =	ssyncadd.s32 $0xFFFFFF80  }
0x13f: {  	[bflag:$0x0] =	sbarrier.arrive $0xFFFF  }
0x140: {  	[hbm:s7], [sflag:s18] =	dma.local [spmem:s19], $0x50  }
0x141: {  	s21 =	sadd.s32 $0x1, s21;
	_ =	swait.ge [sflag:s13], $0x50  }
0x142: {  	p0 =	sne.s32 s21, s11;
	[sflag:s13] =	ssyncset.done $0x0  }
.Ltmp1:
0x143: {  	[sflag:s13] =	ssyncadd.s32 $0xFFFFFFB0;
	(pc) =	sbr.rel @p0 .LBB2_1-.Ltmp1, $4  }
0x144: {  	[hbm:s10], [sflag:s18] =	dma.local [spmem:s20], $0x50  }
0x145: {  	_ =	swait.ge [sflag:s13], $0x50  }
0x146: {  	[sflag:s13] =	ssyncset.done $0x0  }
0x147: {  	[sflag:s13] =	ssyncadd.s32 $0xFFFFFFB0  }
0x148: {  	_ =	sfence.sel $0x180000  }
0x149: {  	[bflag:$0x0] =	sbarrier.arrive $0xFFFF  }
0x14a: {  	p0 =	sne.s32 s1, $0x0;
	_ =	strace $0x90000047  }
0x14b: {  	s0 =	sadd.s32 @!p0 $0x100000, s0;
	[bflag:$0x2] =	sbarrier.arrive $0xFFFF  }
0x14c: {  	[sflag:s0] =	ssyncadd.tile.s32 @!p0 $0x1;
	_ =	shalt  }
.Lfunc_end2:
_tile_overlayer_lowered:
.L_overlay_start_2:
0x14d: {  	(tag) =	ssettag $0x2  }
0x14e: {  	s0 =	rddreg [dreg:$0x0];
	s2 =	stileid.u32  }
0x14f: {  	s1 =	rddreg [dreg:$0x1];
	p0 =	sne.s32 s2, $0x0  }
0x150: {  	s3 =	rddreg [dreg:$0x2];
	[bflag:$0x3] =	sbarrier.arrive $0xFFFF;
	s2 =	simm.s32 @!p0 $0x1C02  }
0x151: {  	[timem:s3], [sflag:s2] =	dma.local @!p0 [hbm:s0], s1  }
0x152: {  	s0 =	simm.s32 @!p0 $0x2  }
0x153: {  	_ =	swait.ge @!p0 [sflag:s0], s1  }
0x154: {  	s1 =	ssub.s32 @!p0 $0x0, s1;
	[sflag:s0] =	ssyncset.done @!p0 $0x0  }
0x155: {  	[sflag:s0] =	ssyncadd.s32 @!p0 s1  }
0x156: {  	[bflag:$0x3] =	sbarrier.arrive $0xFFFF  }
0x157: {  	_ =	shalt  }

</sc_bundles>
